<compile_context>
chip_gen: v7x
topology: tpu7x:2x2x1
jax: 0.10.2.dev20260603
libtpu: 0.0.44.dev20260713+nightly
codegen_flags: <defaults>
</compile_context>

<pallas_src>
import functools

import jax
import jax.numpy as jnp
from jax import lax
from jax.experimental import pallas as pl
from jax.experimental.pallas import tpu as pltpu
from jax.experimental.pallas import tpu_sc as plsc

_LANES = 16
_NWORKERS = 32


def _softplus(v):
    return jnp.maximum(v, 0.0) + jnp.log(1.0 + jnp.exp(-jnp.abs(v)))


def _pos_parts_body(fh_ref, fw_ref, ph_ref, pw_ref, W_ref, b_ref,
                    hpart_ref, wpart_ref):
    n = fh_ref.shape[1]
    H = hpart_ref.shape[0]
    W = wpart_ref.shape[0]

    fh = _softplus(fh_ref[...]) * 10.0
    fw = _softplus(fw_ref[...]) * 10.0

    h_pos = lax.broadcasted_iota(jnp.int32, (H, 1), 0).astype(jnp.float32) * (
        1.0 / H)
    w_pos = lax.broadcasted_iota(jnp.int32, (W, 1), 0).astype(jnp.float32) * (
        1.0 / W)
    h_ang = h_pos * fh + ph_ref[...]
    w_ang = w_pos * fw + pw_ref[...]
    h_enc = jnp.concatenate([jnp.sin(h_ang), jnp.cos(h_ang)], axis=1)
    w_enc = jnp.concatenate([jnp.sin(w_ang), jnp.cos(w_ang)], axis=1)

    Wm = W_ref[...]
    hpart_ref[...] = jnp.dot(h_enc, Wm[: 2 * n, :],
                             preferred_element_type=jnp.float32)
    wpart_ref[...] = (jnp.dot(w_enc, Wm[2 * n:, :],
                              preferred_element_type=jnp.float32)
                      + b_ref[...])


def _pos_parts(freq_h, freq_w, phase_h, phase_w, pos_W, pos_b, H, W):
    D = pos_W.shape[1]
    return pl.pallas_call(
        _pos_parts_body,
        out_shape=[
            jax.ShapeDtypeStruct((H, D), jnp.float32),
            jax.ShapeDtypeStruct((W, D), jnp.float32),
        ],
    )(freq_h.reshape(1, -1), freq_w.reshape(1, -1),
      phase_h.reshape(1, -1), phase_w.reshape(1, -1),
      pos_W, pos_b.reshape(1, -1))


def _rsqrt_vec(ms):
    i = lax.bitcast_convert_type(ms, jnp.int32)
    i = jnp.int32(0x5F3759DF) - lax.shift_right_logical(i, 1)
    y = lax.bitcast_convert_type(i, jnp.float32)
    half = ms * 0.5
    for _ in range(3):
        y = y * (1.5 - half * y * y)
    return y


def _make_sc_kernel(B, H, W, D, V):
    TPW = H // _NWORKERS
    NG = W // _LANES
    NPAIR = NG // 2
    ROW = W * D
    GRP = _LANES * D
    NJ = D // _LANES
    BW = B * W

    mesh = plsc.VectorSubcoreMesh(core_axis_name="c", subcore_axis_name="s")

    @functools.partial(
        pl.kernel,
        out_type=jax.ShapeDtypeStruct((B * H, ROW), jnp.float32),
        mesh=mesh,
        compiler_params=pltpu.CompilerParams(needs_layout_passes=False),
        scratch_types=[
            pltpu.VMEM((V * D,), jnp.float32),
            pltpu.VMEM((W * D,), jnp.float32),
            pltpu.VMEM((D,), jnp.float32),
            pltpu.VMEM((2 * BW,), jnp.float32),
            pltpu.VMEM((2 * D,), jnp.float32),
            pltpu.VMEM((B * GRP,), jnp.float32),
            pltpu.VMEM((B * GRP,), jnp.float32),
            pltpu.VMEM((B * _LANES,), jnp.int32),
            pltpu.SemaphoreType.DMA,
            pltpu.SemaphoreType.DMA,
            pltpu.SemaphoreType.DMA,
        ],
    )
    def sc_kernel(x_hbm, tab_hbm, w_hbm, h_hbm, rms_hbm, out_hbm,
                  tab_v, w_v, rms_v, x_v, h_v, tmp0, tmp1, ibuf,
                  sem0, sem1, semx):
        wid = lax.axis_index("s") * 2 + lax.axis_index("c")
        t0 = wid * TPW

        pltpu.sync_copy(tab_hbm, tab_v)
        pltpu.sync_copy(w_hbm, w_v)
        pltpu.sync_copy(rms_hbm, rms_v)
        pltpu.sync_copy(x_hbm.at[t0], x_v.at[pl.ds(0, BW)])
        pltpu.sync_copy(h_hbm.at[t0], h_v.at[pl.ds(0, D)])

        iota = lax.iota(jnp.int32, _LANES)
        rmsw = [rms_v[pl.ds(16 * j, _LANES)] for j in range(NJ)]

        def task_body(i, _):
            t = t0 + i
            pi = lax.rem(i, 2)

            @pl.when(i > 0)
            def _():
                pltpu.make_async_copy(
                    x_hbm.at[t], x_v.at[pl.ds(pi * BW, BW)], semx).wait()
                pltpu.make_async_copy(
                    h_hbm.at[t], h_v.at[pl.ds(pi * D, D)], semx).wait()

            @pl.when(i + 1 < TPW)
            def _():
                tn = t + 1
                po = (1 - pi)
                pltpu.async_copy(x_hbm.at[tn], x_v.at[pl.ds(po * BW, BW)],
                                 semx)
                pltpu.async_copy(h_hbm.at[tn], h_v.at[pl.ds(po * D, D)],
                                 semx)

            hrow = [h_v[pl.ds(pi * D + 16 * j, _LANES)] for j in range(NJ)]

            def pair_body(gp, _):
                for sub, (tmp, sem) in enumerate(((tmp0, sem0), (tmp1, sem1))):
                    g = gp * 2 + sub
                    gg = i * NG + g

                    @pl.when(gg >= 2)
                    def _():
                        for b in range(B):
                            pltpu.make_async_copy(
                                tmp.at[pl.ds(b * GRP, GRP)],
                                out_hbm.at[t, pl.ds(0, GRP)], sem).wait()

                    for b in range(B):
                        xg = x_v[pl.ds(pi * BW + b * W + g * _LANES, _LANES)]
                        iv = jnp.clip(xg * 255.0, 0.0,
                                      255.0).astype(jnp.int32)
                        ibuf[pl.ds(b * _LANES, _LANES)] = iv * D

                    @plsc.parallel_loop(0, B * _LANES, unroll=2)
                    def _(i2):
                        p = jnp.bitwise_and(i2, _LANES - 1)
                        base = i2 * D
                        wb = (g * _LANES + p) * D
                        tbv = plsc.load_gather(
                            ibuf, [jnp.broadcast_to(i2, (_LANES,))]) + iota
                        evs = [
                            plsc.load_gather(
                                tab_v.at[pl.ds(16 * j, V * D - 16 * j)],
                                [tbv])
                            for j in range(NJ)]
                        vals = [evs[j] + w_v[pl.ds(wb + 16 * j, _LANES)]
                                + hrow[j] for j in range(NJ)]
                        acc = None
                        for j in range(NJ):
                            sq = vals[j] * vals[j]
                            acc = sq if acc is None else acc + sq
                        ms = jnp.sum(acc) * (1.0 / D) + 1e-6
                        r = _rsqrt_vec(ms)
                        rv = jnp.broadcast_to(r, (_LANES,))
                        for j in range(NJ):
                            tmp[pl.ds(base + 16 * j, _LANES)] = (
                                vals[j] * (rv * rmsw[j]))

                    for b in range(B):
                        pltpu.async_copy(
                            tmp.at[pl.ds(b * GRP, GRP)],
                            out_hbm.at[b * H + t, pl.ds(g * GRP, GRP)], sem)

            lax.fori_loop(0, NPAIR, pair_body, None)

        lax.fori_loop(0, TPW, task_body, None)

        for b in range(B):
            pltpu.make_async_copy(tmp0.at[pl.ds(b * GRP, GRP)],
                                  out_hbm.at[0, pl.ds(0, GRP)], sem0).wait()
            pltpu.make_async_copy(tmp1.at[pl.ds(b * GRP, GRP)],
                                  out_hbm.at[0, pl.ds(0, GRP)], sem1).wait()

    return sc_kernel


def kernel(x, pixel_embed, freq_h, freq_w, phase_h, phase_w, pos_W, pos_b,
           rms_w):
    B, H, W = x.shape
    V, D = pixel_embed.shape

    h_part, w_part = _pos_parts(freq_h, freq_w, phase_h, phase_w,
                                pos_W, pos_b, H, W)

    sc = _make_sc_kernel(B, H, W, D, V)
    out = sc(x.transpose(1, 0, 2).reshape(H, B * W), pixel_embed.reshape(-1),
             w_part.reshape(-1), h_part, rms_w)
    return out.reshape(B, H * W, D)

# --- scband reference (transcript-rebuilt; emitter-appended) ---
"""Pipeline reference for scband-learned-sinusoidal2-dembed-24292335026334 (READ-ONLY COPY).

The authoritative reference and input builder live on the scoring server;
editing this copy changes nothing except your own understanding.
"""

import jax, jax.numpy as jnp
import numpy as np

B, H, W = 4, 384, 384
EMBED_DIM = 128
N_FREQ = 32
VOCAB = 256


def setup_inputs(seed: int = 0) -> dict:
    key = jax.random.key(seed)
    ks = jax.random.split(key, 6)
    x = jax.random.uniform(ks[0], (B, H, W), dtype=jnp.float32)
    pixel_embed = jax.random.normal(ks[1], (VOCAB, EMBED_DIM), dtype=jnp.float32)
    freq_h = jax.random.normal(ks[2], (N_FREQ,), dtype=jnp.float32) * 0.1
    freq_w = jax.random.normal(ks[3], (N_FREQ,), dtype=jnp.float32) * 0.1
    phase_h = jnp.zeros((N_FREQ,), dtype=jnp.float32)
    phase_w = jnp.zeros((N_FREQ,), dtype=jnp.float32)
    pos_W = jax.random.normal(ks[4], (N_FREQ * 4, EMBED_DIM), dtype=jnp.float32) * (1.0 / np.sqrt(N_FREQ * 4))
    pos_b = jnp.zeros((EMBED_DIM,), dtype=jnp.float32)
    rms_w = jnp.ones((EMBED_DIM,), dtype=jnp.float32)
    return {"x": x, "pixel_embed": pixel_embed, "freq_h": freq_h, "freq_w": freq_w,
            "phase_h": phase_h, "phase_w": phase_w, "pos_W": pos_W, "pos_b": pos_b,
            "rms_w": rms_w}


def reference(x, pixel_embed, freq_h, freq_w, phase_h, phase_w, pos_W, pos_b, rms_w):
    Bx, Hx, Wx = x.shape
    h_pos = jnp.arange(Hx, dtype=jnp.float32) / Hx
    w_pos = jnp.arange(Wx, dtype=jnp.float32) / Wx
    fh = jax.nn.softplus(freq_h) * 10.0
    fw = jax.nn.softplus(freq_w) * 10.0
    h_angles = h_pos[:, None] * fh + phase_h  # [H, n_freq]
    w_angles = w_pos[:, None] * fw + phase_w  # [W, n_freq]
    h_enc = jnp.concatenate([jnp.sin(h_angles), jnp.cos(h_angles)], axis=-1)  # [H, 2F]
    w_enc = jnp.concatenate([jnp.sin(w_angles), jnp.cos(w_angles)], axis=-1)  # [W, 2F]
    pos_enc = jnp.concatenate([
        jnp.broadcast_to(h_enc[:, None, :], (Hx, Wx, h_enc.shape[-1])),
        jnp.broadcast_to(w_enc[None, :, :], (Hx, Wx, w_enc.shape[-1])),
    ], axis=-1)  # [H, W, 4F]
    pos_embed = pos_enc @ pos_W + pos_b  # [H, W, D]
    x_int = jnp.clip(x * 255.0, 0.0, 255.0).astype(jnp.int32)
    x_flat = x_int.reshape(Bx, Hx * Wx)
    x_embed = jnp.take(pixel_embed, x_flat, axis=0)  # [B, H*W, D]
    x_embed = x_embed + pos_embed.reshape(1, Hx * Wx, -1)
    # RMSNorm
    ms = jnp.mean(x_embed * x_embed, axis=-1, keepdims=True)
    out = x_embed * jax.lax.rsqrt(ms + 1e-6) * rms_w
    return out

if __name__ == "__main__":
    import jax
    _d = setup_inputs()
    print(jax.jit(kernel)(*tuple(_d.values())))

</pallas_src>

<mosaic_0001>
#map = affine_map<(d0, d1) -> (0, 0)>
#map1 = affine_map<(d0, d1) -> (0)>
module attributes {stable_mosaic.version = 14 : i64} {
  func.func @sc_kernel(%arg0: i32, %arg1: i32, %arg2: memref<384x1536xf32, #tpu.memory_space<hbm>>, %arg3: memref<32768xf32, #tpu.memory_space<hbm>>, %arg4: memref<49152xf32, #tpu.memory_space<hbm>>, %arg5: memref<384x128xf32, #tpu.memory_space<hbm>>, %arg6: memref<128xf32, #tpu.memory_space<hbm>>, %arg7: memref<1536x49152xf32, #tpu.memory_space<hbm>>, %arg8: memref<32768xf32, #tpu.memory_space<vmem>>, %arg9: memref<49152xf32, #tpu.memory_space<vmem>>, %arg10: memref<128xf32, #tpu.memory_space<vmem>>, %arg11: memref<3072xf32, #tpu.memory_space<vmem>>, %arg12: memref<256xf32, #tpu.memory_space<vmem>>, %arg13: memref<8192xf32, #tpu.memory_space<vmem>>, %arg14: memref<8192xf32, #tpu.memory_space<vmem>>, %arg15: memref<64xi32, #tpu.memory_space<vmem>>, %arg16: memref<!tpu.dma_semaphore, #tpu.memory_space<semaphore_mem>>, %arg17: memref<!tpu.dma_semaphore, #tpu.memory_space<semaphore_mem>>, %arg18: memref<!tpu.dma_semaphore, #tpu.memory_space<semaphore_mem>>) attributes {dimension_semantics = [#tpu.dimension_semantics<core_parallel>, #tpu.dimension_semantics<subcore_parallel>], iteration_bounds = array<i64: 2, 16>, scalar_prefetch = 0 : i64, scratch_operands = 11 : i64, tpu.core_type = #tpu.core_type<sc_vector_subcore>, window_params = [{transform_indices = #map}, {transform_indices = #map1}, {transform_indices = #map1}, {transform_indices = #map}, {transform_indices = #map1}, {transform_indices = #map}]} {
    %mul3A = arith.constant 2 : i32
    %mul3A_0 = arith.muli %arg1, %mul3A : i32
    %add3A = arith.addi %mul3A_0, %arg0 : i32
    %mul3A_1 = arith.constant 12 : i32
    %mul3A_2 = arith.muli %add3A, %mul3A_1 : i32
    "tpu.region"() ({
      %run_scoped3A = tpu.sem_alloc : memref<!tpu.dma_semaphore, #tpu.memory_space<semaphore_mem>>
      tpu.enqueue_dma source(%arg3 : memref<32768xf32, #tpu.memory_space<hbm>>) target(%arg8 : memref<32768xf32, #tpu.memory_space<vmem>>) target_semaphore(%run_scoped3A : memref<!tpu.dma_semaphore, #tpu.memory_space<semaphore_mem>>)
      tpu.wait_dma2 semaphore(%run_scoped3A : memref<!tpu.dma_semaphore, #tpu.memory_space<semaphore_mem>>) src(%arg3 : memref<32768xf32, #tpu.memory_space<hbm>>) dst(%arg8 : memref<32768xf32, #tpu.memory_space<vmem>>)
      tpu.yield
    }) : () -> ()
    "tpu.region"() ({
      %run_scoped3A = tpu.sem_alloc : memref<!tpu.dma_semaphore, #tpu.memory_space<semaphore_mem>>
      tpu.enqueue_dma source(%arg4 : memref<49152xf32, #tpu.memory_space<hbm>>) target(%arg9 : memref<49152xf32, #tpu.memory_space<vmem>>) target_semaphore(%run_scoped3A : memref<!tpu.dma_semaphore, #tpu.memory_space<semaphore_mem>>)
      tpu.wait_dma2 semaphore(%run_scoped3A : memref<!tpu.dma_semaphore, #tpu.memory_space<semaphore_mem>>) src(%arg4 : memref<49152xf32, #tpu.memory_space<hbm>>) dst(%arg9 : memref<49152xf32, #tpu.memory_space<vmem>>)
      tpu.yield
    }) : () -> ()
    "tpu.region"() ({
      %run_scoped3A = tpu.sem_alloc : memref<!tpu.dma_semaphore, #tpu.memory_space<semaphore_mem>>
      tpu.enqueue_dma source(%arg6 : memref<128xf32, #tpu.memory_space<hbm>>) target(%arg10 : memref<128xf32, #tpu.memory_space<vmem>>) target_semaphore(%run_scoped3A : memref<!tpu.dma_semaphore, #tpu.memory_space<semaphore_mem>>)
      tpu.wait_dma2 semaphore(%run_scoped3A : memref<!tpu.dma_semaphore, #tpu.memory_space<semaphore_mem>>) src(%arg6 : memref<128xf32, #tpu.memory_space<hbm>>) dst(%arg10 : memref<128xf32, #tpu.memory_space<vmem>>)
      tpu.yield
    }) : () -> ()
    "tpu.region"() ({
      %run_scoped3A = tpu.sem_alloc : memref<!tpu.dma_semaphore, #tpu.memory_space<semaphore_mem>>
      %dma_start3A = arith.constant 0 : i32
      %dma_start3A_109 = tpu.memref_slice %arg11[%dma_start3A] : memref<3072xf32, #tpu.memory_space<vmem>> -> memref<1536xf32, #tpu.memory_space<vmem>>
      %dma_start3A_110 = arith.constant 0 : i32
      %dma_start3A_111 = tpu.memref_slice %arg2[%mul3A_2, %dma_start3A_110] : memref<384x1536xf32, #tpu.memory_space<hbm>> -> memref<1x1536xf32, #tpu.memory_space<hbm>>
      %dma_start3A_112 = tpu.memref_squeeze %dma_start3A_111 : memref<1x1536xf32, #tpu.memory_space<hbm>> -> memref<1536xf32, #tpu.memory_space<hbm>>
      %dma_start3A_113 = arith.constant 0 : i32
      %dma_start3A_114 = tpu.memref_slice %arg11[%dma_start3A_113] : memref<3072xf32, #tpu.memory_space<vmem>> -> memref<1536xf32, #tpu.memory_space<vmem>>
      %dma_start3A_115 = arith.constant 0 : i32
      %dma_start3A_116 = tpu.memref_slice %arg2[%mul3A_2, %dma_start3A_115] : memref<384x1536xf32, #tpu.memory_space<hbm>> -> memref<1x1536xf32, #tpu.memory_space<hbm>>
      %dma_start3A_117 = tpu.memref_squeeze %dma_start3A_116 : memref<1x1536xf32, #tpu.memory_space<hbm>> -> memref<1536xf32, #tpu.memory_space<hbm>>
      tpu.enqueue_dma source(%dma_start3A_117 : memref<1536xf32, #tpu.memory_space<hbm>>) target(%dma_start3A_114 : memref<1536xf32, #tpu.memory_space<vmem>>) target_semaphore(%run_scoped3A : memref<!tpu.dma_semaphore, #tpu.memory_space<semaphore_mem>>)
      %dma_wait3A_118 = arith.constant 0 : i32
      %dma_wait3A_119 = tpu.memref_slice %arg11[%dma_wait3A_118] : memref<3072xf32, #tpu.memory_space<vmem>> -> memref<1536xf32, #tpu.memory_space<vmem>>
      %dma_wait3A_120 = arith.constant 0 : i32
      %dma_wait3A_121 = tpu.memref_slice %arg2[%mul3A_2, %dma_wait3A_120] : memref<384x1536xf32, #tpu.memory_space<hbm>> -> memref<1x1536xf32, #tpu.memory_space<hbm>>
      %dma_wait3A_122 = tpu.memref_squeeze %dma_wait3A_121 : memref<1x1536xf32, #tpu.memory_space<hbm>> -> memref<1536xf32, #tpu.memory_space<hbm>>
      %dma_wait3A_123 = arith.constant 0 : i32
      %dma_wait3A_124 = tpu.memref_slice %arg11[%dma_wait3A_123] : memref<3072xf32, #tpu.memory_space<vmem>> -> memref<1536xf32, #tpu.memory_space<vmem>>
      %dma_wait3A_125 = arith.constant 0 : i32
      %dma_wait3A_126 = tpu.memref_slice %arg2[%mul3A_2, %dma_wait3A_125] : memref<384x1536xf32, #tpu.memory_space<hbm>> -> memref<1x1536xf32, #tpu.memory_space<hbm>>
      %dma_wait3A_127 = tpu.memref_squeeze %dma_wait3A_126 : memref<1x1536xf32, #tpu.memory_space<hbm>> -> memref<1536xf32, #tpu.memory_space<hbm>>
      tpu.wait_dma2 semaphore(%run_scoped3A : memref<!tpu.dma_semaphore, #tpu.memory_space<semaphore_mem>>) src(%dma_wait3A_127 : memref<1536xf32, #tpu.memory_space<hbm>>) dst(%dma_wait3A_124 : memref<1536xf32, #tpu.memory_space<vmem>>)
      tpu.yield
    }) : () -> ()
    "tpu.region"() ({
      %run_scoped3A = tpu.sem_alloc : memref<!tpu.dma_semaphore, #tpu.memory_space<semaphore_mem>>
      %dma_start3A = arith.constant 0 : i32
      %dma_start3A_109 = tpu.memref_slice %arg12[%dma_start3A] : memref<256xf32, #tpu.memory_space<vmem>> -> memref<128xf32, #tpu.memory_space<vmem>>
      %dma_start3A_110 = arith.constant 0 : i32
      %dma_start3A_111 = tpu.memref_slice %arg5[%mul3A_2, %dma_start3A_110] : memref<384x128xf32, #tpu.memory_space<hbm>> -> memref<1x128xf32, #tpu.memory_space<hbm>>
      %dma_start3A_112 = tpu.memref_squeeze %dma_start3A_111 : memref<1x128xf32, #tpu.memory_space<hbm>> -> memref<128xf32, #tpu.memory_space<hbm>>
      %dma_start3A_113 = arith.constant 0 : i32
      %dma_start3A_114 = tpu.memref_slice %arg12[%dma_start3A_113] : memref<256xf32, #tpu.memory_space<vmem>> -> memref<128xf32, #tpu.memory_space<vmem>>
      %dma_start3A_115 = arith.constant 0 : i32
      %dma_start3A_116 = tpu.memref_slice %arg5[%mul3A_2, %dma_start3A_115] : memref<384x128xf32, #tpu.memory_space<hbm>> -> memref<1x128xf32, #tpu.memory_space<hbm>>
      %dma_start3A_117 = tpu.memref_squeeze %dma_start3A_116 : memref<1x128xf32, #tpu.memory_space<hbm>> -> memref<128xf32, #tpu.memory_space<hbm>>
      tpu.enqueue_dma source(%dma_start3A_117 : memref<128xf32, #tpu.memory_space<hbm>>) target(%dma_start3A_114 : memref<128xf32, #tpu.memory_space<vmem>>) target_semaphore(%run_scoped3A : memref<!tpu.dma_semaphore, #tpu.memory_space<semaphore_mem>>)
      %dma_wait3A_118 = arith.constant 0 : i32
      %dma_wait3A_119 = tpu.memref_slice %arg12[%dma_wait3A_118] : memref<256xf32, #tpu.memory_space<vmem>> -> memref<128xf32, #tpu.memory_space<vmem>>
      %dma_wait3A_120 = arith.constant 0 : i32
      %dma_wait3A_121 = tpu.memref_slice %arg5[%mul3A_2, %dma_wait3A_120] : memref<384x128xf32, #tpu.memory_space<hbm>> -> memref<1x128xf32, #tpu.memory_space<hbm>>
      %dma_wait3A_122 = tpu.memref_squeeze %dma_wait3A_121 : memref<1x128xf32, #tpu.memory_space<hbm>> -> memref<128xf32, #tpu.memory_space<hbm>>
      %dma_wait3A_123 = arith.constant 0 : i32
      %dma_wait3A_124 = tpu.memref_slice %arg12[%dma_wait3A_123] : memref<256xf32, #tpu.memory_space<vmem>> -> memref<128xf32, #tpu.memory_space<vmem>>
      %dma_wait3A_125 = arith.constant 0 : i32
      %dma_wait3A_126 = tpu.memref_slice %arg5[%mul3A_2, %dma_wait3A_125] : memref<384x128xf32, #tpu.memory_space<hbm>> -> memref<1x128xf32, #tpu.memory_space<hbm>>
      %dma_wait3A_127 = tpu.memref_squeeze %dma_wait3A_126 : memref<1x128xf32, #tpu.memory_space<hbm>> -> memref<128xf32, #tpu.memory_space<hbm>>
      tpu.wait_dma2 semaphore(%run_scoped3A : memref<!tpu.dma_semaphore, #tpu.memory_space<semaphore_mem>>) src(%dma_wait3A_127 : memref<128xf32, #tpu.memory_space<hbm>>) dst(%dma_wait3A_124 : memref<128xf32, #tpu.memory_space<vmem>>)
      tpu.yield
    }) : () -> ()
    %iota3A = tpu.iota {dimensions = array<i32: 0>} : vector<16xi32>
    %get3A = arith.constant 0 : index
    %get3A_3 = tpu.vector_load %arg10[%get3A] {strides = array<i32>} : memref<128xf32, #tpu.memory_space<vmem>>, vector<16xf32>,
    %get3A_4 = arith.constant 16 : index
    %get3A_5 = tpu.vector_load %arg10[%get3A_4] {strides = array<i32>} : memref<128xf32, #tpu.memory_space<vmem>>, vector<16xf32>,
    %get3A_6 = arith.constant 32 : index
    %get3A_7 = tpu.vector_load %arg10[%get3A_6] {strides = array<i32>} : memref<128xf32, #tpu.memory_space<vmem>>, vector<16xf32>,
    %get3A_8 = arith.constant 48 : index
    %get3A_9 = tpu.vector_load %arg10[%get3A_8] {strides = array<i32>} : memref<128xf32, #tpu.memory_space<vmem>>, vector<16xf32>,
    %get3A_10 = arith.constant 64 : index
    %get3A_11 = tpu.vector_load %arg10[%get3A_10] {strides = array<i32>} : memref<128xf32, #tpu.memory_space<vmem>>, vector<16xf32>,
    %get3A_12 = arith.constant 80 : index
    %get3A_13 = tpu.vector_load %arg10[%get3A_12] {strides = array<i32>} : memref<128xf32, #tpu.memory_space<vmem>>, vector<16xf32>,
    %get3A_14 = arith.constant 96 : index
    %get3A_15 = tpu.vector_load %arg10[%get3A_14] {strides = array<i32>} : memref<128xf32, #tpu.memory_space<vmem>>, vector<16xf32>,
    %get3A_16 = arith.constant 112 : index
    %get3A_17 = tpu.vector_load %arg10[%get3A_16] {strides = array<i32>} : memref<128xf32, #tpu.memory_space<vmem>>, vector<16xf32>,
    %scan3A = arith.constant 0 : i32
    %scan3A_18 = arith.constant 12 : i32
    %scan3A_19 = arith.addi %scan3A, %scan3A_18 : i32
    %scan3A_20 = arith.constant 1 : i32
    scf.for %scan3A_109 = %scan3A to %scan3A_19 step %scan3A_20  : i32 {
      %add3A_110 = arith.addi %mul3A_2, %scan3A_109 : i32
      %rem3A = arith.constant 2 : i32
      %rem3A_111 = arith.remsi %scan3A_109, %rem3A : i32
      %gt3A = arith.constant 0 : i32
      %gt3A_112 = arith.cmpi sgt, %scan3A_109, %gt3A : i32
      %convert_element_type3A = arith.extui %gt3A_112 : i1 to i32
      %cond3A = arith.constant 0 : i32
      %cond3A_113 = arith.cmpi ne, %convert_element_type3A, %cond3A : i32
      scf.if %cond3A_113 {
        %mul3A_173 = arith.constant 1536 : i32
        %mul3A_174 = arith.muli %rem3A_111, %mul3A_173 : i32
        %dma_wait3A_175 = tpu.memref_slice %arg11[%mul3A_174] : memref<3072xf32, #tpu.memory_space<vmem>> -> memref<1536xf32, #tpu.memory_space<vmem>>
        %dma_wait3A_176 = arith.constant 0 : i32
        %dma_wait3A_177 = tpu.memref_slice %arg2[%add3A_110, %dma_wait3A_176] : memref<384x1536xf32, #tpu.memory_space<hbm>> -> memref<1x1536xf32, #tpu.memory_space<hbm>>
        %dma_wait3A_178 = tpu.memref_squeeze %dma_wait3A_177 : memref<1x1536xf32, #tpu.memory_space<hbm>> -> memref<1536xf32, #tpu.memory_space<hbm>>
        %dma_wait3A_179 = tpu.memref_slice %arg11[%mul3A_174] : memref<3072xf32, #tpu.memory_space<vmem>> -> memref<1536xf32, #tpu.memory_space<vmem>>
        %dma_wait3A_180 = arith.constant 0 : i32
        %dma_wait3A_181 = tpu.memref_slice %arg2[%add3A_110, %dma_wait3A_180] : memref<384x1536xf32, #tpu.memory_space<hbm>> -> memref<1x1536xf32, #tpu.memory_space<hbm>>
        %dma_wait3A_182 = tpu.memref_squeeze %dma_wait3A_181 : memref<1x1536xf32, #tpu.memory_space<hbm>> -> memref<1536xf32, #tpu.memory_space<hbm>>
        tpu.wait_dma2 semaphore(%arg18 : memref<!tpu.dma_semaphore, #tpu.memory_space<semaphore_mem>>) src(%dma_wait3A_182 : memref<1536xf32, #tpu.memory_space<hbm>>) dst(%dma_wait3A_179 : memref<1536xf32, #tpu.memory_space<vmem>>)
        %mul3A_183 = arith.constant 128 : i32
        %mul3A_184 = arith.muli %rem3A_111, %mul3A_183 : i32
        %dma_wait3A_185 = tpu.memref_slice %arg12[%mul3A_184] : memref<256xf32, #tpu.memory_space<vmem>> -> memref<128xf32, #tpu.memory_space<vmem>>
        %dma_wait3A_186 = arith.constant 0 : i32
        %dma_wait3A_187 = tpu.memref_slice %arg5[%add3A_110, %dma_wait3A_186] : memref<384x128xf32, #tpu.memory_space<hbm>> -> memref<1x128xf32, #tpu.memory_space<hbm>>
        %dma_wait3A_188 = tpu.memref_squeeze %dma_wait3A_187 : memref<1x128xf32, #tpu.memory_space<hbm>> -> memref<128xf32, #tpu.memory_space<hbm>>
        %dma_wait3A_189 = tpu.memref_slice %arg12[%mul3A_184] : memref<256xf32, #tpu.memory_space<vmem>> -> memref<128xf32, #tpu.memory_space<vmem>>
        %dma_wait3A_190 = arith.constant 0 : i32
        %dma_wait3A_191 = tpu.memref_slice %arg5[%add3A_110, %dma_wait3A_190] : memref<384x128xf32, #tpu.memory_space<hbm>> -> memref<1x128xf32, #tpu.memory_space<hbm>>
        %dma_wait3A_192 = tpu.memref_squeeze %dma_wait3A_191 : memref<1x128xf32, #tpu.memory_space<hbm>> -> memref<128xf32, #tpu.memory_space<hbm>>
        tpu.wait_dma2 semaphore(%arg18 : memref<!tpu.dma_semaphore, #tpu.memory_space<semaphore_mem>>) src(%dma_wait3A_192 : memref<128xf32, #tpu.memory_space<hbm>>) dst(%dma_wait3A_189 : memref<128xf32, #tpu.memory_space<vmem>>)
      } else {
      }
      %add3A_114 = arith.constant 1 : i32
      %add3A_115 = arith.addi %scan3A_109, %add3A_114 : i32
      %lt3A = arith.constant 12 : i32
      %lt3A_116 = arith.cmpi slt, %add3A_115, %lt3A : i32
      %convert_element_type3A_117 = arith.extui %lt3A_116 : i1 to i32
      %cond3A_118 = arith.constant 0 : i32
      %cond3A_119 = arith.cmpi ne, %convert_element_type3A_117, %cond3A_118 : i32
      scf.if %cond3A_119 {
        %add3A_173 = arith.constant 1 : i32
        %add3A_174 = arith.addi %add3A_110, %add3A_173 : i32
        %sub3A = arith.constant 1 : i32
        %sub3A_175 = arith.subi %sub3A, %rem3A_111 : i32
        %mul3A_176 = arith.constant 1536 : i32
        %mul3A_177 = arith.muli %sub3A_175, %mul3A_176 : i32
        %dma_start3A = tpu.memref_slice %arg11[%mul3A_177] : memref<3072xf32, #tpu.memory_space<vmem>> -> memref<1536xf32, #tpu.memory_space<vmem>>
        %dma_start3A_178 = arith.constant 0 : i32
        %dma_start3A_179 = tpu.memref_slice %arg2[%add3A_174, %dma_start3A_178] : memref<384x1536xf32, #tpu.memory_space<hbm>> -> memref<1x1536xf32, #tpu.memory_space<hbm>>
        %dma_start3A_180 = tpu.memref_squeeze %dma_start3A_179 : memref<1x1536xf32, #tpu.memory_space<hbm>> -> memref<1536xf32, #tpu.memory_space<hbm>>
        %dma_start3A_181 = tpu.memref_slice %arg11[%mul3A_177] : memref<3072xf32, #tpu.memory_space<vmem>> -> memref<1536xf32, #tpu.memory_space<vmem>>
        %dma_start3A_182 = arith.constant 0 : i32
        %dma_start3A_183 = tpu.memref_slice %arg2[%add3A_174, %dma_start3A_182] : memref<384x1536xf32, #tpu.memory_space<hbm>> -> memref<1x1536xf32, #tpu.memory_space<hbm>>
        %dma_start3A_184 = tpu.memref_squeeze %dma_start3A_183 : memref<1x1536xf32, #tpu.memory_space<hbm>> -> memref<1536xf32, #tpu.memory_space<hbm>>
        tpu.enqueue_dma source(%dma_start3A_184 : memref<1536xf32, #tpu.memory_space<hbm>>) target(%dma_start3A_181 : memref<1536xf32, #tpu.memory_space<vmem>>) target_semaphore(%arg18 : memref<!tpu.dma_semaphore, #tpu.memory_space<semaphore_mem>>)
        %mul3A_185 = arith.constant 128 : i32
        %mul3A_186 = arith.muli %sub3A_175, %mul3A_185 : i32
        %dma_start3A_187 = tpu.memref_slice %arg12[%mul3A_186] : memref<256xf32, #tpu.memory_space<vmem>> -> memref<128xf32, #tpu.memory_space<vmem>>
        %dma_start3A_188 = arith.constant 0 : i32
        %dma_start3A_189 = tpu.memref_slice %arg5[%add3A_174, %dma_start3A_188] : memref<384x128xf32, #tpu.memory_space<hbm>> -> memref<1x128xf32, #tpu.memory_space<hbm>>
        %dma_start3A_190 = tpu.memref_squeeze %dma_start3A_189 : memref<1x128xf32, #tpu.memory_space<hbm>> -> memref<128xf32, #tpu.memory_space<hbm>>
        %dma_start3A_191 = tpu.memref_slice %arg12[%mul3A_186] : memref<256xf32, #tpu.memory_space<vmem>> -> memref<128xf32, #tpu.memory_space<vmem>>
        %dma_start3A_192 = arith.constant 0 : i32
        %dma_start3A_193 = tpu.memref_slice %arg5[%add3A_174, %dma_start3A_192] : memref<384x128xf32, #tpu.memory_space<hbm>> -> memref<1x128xf32, #tpu.memory_space<hbm>>
        %dma_start3A_194 = tpu.memref_squeeze %dma_start3A_193 : memref<1x128xf32, #tpu.memory_space<hbm>> -> memref<128xf32, #tpu.memory_space<hbm>>
        tpu.enqueue_dma source(%dma_start3A_194 : memref<128xf32, #tpu.memory_space<hbm>>) target(%dma_start3A_191 : memref<128xf32, #tpu.memory_space<vmem>>) target_semaphore(%arg18 : memref<!tpu.dma_semaphore, #tpu.memory_space<semaphore_mem>>)
      } else {
      }
      %mul3A_120 = arith.constant 128 : i32
      %mul3A_121 = arith.muli %rem3A_111, %mul3A_120 : i32
      %add3A_122 = arith.constant 0 : i32
      %add3A_123 = arith.addi %mul3A_121, %add3A_122 : i32
      %get3A_124 = arith.index_cast %add3A_123 : i32 to index
      %get3A_125 = tpu.vector_load %arg12[%get3A_124] {strides = array<i32>} : memref<256xf32, #tpu.memory_space<vmem>>, vector<16xf32>,
      %mul3A_126 = arith.constant 128 : i32
      %mul3A_127 = arith.muli %rem3A_111, %mul3A_126 : i32
      %add3A_128 = arith.constant 16 : i32
      %add3A_129 = arith.addi %mul3A_127, %add3A_128 : i32
      %get3A_130 = arith.index_cast %add3A_129 : i32 to index
      %get3A_131 = tpu.vector_load %arg12[%get3A_130] {strides = array<i32>} : memref<256xf32, #tpu.memory_space<vmem>>, vector<16xf32>,
      %mul3A_132 = arith.constant 128 : i32
      %mul3A_133 = arith.muli %rem3A_111, %mul3A_132 : i32
      %add3A_134 = arith.constant 32 : i32
      %add3A_135 = arith.addi %mul3A_133, %add3A_134 : i32
      %get3A_136 = arith.index_cast %add3A_135 : i32 to index
      %get3A_137 = tpu.vector_load %arg12[%get3A_136] {strides = array<i32>} : memref<256xf32, #tpu.memory_space<vmem>>, vector<16xf32>,
      %mul3A_138 = arith.constant 128 : i32
      %mul3A_139 = arith.muli %rem3A_111, %mul3A_138 : i32
      %add3A_140 = arith.constant 48 : i32
      %add3A_141 = arith.addi %mul3A_139, %add3A_140 : i32
      %get3A_142 = arith.index_cast %add3A_141 : i32 to index
      %get3A_143 = tpu.vector_load %arg12[%get3A_142] {strides = array<i32>} : memref<256xf32, #tpu.memory_space<vmem>>, vector<16xf32>,
      %mul3A_144 = arith.constant 128 : i32
      %mul3A_145 = arith.muli %rem3A_111, %mul3A_144 : i32
      %add3A_146 = arith.constant 64 : i32
      %add3A_147 = arith.addi %mul3A_145, %add3A_146 : i32
      %get3A_148 = arith.index_cast %add3A_147 : i32 to index
      %get3A_149 = tpu.vector_load %arg12[%get3A_148] {strides = array<i32>} : memref<256xf32, #tpu.memory_space<vmem>>, vector<16xf32>,
      %mul3A_150 = arith.constant 128 : i32
      %mul3A_151 = arith.muli %rem3A_111, %mul3A_150 : i32
      %add3A_152 = arith.constant 80 : i32
      %add3A_153 = arith.addi %mul3A_151, %add3A_152 : i32
      %get3A_154 = arith.index_cast %add3A_153 : i32 to index
      %get3A_155 = tpu.vector_load %arg12[%get3A_154] {strides = array<i32>} : memref<256xf32, #tpu.memory_space<vmem>>, vector<16xf32>,
      %mul3A_156 = arith.constant 128 : i32
      %mul3A_157 = arith.muli %rem3A_111, %mul3A_156 : i32
      %add3A_158 = arith.constant 96 : i32
      %add3A_159 = arith.addi %mul3A_157, %add3A_158 : i32
      %get3A_160 = arith.index_cast %add3A_159 : i32 to index
      %get3A_161 = tpu.vector_load %arg12[%get3A_160] {strides = array<i32>} : memref<256xf32, #tpu.memory_space<vmem>>, vector<16xf32>,
      %mul3A_162 = arith.constant 128 : i32
      %mul3A_163 = arith.muli %rem3A_111, %mul3A_162 : i32
      %add3A_164 = arith.constant 112 : i32
      %add3A_165 = arith.addi %mul3A_163, %add3A_164 : i32
      %get3A_166 = arith.index_cast %add3A_165 : i32 to index
      %get3A_167 = tpu.vector_load %arg12[%get3A_166] {strides = array<i32>} : memref<256xf32, #tpu.memory_space<vmem>>, vector<16xf32>,
      %scan3A_168 = arith.constant 0 : i32
      %scan3A_169 = arith.constant 12 : i32
      %scan3A_170 = arith.addi %scan3A_168, %scan3A_169 : i32
      %scan3A_171 = arith.constant 1 : i32
      scf.for %scan3A_173 = %scan3A_168 to %scan3A_170 step %scan3A_171  : i32 {
        %mul3A_174 = arith.constant 2 : i32
        %mul3A_175 = arith.muli %scan3A_173, %mul3A_174 : i32
        %add3A_176 = arith.constant 0 : i32
        %add3A_177 = arith.addi %mul3A_175, %add3A_176 : i32
        %mul3A_178 = arith.constant 24 : i32
        %mul3A_179 = arith.muli %scan3A_109, %mul3A_178 : i32
        %add3A_180 = arith.addi %mul3A_179, %add3A_177 : i32
        %ge3A = arith.constant 2 : i32
        %ge3A_181 = arith.cmpi sge, %add3A_180, %ge3A : i32
        %convert_element_type3A_182 = arith.extui %ge3A_181 : i1 to i32
        %cond3A_183 = arith.constant 0 : i32
        %cond3A_184 = arith.cmpi ne, %convert_element_type3A_182, %cond3A_183 : i32
        scf.if %cond3A_184 {
          %dma_wait3A_485 = arith.constant 0 : i32
          %dma_wait3A_486 = tpu.memref_slice %arg13[%dma_wait3A_485] : memref<8192xf32, #tpu.memory_space<vmem>> -> memref<2048xf32, #tpu.memory_space<vmem>>
          %dma_wait3A_487 = arith.constant 0 : i32
          %dma_wait3A_488 = tpu.memref_slice %arg7[%add3A_110, %dma_wait3A_487] : memref<1536x49152xf32, #tpu.memory_space<hbm>> -> memref<1x2048xf32, #tpu.memory_space<hbm>>
          %dma_wait3A_489 = tpu.memref_squeeze %dma_wait3A_488 : memref<1x2048xf32, #tpu.memory_space<hbm>> -> memref<2048xf32, #tpu.memory_space<hbm>>
          %dma_wait3A_490 = arith.constant 0 : i32
          %dma_wait3A_491 = tpu.memref_slice %arg7[%add3A_110, %dma_wait3A_490] : memref<1536x49152xf32, #tpu.memory_space<hbm>> -> memref<1x2048xf32, #tpu.memory_space<hbm>>
          %dma_wait3A_492 = tpu.memref_squeeze %dma_wait3A_491 : memref<1x2048xf32, #tpu.memory_space<hbm>> -> memref<2048xf32, #tpu.memory_space<hbm>>
          %dma_wait3A_493 = arith.constant 0 : i32
          %dma_wait3A_494 = tpu.memref_slice %arg13[%dma_wait3A_493] : memref<8192xf32, #tpu.memory_space<vmem>> -> memref<2048xf32, #tpu.memory_space<vmem>>
          tpu.wait_dma2 semaphore(%arg16 : memref<!tpu.dma_semaphore, #tpu.memory_space<semaphore_mem>>) src(%dma_wait3A_494 : memref<2048xf32, #tpu.memory_space<vmem>>) dst(%dma_wait3A_492 : memref<2048xf32, #tpu.memory_space<hbm>>)
          %dma_wait3A_495 = arith.constant 2048 : i32
          %dma_wait3A_496 = tpu.memref_slice %arg13[%dma_wait3A_495] : memref<8192xf32, #tpu.memory_space<vmem>> -> memref<2048xf32, #tpu.memory_space<vmem>>
          %dma_wait3A_497 = arith.constant 0 : i32
          %dma_wait3A_498 = tpu.memref_slice %arg7[%add3A_110, %dma_wait3A_497] : memref<1536x49152xf32, #tpu.memory_space<hbm>> -> memref<1x2048xf32, #tpu.memory_space<hbm>>
          %dma_wait3A_499 = tpu.memref_squeeze %dma_wait3A_498 : memref<1x2048xf32, #tpu.memory_space<hbm>> -> memref<2048xf32, #tpu.memory_space<hbm>>
          %dma_wait3A_500 = arith.constant 0 : i32
          %dma_wait3A_501 = tpu.memref_slice %arg7[%add3A_110, %dma_wait3A_500] : memref<1536x49152xf32, #tpu.memory_space<hbm>> -> memref<1x2048xf32, #tpu.memory_space<hbm>>
          %dma_wait3A_502 = tpu.memref_squeeze %dma_wait3A_501 : memref<1x2048xf32, #tpu.memory_space<hbm>> -> memref<2048xf32, #tpu.memory_space<hbm>>
          %dma_wait3A_503 = arith.constant 2048 : i32
          %dma_wait3A_504 = tpu.memref_slice %arg13[%dma_wait3A_503] : memref<8192xf32, #tpu.memory_space<vmem>> -> memref<2048xf32, #tpu.memory_space<vmem>>
          tpu.wait_dma2 semaphore(%arg16 : memref<!tpu.dma_semaphore, #tpu.memory_space<semaphore_mem>>) src(%dma_wait3A_504 : memref<2048xf32, #tpu.memory_space<vmem>>) dst(%dma_wait3A_502 : memref<2048xf32, #tpu.memory_space<hbm>>)
          %dma_wait3A_505 = arith.constant 4096 : i32
          %dma_wait3A_506 = tpu.memref_slice %arg13[%dma_wait3A_505] : memref<8192xf32, #tpu.memory_space<vmem>> -> memref<2048xf32, #tpu.memory_space<vmem>>
          %dma_wait3A_507 = arith.constant 0 : i32
          %dma_wait3A_508 = tpu.memref_slice %arg7[%add3A_110, %dma_wait3A_507] : memref<1536x49152xf32, #tpu.memory_space<hbm>> -> memref<1x2048xf32, #tpu.memory_space<hbm>>
          %dma_wait3A_509 = tpu.memref_squeeze %dma_wait3A_508 : memref<1x2048xf32, #tpu.memory_space<hbm>> -> memref<2048xf32, #tpu.memory_space<hbm>>
          %dma_wait3A_510 = arith.constant 0 : i32
          %dma_wait3A_511 = tpu.memref_slice %arg7[%add3A_110, %dma_wait3A_510] : memref<1536x49152xf32, #tpu.memory_space<hbm>> -> memref<1x2048xf32, #tpu.memory_space<hbm>>
          %dma_wait3A_512 = tpu.memref_squeeze %dma_wait3A_511 : memref<1x2048xf32, #tpu.memory_space<hbm>> -> memref<2048xf32, #tpu.memory_space<hbm>>
          %dma_wait3A_513 = arith.constant 4096 : i32
          %dma_wait3A_514 = tpu.memref_slice %arg13[%dma_wait3A_513] : memref<8192xf32, #tpu.memory_space<vmem>> -> memref<2048xf32, #tpu.memory_space<vmem>>
          tpu.wait_dma2 semaphore(%arg16 : memref<!tpu.dma_semaphore, #tpu.memory_space<semaphore_mem>>) src(%dma_wait3A_514 : memref<2048xf32, #tpu.memory_space<vmem>>) dst(%dma_wait3A_512 : memref<2048xf32, #tpu.memory_space<hbm>>)
          %dma_wait3A_515 = arith.constant 6144 : i32
          %dma_wait3A_516 = tpu.memref_slice %arg13[%dma_wait3A_515] : memref<8192xf32, #tpu.memory_space<vmem>> -> memref<2048xf32, #tpu.memory_space<vmem>>
          %dma_wait3A_517 = arith.constant 0 : i32
          %dma_wait3A_518 = tpu.memref_slice %arg7[%add3A_110, %dma_wait3A_517] : memref<1536x49152xf32, #tpu.memory_space<hbm>> -> memref<1x2048xf32, #tpu.memory_space<hbm>>
          %dma_wait3A_519 = tpu.memref_squeeze %dma_wait3A_518 : memref<1x2048xf32, #tpu.memory_space<hbm>> -> memref<2048xf32, #tpu.memory_space<hbm>>
          %dma_wait3A_520 = arith.constant 0 : i32
          %dma_wait3A_521 = tpu.memref_slice %arg7[%add3A_110, %dma_wait3A_520] : memref<1536x49152xf32, #tpu.memory_space<hbm>> -> memref<1x2048xf32, #tpu.memory_space<hbm>>
          %dma_wait3A_522 = tpu.memref_squeeze %dma_wait3A_521 : memref<1x2048xf32, #tpu.memory_space<hbm>> -> memref<2048xf32, #tpu.memory_space<hbm>>
          %dma_wait3A_523 = arith.constant 6144 : i32
          %dma_wait3A_524 = tpu.memref_slice %arg13[%dma_wait3A_523] : memref<8192xf32, #tpu.memory_space<vmem>> -> memref<2048xf32, #tpu.memory_space<vmem>>
          tpu.wait_dma2 semaphore(%arg16 : memref<!tpu.dma_semaphore, #tpu.memory_space<semaphore_mem>>) src(%dma_wait3A_524 : memref<2048xf32, #tpu.memory_space<vmem>>) dst(%dma_wait3A_522 : memref<2048xf32, #tpu.memory_space<hbm>>)
        } else {
        }
        %mul3A_185 = arith.constant 1536 : i32
        %mul3A_186 = arith.muli %rem3A_111, %mul3A_185 : i32
        %add3A_187 = arith.constant 0 : i32
        %add3A_188 = arith.addi %mul3A_186, %add3A_187 : i32
        %mul3A_189 = arith.constant 16 : i32
        %mul3A_190 = arith.muli %add3A_177, %mul3A_189 : i32
        %add3A_191 = arith.addi %add3A_188, %mul3A_190 : i32
        %get3A_192 = arith.index_cast %add3A_191 : i32 to index
        %get3A_193 = tpu.vector_load %arg11[%get3A_192] {strides = array<i32>} : memref<3072xf32, #tpu.memory_space<vmem>>, vector<16xf32>,
        %mul3A_194 = arith.constant 2.550000e+02 : f32
        %mul3A_195 = vector.broadcast %mul3A_194 : f32 to vector<16xf32>
        %mul3A_196 = arith.mulf %get3A_193, %mul3A_195 : vector<16xf32>
        %jit3A = arith.constant 0.000000e+00 : f32
        %jit3A_197 = arith.constant 2.550000e+02 : f32
        %max3A = vector.broadcast %jit3A : f32 to vector<16xf32>
        %max3A_198 = arith.maximumf %max3A, %mul3A_196 : vector<16xf32>
        %min3A = vector.broadcast %jit3A_197 : f32 to vector<16xf32>
        %min3A_199 = arith.minimumf %min3A, %max3A_198 : vector<16xf32>
        %convert_element_type3A_200 = arith.fptosi %min3A_199 : vector<16xf32> to vector<16xi32>
        %mul3A_201 = arith.constant 128 : i32
        %mul3A_202 = vector.broadcast %mul3A_201 : i32 to vector<16xi32>
        %mul3A_203 = arith.muli %convert_element_type3A_200, %mul3A_202 : vector<16xi32>
        %swap3A = arith.constant 0 : index
        %swap3A_204 = tpu.vector_load %arg15[%swap3A] {strides = array<i32>} : memref<64xi32, #tpu.memory_space<vmem>>, vector<16xi32>,
        tpu.vector_store %arg15[%swap3A], %mul3A_203 {strides = array<i32>} : memref<64xi32, #tpu.memory_space<vmem>>, vector<16xi32>,
        %mul3A_205 = arith.constant 1536 : i32
        %mul3A_206 = arith.muli %rem3A_111, %mul3A_205 : i32
        %add3A_207 = arith.constant 384 : i32
        %add3A_208 = arith.addi %mul3A_206, %add3A_207 : i32
        %mul3A_209 = arith.constant 16 : i32
        %mul3A_210 = arith.muli %add3A_177, %mul3A_209 : i32
        %add3A_211 = arith.addi %add3A_208, %mul3A_210 : i32
        %get3A_212 = arith.index_cast %add3A_211 : i32 to index
        %get3A_213 = tpu.vector_load %arg11[%get3A_212] {strides = array<i32>} : memref<3072xf32, #tpu.memory_space<vmem>>, vector<16xf32>,
        %mul3A_214 = arith.constant 2.550000e+02 : f32
        %mul3A_215 = vector.broadcast %mul3A_214 : f32 to vector<16xf32>
        %mul3A_216 = arith.mulf %get3A_213, %mul3A_215 : vector<16xf32>
        %jit3A_217 = arith.constant 0.000000e+00 : f32
        %jit3A_218 = arith.constant 2.550000e+02 : f32
        %max3A_219 = vector.broadcast %jit3A_217 : f32 to vector<16xf32>
        %max3A_220 = arith.maximumf %max3A_219, %mul3A_216 : vector<16xf32>
        %min3A_221 = vector.broadcast %jit3A_218 : f32 to vector<16xf32>
        %min3A_222 = arith.minimumf %min3A_221, %max3A_220 : vector<16xf32>
        %convert_element_type3A_223 = arith.fptosi %min3A_222 : vector<16xf32> to vector<16xi32>
        %mul3A_224 = arith.constant 128 : i32
        %mul3A_225 = vector.broadcast %mul3A_224 : i32 to vector<16xi32>
        %mul3A_226 = arith.muli %convert_element_type3A_223, %mul3A_225 : vector<16xi32>
        %swap3A_227 = arith.constant 16 : index
        %swap3A_228 = tpu.vector_load %arg15[%swap3A_227] {strides = array<i32>} : memref<64xi32, #tpu.memory_space<vmem>>, vector<16xi32>,
        tpu.vector_store %arg15[%swap3A_227], %mul3A_226 {strides = array<i32>} : memref<64xi32, #tpu.memory_space<vmem>>, vector<16xi32>,
        %mul3A_229 = arith.constant 1536 : i32
        %mul3A_230 = arith.muli %rem3A_111, %mul3A_229 : i32
        %add3A_231 = arith.constant 768 : i32
        %add3A_232 = arith.addi %mul3A_230, %add3A_231 : i32
        %mul3A_233 = arith.constant 16 : i32
        %mul3A_234 = arith.muli %add3A_177, %mul3A_233 : i32
        %add3A_235 = arith.addi %add3A_232, %mul3A_234 : i32
        %get3A_236 = arith.index_cast %add3A_235 : i32 to index
        %get3A_237 = tpu.vector_load %arg11[%get3A_236] {strides = array<i32>} : memref<3072xf32, #tpu.memory_space<vmem>>, vector<16xf32>,
        %mul3A_238 = arith.constant 2.550000e+02 : f32
        %mul3A_239 = vector.broadcast %mul3A_238 : f32 to vector<16xf32>
        %mul3A_240 = arith.mulf %get3A_237, %mul3A_239 : vector<16xf32>
        %jit3A_241 = arith.constant 0.000000e+00 : f32
        %jit3A_242 = arith.constant 2.550000e+02 : f32
        %max3A_243 = vector.broadcast %jit3A_241 : f32 to vector<16xf32>
        %max3A_244 = arith.maximumf %max3A_243, %mul3A_240 : vector<16xf32>
        %min3A_245 = vector.broadcast %jit3A_242 : f32 to vector<16xf32>
        %min3A_246 = arith.minimumf %min3A_245, %max3A_244 : vector<16xf32>
        %convert_element_type3A_247 = arith.fptosi %min3A_246 : vector<16xf32> to vector<16xi32>
        %mul3A_248 = arith.constant 128 : i32
        %mul3A_249 = vector.broadcast %mul3A_248 : i32 to vector<16xi32>
        %mul3A_250 = arith.muli %convert_element_type3A_247, %mul3A_249 : vector<16xi32>
        %swap3A_251 = arith.constant 32 : index
        %swap3A_252 = tpu.vector_load %arg15[%swap3A_251] {strides = array<i32>} : memref<64xi32, #tpu.memory_space<vmem>>, vector<16xi32>,
        tpu.vector_store %arg15[%swap3A_251], %mul3A_250 {strides = array<i32>} : memref<64xi32, #tpu.memory_space<vmem>>, vector<16xi32>,
        %mul3A_253 = arith.constant 1536 : i32
        %mul3A_254 = arith.muli %rem3A_111, %mul3A_253 : i32
        %add3A_255 = arith.constant 1152 : i32
        %add3A_256 = arith.addi %mul3A_254, %add3A_255 : i32
        %mul3A_257 = arith.constant 16 : i32
        %mul3A_258 = arith.muli %add3A_177, %mul3A_257 : i32
        %add3A_259 = arith.addi %add3A_256, %mul3A_258 : i32
        %get3A_260 = arith.index_cast %add3A_259 : i32 to index
        %get3A_261 = tpu.vector_load %arg11[%get3A_260] {strides = array<i32>} : memref<3072xf32, #tpu.memory_space<vmem>>, vector<16xf32>,
        %mul3A_262 = arith.constant 2.550000e+02 : f32
        %mul3A_263 = vector.broadcast %mul3A_262 : f32 to vector<16xf32>
        %mul3A_264 = arith.mulf %get3A_261, %mul3A_263 : vector<16xf32>
        %jit3A_265 = arith.constant 0.000000e+00 : f32
        %jit3A_266 = arith.constant 2.550000e+02 : f32
        %max3A_267 = vector.broadcast %jit3A_265 : f32 to vector<16xf32>
        %max3A_268 = arith.maximumf %max3A_267, %mul3A_264 : vector<16xf32>
        %min3A_269 = vector.broadcast %jit3A_266 : f32 to vector<16xf32>
        %min3A_270 = arith.minimumf %min3A_269, %max3A_268 : vector<16xf32>
        %convert_element_type3A_271 = arith.fptosi %min3A_270 : vector<16xf32> to vector<16xi32>
        %mul3A_272 = arith.constant 128 : i32
        %mul3A_273 = vector.broadcast %mul3A_272 : i32 to vector<16xi32>
        %mul3A_274 = arith.muli %convert_element_type3A_271, %mul3A_273 : vector<16xi32>
        %swap3A_275 = arith.constant 48 : index
        %swap3A_276 = tpu.vector_load %arg15[%swap3A_275] {strides = array<i32>} : memref<64xi32, #tpu.memory_space<vmem>>, vector<16xi32>,
        tpu.vector_store %arg15[%swap3A_275], %mul3A_274 {strides = array<i32>} : memref<64xi32, #tpu.memory_space<vmem>>, vector<16xi32>,
        %parallel_loop3A = arith.constant 0 : i32
        %parallel_loop3A_277 = arith.constant 64 : i32
        %parallel_loop3A_278 = arith.constant 1 : i32
        scf.for %parallel_loop3A_485 = %parallel_loop3A to %parallel_loop3A_277 step %parallel_loop3A_278  : i32 {
          %parallel_loop3A_486 = arith.constant 15 : i32
          %parallel_loop3A_487 = arith.andi %parallel_loop3A_485, %parallel_loop3A_486 : i32
          %parallel_loop3A_488 = arith.constant 128 : i32
          %parallel_loop3A_489 = arith.muli %parallel_loop3A_485, %parallel_loop3A_488 : i32
          %parallel_loop3A_490 = arith.constant 16 : i32
          %parallel_loop3A_491 = arith.muli %add3A_177, %parallel_loop3A_490 : i32
          %parallel_loop3A_492 = arith.addi %parallel_loop3A_491, %parallel_loop3A_487 : i32
          %parallel_loop3A_493 = arith.constant 128 : i32
          %parallel_loop3A_494 = arith.muli %parallel_loop3A_492, %parallel_loop3A_493 : i32
          %parallel_loop3A_495 = vector.broadcast %parallel_loop3A_485 : i32 to vector<16xi32>
          %parallel_loop3A_496 = tpu.vector_load_idx %arg15[%parallel_loop3A_495] : memref<64xi32, #tpu.memory_space<vmem>>[vector<16xi32>], vector<16xi32>,
          %parallel_loop3A_497 = arith.addi %parallel_loop3A_496, %iota3A : vector<16xi32>
          %parallel_loop3A_498 = arith.constant 0 : i32
          %parallel_loop3A_499 = tpu.memref_slice %arg8[%parallel_loop3A_498] : memref<32768xf32, #tpu.memory_space<vmem>> -> memref<32768xf32, #tpu.memory_space<vmem>>
          %parallel_loop3A_500 = tpu.vector_load_idx %parallel_loop3A_499[%parallel_loop3A_497] : memref<32768xf32, #tpu.memory_space<vmem>>[vector<16xi32>], vector<16xf32>,
          %parallel_loop3A_501 = arith.constant 16 : i32
          %parallel_loop3A_502 = tpu.memref_slice %arg8[%parallel_loop3A_501] : memref<32768xf32, #tpu.memory_space<vmem>> -> memref<32752xf32, #tpu.memory_space<vmem>>
          %parallel_loop3A_503 = tpu.vector_load_idx %parallel_loop3A_502[%parallel_loop3A_497] : memref<32752xf32, #tpu.memory_space<vmem>>[vector<16xi32>], vector<16xf32>,
          %parallel_loop3A_504 = arith.constant 32 : i32
          %parallel_loop3A_505 = tpu.memref_slice %arg8[%parallel_loop3A_504] : memref<32768xf32, #tpu.memory_space<vmem>> -> memref<32736xf32, #tpu.memory_space<vmem>>
          %parallel_loop3A_506 = tpu.vector_load_idx %parallel_loop3A_505[%parallel_loop3A_497] : memref<32736xf32, #tpu.memory_space<vmem>>[vector<16xi32>], vector<16xf32>,
          %parallel_loop3A_507 = arith.constant 48 : i32
          %parallel_loop3A_508 = tpu.memref_slice %arg8[%parallel_loop3A_507] : memref<32768xf32, #tpu.memory_space<vmem>> -> memref<32720xf32, #tpu.memory_space<vmem>>
          %parallel_loop3A_509 = tpu.vector_load_idx %parallel_loop3A_508[%parallel_loop3A_497] : memref<32720xf32, #tpu.memory_space<vmem>>[vector<16xi32>], vector<16xf32>,
          %parallel_loop3A_510 = arith.constant 64 : i32
          %parallel_loop3A_511 = tpu.memref_slice %arg8[%parallel_loop3A_510] : memref<32768xf32, #tpu.memory_space<vmem>> -> memref<32704xf32, #tpu.memory_space<vmem>>
          %parallel_loop3A_512 = tpu.vector_load_idx %parallel_loop3A_511[%parallel_loop3A_497] : memref<32704xf32, #tpu.memory_space<vmem>>[vector<16xi32>], vector<16xf32>,
          %parallel_loop3A_513 = arith.constant 80 : i32
          %parallel_loop3A_514 = tpu.memref_slice %arg8[%parallel_loop3A_513] : memref<32768xf32, #tpu.memory_space<vmem>> -> memref<32688xf32, #tpu.memory_space<vmem>>
          %parallel_loop3A_515 = tpu.vector_load_idx %parallel_loop3A_514[%parallel_loop3A_497] : memref<32688xf32, #tpu.memory_space<vmem>>[vector<16xi32>], vector<16xf32>,
          %parallel_loop3A_516 = arith.constant 96 : i32
          %parallel_loop3A_517 = tpu.memref_slice %arg8[%parallel_loop3A_516] : memref<32768xf32, #tpu.memory_space<vmem>> -> memref<32672xf32, #tpu.memory_space<vmem>>
          %parallel_loop3A_518 = tpu.vector_load_idx %parallel_loop3A_517[%parallel_loop3A_497] : memref<32672xf32, #tpu.memory_space<vmem>>[vector<16xi32>], vector<16xf32>,
          %parallel_loop3A_519 = arith.constant 112 : i32
          %parallel_loop3A_520 = tpu.memref_slice %arg8[%parallel_loop3A_519] : memref<32768xf32, #tpu.memory_space<vmem>> -> memref<32656xf32, #tpu.memory_space<vmem>>
          %parallel_loop3A_521 = tpu.vector_load_idx %parallel_loop3A_520[%parallel_loop3A_497] : memref<32656xf32, #tpu.memory_space<vmem>>[vector<16xi32>], vector<16xf32>,
          %parallel_loop3A_522 = arith.constant 0 : i32
          %parallel_loop3A_523 = arith.addi %parallel_loop3A_494, %parallel_loop3A_522 : i32
          %parallel_loop3A_524 = arith.index_cast %parallel_loop3A_523 : i32 to index
          %parallel_loop3A_525 = tpu.vector_load %arg9[%parallel_loop3A_524] {strides = array<i32>} : memref<49152xf32, #tpu.memory_space<vmem>>, vector<16xf32>,
          %parallel_loop3A_526 = arith.addf %parallel_loop3A_500, %parallel_loop3A_525 : vector<16xf32>
          %parallel_loop3A_527 = arith.addf %parallel_loop3A_526, %get3A_125 : vector<16xf32>
          %parallel_loop3A_528 = arith.constant 16 : i32
          %parallel_loop3A_529 = arith.addi %parallel_loop3A_494, %parallel_loop3A_528 : i32
          %parallel_loop3A_530 = arith.index_cast %parallel_loop3A_529 : i32 to index
          %parallel_loop3A_531 = tpu.vector_load %arg9[%parallel_loop3A_530] {strides = array<i32>} : memref<49152xf32, #tpu.memory_space<vmem>>, vector<16xf32>,
          %parallel_loop3A_532 = arith.addf %parallel_loop3A_503, %parallel_loop3A_531 : vector<16xf32>
          %parallel_loop3A_533 = arith.addf %parallel_loop3A_532, %get3A_131 : vector<16xf32>
          %parallel_loop3A_534 = arith.constant 32 : i32
          %parallel_loop3A_535 = arith.addi %parallel_loop3A_494, %parallel_loop3A_534 : i32
          %parallel_loop3A_536 = arith.index_cast %parallel_loop3A_535 : i32 to index
          %parallel_loop3A_537 = tpu.vector_load %arg9[%parallel_loop3A_536] {strides = array<i32>} : memref<49152xf32, #tpu.memory_space<vmem>>, vector<16xf32>,
          %parallel_loop3A_538 = arith.addf %parallel_loop3A_506, %parallel_loop3A_537 : vector<16xf32>
          %parallel_loop3A_539 = arith.addf %parallel_loop3A_538, %get3A_137 : vector<16xf32>
          %parallel_loop3A_540 = arith.constant 48 : i32
          %parallel_loop3A_541 = arith.addi %parallel_loop3A_494, %parallel_loop3A_540 : i32
          %parallel_loop3A_542 = arith.index_cast %parallel_loop3A_541 : i32 to index
          %parallel_loop3A_543 = tpu.vector_load %arg9[%parallel_loop3A_542] {strides = array<i32>} : memref<49152xf32, #tpu.memory_space<vmem>>, vector<16xf32>,
          %parallel_loop3A_544 = arith.addf %parallel_loop3A_509, %parallel_loop3A_543 : vector<16xf32>
          %parallel_loop3A_545 = arith.addf %parallel_loop3A_544, %get3A_143 : vector<16xf32>
          %parallel_loop3A_546 = arith.constant 64 : i32
          %parallel_loop3A_547 = arith.addi %parallel_loop3A_494, %parallel_loop3A_546 : i32
          %parallel_loop3A_548 = arith.index_cast %parallel_loop3A_547 : i32 to index
          %parallel_loop3A_549 = tpu.vector_load %arg9[%parallel_loop3A_548] {strides = array<i32>} : memref<49152xf32, #tpu.memory_space<vmem>>, vector<16xf32>,
          %parallel_loop3A_550 = arith.addf %parallel_loop3A_512, %parallel_loop3A_549 : vector<16xf32>
          %parallel_loop3A_551 = arith.addf %parallel_loop3A_550, %get3A_149 : vector<16xf32>
          %parallel_loop3A_552 = arith.constant 80 : i32
          %parallel_loop3A_553 = arith.addi %parallel_loop3A_494, %parallel_loop3A_552 : i32
          %parallel_loop3A_554 = arith.index_cast %parallel_loop3A_553 : i32 to index
          %parallel_loop3A_555 = tpu.vector_load %arg9[%parallel_loop3A_554] {strides = array<i32>} : memref<49152xf32, #tpu.memory_space<vmem>>, vector<16xf32>,
          %parallel_loop3A_556 = arith.addf %parallel_loop3A_515, %parallel_loop3A_555 : vector<16xf32>
          %parallel_loop3A_557 = arith.addf %parallel_loop3A_556, %get3A_155 : vector<16xf32>
          %parallel_loop3A_558 = arith.constant 96 : i32
          %parallel_loop3A_559 = arith.addi %parallel_loop3A_494, %parallel_loop3A_558 : i32
          %parallel_loop3A_560 = arith.index_cast %parallel_loop3A_559 : i32 to index
          %parallel_loop3A_561 = tpu.vector_load %arg9[%parallel_loop3A_560] {strides = array<i32>} : memref<49152xf32, #tpu.memory_space<vmem>>, vector<16xf32>,
          %parallel_loop3A_562 = arith.addf %parallel_loop3A_518, %parallel_loop3A_561 : vector<16xf32>
          %parallel_loop3A_563 = arith.addf %parallel_loop3A_562, %get3A_161 : vector<16xf32>
          %parallel_loop3A_564 = arith.constant 112 : i32
          %parallel_loop3A_565 = arith.addi %parallel_loop3A_494, %parallel_loop3A_564 : i32
          %parallel_loop3A_566 = arith.index_cast %parallel_loop3A_565 : i32 to index
          %parallel_loop3A_567 = tpu.vector_load %arg9[%parallel_loop3A_566] {strides = array<i32>} : memref<49152xf32, #tpu.memory_space<vmem>>, vector<16xf32>,
          %parallel_loop3A_568 = arith.addf %parallel_loop3A_521, %parallel_loop3A_567 : vector<16xf32>
          %parallel_loop3A_569 = arith.addf %parallel_loop3A_568, %get3A_167 : vector<16xf32>
          %parallel_loop3A_570 = arith.mulf %parallel_loop3A_527, %parallel_loop3A_527 : vector<16xf32>
          %parallel_loop3A_571 = arith.mulf %parallel_loop3A_533, %parallel_loop3A_533 : vector<16xf32>
          %parallel_loop3A_572 = arith.addf %parallel_loop3A_570, %parallel_loop3A_571 : vector<16xf32>
          %parallel_loop3A_573 = arith.mulf %parallel_loop3A_539, %parallel_loop3A_539 : vector<16xf32>
          %parallel_loop3A_574 = arith.addf %parallel_loop3A_572, %parallel_loop3A_573 : vector<16xf32>
          %parallel_loop3A_575 = arith.mulf %parallel_loop3A_545, %parallel_loop3A_545 : vector<16xf32>
          %parallel_loop3A_576 = arith.addf %parallel_loop3A_574, %parallel_loop3A_575 : vector<16xf32>
          %parallel_loop3A_577 = arith.mulf %parallel_loop3A_551, %parallel_loop3A_551 : vector<16xf32>
          %parallel_loop3A_578 = arith.addf %parallel_loop3A_576, %parallel_loop3A_577 : vector<16xf32>
          %parallel_loop3A_579 = arith.mulf %parallel_loop3A_557, %parallel_loop3A_557 : vector<16xf32>
          %parallel_loop3A_580 = arith.addf %parallel_loop3A_578, %parallel_loop3A_579 : vector<16xf32>
          %parallel_loop3A_581 = arith.mulf %parallel_loop3A_563, %parallel_loop3A_563 : vector<16xf32>
          %parallel_loop3A_582 = arith.addf %parallel_loop3A_580, %parallel_loop3A_581 : vector<16xf32>
          %parallel_loop3A_583 = arith.mulf %parallel_loop3A_569, %parallel_loop3A_569 : vector<16xf32>
          %parallel_loop3A_584 = arith.addf %parallel_loop3A_582, %parallel_loop3A_583 : vector<16xf32>
          %parallel_loop3A_585 = arith.constant true
          %parallel_loop3A_586 = vector.broadcast %parallel_loop3A_585 : i1 to vector<16xi1>
          %parallel_loop3A_587 = tpu.scan <sum>, %parallel_loop3A_584 masked %parallel_loop3A_586 : vector<16xf32>, vector<16xi1> -> vector<16xf32>
          %parallel_loop3A_588 = vector.extract %parallel_loop3A_587[15] : f32 from vector<16xf32>
          %parallel_loop3A_589 = arith.constant 7.812500e-03 : f32
          %parallel_loop3A_590 = arith.mulf %parallel_loop3A_588, %parallel_loop3A_589 : f32
          %parallel_loop3A_591 = arith.constant 9.99999997E-7 : f32
          %parallel_loop3A_592 = arith.addf %parallel_loop3A_590, %parallel_loop3A_591 : f32
          %parallel_loop3A_593 = arith.bitcast %parallel_loop3A_592 : f32 to i32
          %parallel_loop3A_594 = arith.constant 1 : i32
          %parallel_loop3A_595 = arith.shrui %parallel_loop3A_593, %parallel_loop3A_594 : i32
          %parallel_loop3A_596 = arith.constant 1597463007 : i32
          %parallel_loop3A_597 = arith.subi %parallel_loop3A_596, %parallel_loop3A_595 : i32
          %parallel_loop3A_598 = arith.bitcast %parallel_loop3A_597 : i32 to f32
          %parallel_loop3A_599 = arith.constant 5.000000e-01 : f32
          %parallel_loop3A_600 = arith.mulf %parallel_loop3A_592, %parallel_loop3A_599 : f32
          %parallel_loop3A_601 = arith.mulf %parallel_loop3A_600, %parallel_loop3A_598 : f32
          %parallel_loop3A_602 = arith.mulf %parallel_loop3A_601, %parallel_loop3A_598 : f32
          %parallel_loop3A_603 = arith.constant 1.500000e+00 : f32
          %parallel_loop3A_604 = arith.subf %parallel_loop3A_603, %parallel_loop3A_602 : f32
          %parallel_loop3A_605 = arith.mulf %parallel_loop3A_598, %parallel_loop3A_604 : f32
          %parallel_loop3A_606 = arith.mulf %parallel_loop3A_600, %parallel_loop3A_605 : f32
          %parallel_loop3A_607 = arith.mulf %parallel_loop3A_606, %parallel_loop3A_605 : f32
          %parallel_loop3A_608 = arith.constant 1.500000e+00 : f32
          %parallel_loop3A_609 = arith.subf %parallel_loop3A_608, %parallel_loop3A_607 : f32
          %parallel_loop3A_610 = arith.mulf %parallel_loop3A_605, %parallel_loop3A_609 : f32
          %parallel_loop3A_611 = arith.mulf %parallel_loop3A_600, %parallel_loop3A_610 : f32
          %parallel_loop3A_612 = arith.mulf %parallel_loop3A_611, %parallel_loop3A_610 : f32
          %parallel_loop3A_613 = arith.constant 1.500000e+00 : f32
          %parallel_loop3A_614 = arith.subf %parallel_loop3A_613, %parallel_loop3A_612 : f32
          %parallel_loop3A_615 = arith.mulf %parallel_loop3A_610, %parallel_loop3A_614 : f32
          %parallel_loop3A_616 = vector.broadcast %parallel_loop3A_615 : f32 to vector<16xf32>
          %parallel_loop3A_617 = arith.mulf %parallel_loop3A_616, %get3A_3 : vector<16xf32>
          %parallel_loop3A_618 = arith.mulf %parallel_loop3A_527, %parallel_loop3A_617 : vector<16xf32>
          %parallel_loop3A_619 = arith.constant 0 : i32
          %parallel_loop3A_620 = arith.addi %parallel_loop3A_489, %parallel_loop3A_619 : i32
          %parallel_loop3A_621 = arith.index_cast %parallel_loop3A_620 : i32 to index
          %parallel_loop3A_622 = tpu.vector_load %arg13[%parallel_loop3A_621] {strides = array<i32>} : memref<8192xf32, #tpu.memory_space<vmem>>, vector<16xf32>,
          tpu.vector_store %arg13[%parallel_loop3A_621], %parallel_loop3A_618 {strides = array<i32>} : memref<8192xf32, #tpu.memory_space<vmem>>, vector<16xf32>,
          %parallel_loop3A_623 = arith.mulf %parallel_loop3A_616, %get3A_5 : vector<16xf32>
          %parallel_loop3A_624 = arith.mulf %parallel_loop3A_533, %parallel_loop3A_623 : vector<16xf32>
          %parallel_loop3A_625 = arith.constant 16 : i32
          %parallel_loop3A_626 = arith.addi %parallel_loop3A_489, %parallel_loop3A_625 : i32
          %parallel_loop3A_627 = arith.index_cast %parallel_loop3A_626 : i32 to index
          %parallel_loop3A_628 = tpu.vector_load %arg13[%parallel_loop3A_627] {strides = array<i32>} : memref<8192xf32, #tpu.memory_space<vmem>>, vector<16xf32>,
          tpu.vector_store %arg13[%parallel_loop3A_627], %parallel_loop3A_624 {strides = array<i32>} : memref<8192xf32, #tpu.memory_space<vmem>>, vector<16xf32>,
          %parallel_loop3A_629 = arith.mulf %parallel_loop3A_616, %get3A_7 : vector<16xf32>
          %parallel_loop3A_630 = arith.mulf %parallel_loop3A_539, %parallel_loop3A_629 : vector<16xf32>
          %parallel_loop3A_631 = arith.constant 32 : i32
          %parallel_loop3A_632 = arith.addi %parallel_loop3A_489, %parallel_loop3A_631 : i32
          %parallel_loop3A_633 = arith.index_cast %parallel_loop3A_632 : i32 to index
          %parallel_loop3A_634 = tpu.vector_load %arg13[%parallel_loop3A_633] {strides = array<i32>} : memref<8192xf32, #tpu.memory_space<vmem>>, vector<16xf32>,
          tpu.vector_store %arg13[%parallel_loop3A_633], %parallel_loop3A_630 {strides = array<i32>} : memref<8192xf32, #tpu.memory_space<vmem>>, vector<16xf32>,
          %parallel_loop3A_635 = arith.mulf %parallel_loop3A_616, %get3A_9 : vector<16xf32>
          %parallel_loop3A_636 = arith.mulf %parallel_loop3A_545, %parallel_loop3A_635 : vector<16xf32>
          %parallel_loop3A_637 = arith.constant 48 : i32
          %parallel_loop3A_638 = arith.addi %parallel_loop3A_489, %parallel_loop3A_637 : i32
          %parallel_loop3A_639 = arith.index_cast %parallel_loop3A_638 : i32 to index
          %parallel_loop3A_640 = tpu.vector_load %arg13[%parallel_loop3A_639] {strides = array<i32>} : memref<8192xf32, #tpu.memory_space<vmem>>, vector<16xf32>,
          tpu.vector_store %arg13[%parallel_loop3A_639], %parallel_loop3A_636 {strides = array<i32>} : memref<8192xf32, #tpu.memory_space<vmem>>, vector<16xf32>,
          %parallel_loop3A_641 = arith.mulf %parallel_loop3A_616, %get3A_11 : vector<16xf32>
          %parallel_loop3A_642 = arith.mulf %parallel_loop3A_551, %parallel_loop3A_641 : vector<16xf32>
          %parallel_loop3A_643 = arith.constant 64 : i32
          %parallel_loop3A_644 = arith.addi %parallel_loop3A_489, %parallel_loop3A_643 : i32
          %parallel_loop3A_645 = arith.index_cast %parallel_loop3A_644 : i32 to index
          %parallel_loop3A_646 = tpu.vector_load %arg13[%parallel_loop3A_645] {strides = array<i32>} : memref<8192xf32, #tpu.memory_space<vmem>>, vector<16xf32>,
          tpu.vector_store %arg13[%parallel_loop3A_645], %parallel_loop3A_642 {strides = array<i32>} : memref<8192xf32, #tpu.memory_space<vmem>>, vector<16xf32>,
          %parallel_loop3A_647 = arith.mulf %parallel_loop3A_616, %get3A_13 : vector<16xf32>
          %parallel_loop3A_648 = arith.mulf %parallel_loop3A_557, %parallel_loop3A_647 : vector<16xf32>
          %parallel_loop3A_649 = arith.constant 80 : i32
          %parallel_loop3A_650 = arith.addi %parallel_loop3A_489, %parallel_loop3A_649 : i32
          %parallel_loop3A_651 = arith.index_cast %parallel_loop3A_650 : i32 to index
          %parallel_loop3A_652 = tpu.vector_load %arg13[%parallel_loop3A_651] {strides = array<i32>} : memref<8192xf32, #tpu.memory_space<vmem>>, vector<16xf32>,
          tpu.vector_store %arg13[%parallel_loop3A_651], %parallel_loop3A_648 {strides = array<i32>} : memref<8192xf32, #tpu.memory_space<vmem>>, vector<16xf32>,
          %parallel_loop3A_653 = arith.mulf %parallel_loop3A_616, %get3A_15 : vector<16xf32>
          %parallel_loop3A_654 = arith.mulf %parallel_loop3A_563, %parallel_loop3A_653 : vector<16xf32>
          %parallel_loop3A_655 = arith.constant 96 : i32
          %parallel_loop3A_656 = arith.addi %parallel_loop3A_489, %parallel_loop3A_655 : i32
          %parallel_loop3A_657 = arith.index_cast %parallel_loop3A_656 : i32 to index
          %parallel_loop3A_658 = tpu.vector_load %arg13[%parallel_loop3A_657] {strides = array<i32>} : memref<8192xf32, #tpu.memory_space<vmem>>, vector<16xf32>,
          tpu.vector_store %arg13[%parallel_loop3A_657], %parallel_loop3A_654 {strides = array<i32>} : memref<8192xf32, #tpu.memory_space<vmem>>, vector<16xf32>,
          %parallel_loop3A_659 = arith.mulf %parallel_loop3A_616, %get3A_17 : vector<16xf32>
          %parallel_loop3A_660 = arith.mulf %parallel_loop3A_569, %parallel_loop3A_659 : vector<16xf32>
          %parallel_loop3A_661 = arith.constant 112 : i32
          %parallel_loop3A_662 = arith.addi %parallel_loop3A_489, %parallel_loop3A_661 : i32
          %parallel_loop3A_663 = arith.index_cast %parallel_loop3A_662 : i32 to index
          %parallel_loop3A_664 = tpu.vector_load %arg13[%parallel_loop3A_663] {strides = array<i32>} : memref<8192xf32, #tpu.memory_space<vmem>>, vector<16xf32>,
          tpu.vector_store %arg13[%parallel_loop3A_663], %parallel_loop3A_660 {strides = array<i32>} : memref<8192xf32, #tpu.memory_space<vmem>>, vector<16xf32>,
        } {sc.loop_unroll_factor = 2 : i64, sc.parallel_access}
        %add3A_279 = arith.constant 0 : i32
        %add3A_280 = arith.addi %add3A_279, %add3A_110 : i32
        %mul3A_281 = arith.constant 2048 : i32
        %mul3A_282 = arith.muli %add3A_177, %mul3A_281 : i32
        %dma_start3A = arith.constant 0 : i32
        %dma_start3A_283 = tpu.memref_slice %arg13[%dma_start3A] : memref<8192xf32, #tpu.memory_space<vmem>> -> memref<2048xf32, #tpu.memory_space<vmem>>
        %dma_start3A_284 = tpu.memref_slice %arg7[%add3A_280, %mul3A_282] : memref<1536x49152xf32, #tpu.memory_space<hbm>> -> memref<1x2048xf32, #tpu.memory_space<hbm>>
        %dma_start3A_285 = tpu.memref_squeeze %dma_start3A_284 : memref<1x2048xf32, #tpu.memory_space<hbm>> -> memref<2048xf32, #tpu.memory_space<hbm>>
        %dma_start3A_286 = tpu.memref_slice %arg7[%add3A_280, %mul3A_282] : memref<1536x49152xf32, #tpu.memory_space<hbm>> -> memref<1x2048xf32, #tpu.memory_space<hbm>>
        %dma_start3A_287 = tpu.memref_squeeze %dma_start3A_286 : memref<1x2048xf32, #tpu.memory_space<hbm>> -> memref<2048xf32, #tpu.memory_space<hbm>>
        %dma_start3A_288 = arith.constant 0 : i32
        %dma_start3A_289 = tpu.memref_slice %arg13[%dma_start3A_288] : memref<8192xf32, #tpu.memory_space<vmem>> -> memref<2048xf32, #tpu.memory_space<vmem>>
        tpu.enqueue_dma source(%dma_start3A_289 : memref<2048xf32, #tpu.memory_space<vmem>>) target(%dma_start3A_287 : memref<2048xf32, #tpu.memory_space<hbm>>) target_semaphore(%arg16 : memref<!tpu.dma_semaphore, #tpu.memory_space<semaphore_mem>>)
        %add3A_290 = arith.constant 384 : i32
        %add3A_291 = arith.addi %add3A_290, %add3A_110 : i32
        %mul3A_292 = arith.constant 2048 : i32
        %mul3A_293 = arith.muli %add3A_177, %mul3A_292 : i32
        %dma_start3A_294 = arith.constant 2048 : i32
        %dma_start3A_295 = tpu.memref_slice %arg13[%dma_start3A_294] : memref<8192xf32, #tpu.memory_space<vmem>> -> memref<2048xf32, #tpu.memory_space<vmem>>
        %dma_start3A_296 = tpu.memref_slice %arg7[%add3A_291, %mul3A_293] : memref<1536x49152xf32, #tpu.memory_space<hbm>> -> memref<1x2048xf32, #tpu.memory_space<hbm>>
        %dma_start3A_297 = tpu.memref_squeeze %dma_start3A_296 : memref<1x2048xf32, #tpu.memory_space<hbm>> -> memref<2048xf32, #tpu.memory_space<hbm>>
        %dma_start3A_298 = tpu.memref_slice %arg7[%add3A_291, %mul3A_293] : memref<1536x49152xf32, #tpu.memory_space<hbm>> -> memref<1x2048xf32, #tpu.memory_space<hbm>>
        %dma_start3A_299 = tpu.memref_squeeze %dma_start3A_298 : memref<1x2048xf32, #tpu.memory_space<hbm>> -> memref<2048xf32, #tpu.memory_space<hbm>>
        %dma_start3A_300 = arith.constant 2048 : i32
        %dma_start3A_301 = tpu.memref_slice %arg13[%dma_start3A_300] : memref<8192xf32, #tpu.memory_space<vmem>> -> memref<2048xf32, #tpu.memory_space<vmem>>
        tpu.enqueue_dma source(%dma_start3A_301 : memref<2048xf32, #tpu.memory_space<vmem>>) target(%dma_start3A_299 : memref<2048xf32, #tpu.memory_space<hbm>>) target_semaphore(%arg16 : memref<!tpu.dma_semaphore, #tpu.memory_space<semaphore_mem>>)
        %add3A_302 = arith.constant 768 : i32
        %add3A_303 = arith.addi %add3A_302, %add3A_110 : i32
        %mul3A_304 = arith.constant 2048 : i32
        %mul3A_305 = arith.muli %add3A_177, %mul3A_304 : i32
        %dma_start3A_306 = arith.constant 4096 : i32
        %dma_start3A_307 = tpu.memref_slice %arg13[%dma_start3A_306] : memref<8192xf32, #tpu.memory_space<vmem>> -> memref<2048xf32, #tpu.memory_space<vmem>>
        %dma_start3A_308 = tpu.memref_slice %arg7[%add3A_303, %mul3A_305] : memref<1536x49152xf32, #tpu.memory_space<hbm>> -> memref<1x2048xf32, #tpu.memory_space<hbm>>
        %dma_start3A_309 = tpu.memref_squeeze %dma_start3A_308 : memref<1x2048xf32, #tpu.memory_space<hbm>> -> memref<2048xf32, #tpu.memory_space<hbm>>
        %dma_start3A_310 = tpu.memref_slice %arg7[%add3A_303, %mul3A_305] : memref<1536x49152xf32, #tpu.memory_space<hbm>> -> memref<1x2048xf32, #tpu.memory_space<hbm>>
        %dma_start3A_311 = tpu.memref_squeeze %dma_start3A_310 : memref<1x2048xf32, #tpu.memory_space<hbm>> -> memref<2048xf32, #tpu.memory_space<hbm>>
        %dma_start3A_312 = arith.constant 4096 : i32
        %dma_start3A_313 = tpu.memref_slice %arg13[%dma_start3A_312] : memref<8192xf32, #tpu.memory_space<vmem>> -> memref<2048xf32, #tpu.memory_space<vmem>>
        tpu.enqueue_dma source(%dma_start3A_313 : memref<2048xf32, #tpu.memory_space<vmem>>) target(%dma_start3A_311 : memref<2048xf32, #tpu.memory_space<hbm>>) target_semaphore(%arg16 : memref<!tpu.dma_semaphore, #tpu.memory_space<semaphore_mem>>)
        %add3A_314 = arith.constant 1152 : i32
        %add3A_315 = arith.addi %add3A_314, %add3A_110 : i32
        %mul3A_316 = arith.constant 2048 : i32
        %mul3A_317 = arith.muli %add3A_177, %mul3A_316 : i32
        %dma_start3A_318 = arith.constant 6144 : i32
        %dma_start3A_319 = tpu.memref_slice %arg13[%dma_start3A_318] : memref<8192xf32, #tpu.memory_space<vmem>> -> memref<2048xf32, #tpu.memory_space<vmem>>
        %dma_start3A_320 = tpu.memref_slice %arg7[%add3A_315, %mul3A_317] : memref<1536x49152xf32, #tpu.memory_space<hbm>> -> memref<1x2048xf32, #tpu.memory_space<hbm>>
        %dma_start3A_321 = tpu.memref_squeeze %dma_start3A_320 : memref<1x2048xf32, #tpu.memory_space<hbm>> -> memref<2048xf32, #tpu.memory_space<hbm>>
        %dma_start3A_322 = tpu.memref_slice %arg7[%add3A_315, %mul3A_317] : memref<1536x49152xf32, #tpu.memory_space<hbm>> -> memref<1x2048xf32, #tpu.memory_space<hbm>>
        %dma_start3A_323 = tpu.memref_squeeze %dma_start3A_322 : memref<1x2048xf32, #tpu.memory_space<hbm>> -> memref<2048xf32, #tpu.memory_space<hbm>>
        %dma_start3A_324 = arith.constant 6144 : i32
        %dma_start3A_325 = tpu.memref_slice %arg13[%dma_start3A_324] : memref<8192xf32, #tpu.memory_space<vmem>> -> memref<2048xf32, #tpu.memory_space<vmem>>
        tpu.enqueue_dma source(%dma_start3A_325 : memref<2048xf32, #tpu.memory_space<vmem>>) target(%dma_start3A_323 : memref<2048xf32, #tpu.memory_space<hbm>>) target_semaphore(%arg16 : memref<!tpu.dma_semaphore, #tpu.memory_space<semaphore_mem>>)
        %mul3A_326 = arith.constant 2 : i32
        %mul3A_327 = arith.muli %scan3A_173, %mul3A_326 : i32
        %add3A_328 = arith.constant 1 : i32
        %add3A_329 = arith.addi %mul3A_327, %add3A_328 : i32
        %mul3A_330 = arith.constant 24 : i32
        %mul3A_331 = arith.muli %scan3A_109, %mul3A_330 : i32
        %add3A_332 = arith.addi %mul3A_331, %add3A_329 : i32
        %ge3A_333 = arith.constant 2 : i32
        %ge3A_334 = arith.cmpi sge, %add3A_332, %ge3A_333 : i32
        %convert_element_type3A_335 = arith.extui %ge3A_334 : i1 to i32
        %cond3A_336 = arith.constant 0 : i32
        %cond3A_337 = arith.cmpi ne, %convert_element_type3A_335, %cond3A_336 : i32
        scf.if %cond3A_337 {
          %dma_wait3A_485 = arith.constant 0 : i32
          %dma_wait3A_486 = tpu.memref_slice %arg14[%dma_wait3A_485] : memref<8192xf32, #tpu.memory_space<vmem>> -> memref<2048xf32, #tpu.memory_space<vmem>>
          %dma_wait3A_487 = arith.constant 0 : i32
          %dma_wait3A_488 = tpu.memref_slice %arg7[%add3A_110, %dma_wait3A_487] : memref<1536x49152xf32, #tpu.memory_space<hbm>> -> memref<1x2048xf32, #tpu.memory_space<hbm>>
          %dma_wait3A_489 = tpu.memref_squeeze %dma_wait3A_488 : memref<1x2048xf32, #tpu.memory_space<hbm>> -> memref<2048xf32, #tpu.memory_space<hbm>>
          %dma_wait3A_490 = arith.constant 0 : i32
          %dma_wait3A_491 = tpu.memref_slice %arg7[%add3A_110, %dma_wait3A_490] : memref<1536x49152xf32, #tpu.memory_space<hbm>> -> memref<1x2048xf32, #tpu.memory_space<hbm>>
          %dma_wait3A_492 = tpu.memref_squeeze %dma_wait3A_491 : memref<1x2048xf32, #tpu.memory_space<hbm>> -> memref<2048xf32, #tpu.memory_space<hbm>>
          %dma_wait3A_493 = arith.constant 0 : i32
          %dma_wait3A_494 = tpu.memref_slice %arg14[%dma_wait3A_493] : memref<8192xf32, #tpu.memory_space<vmem>> -> memref<2048xf32, #tpu.memory_space<vmem>>
          tpu.wait_dma2 semaphore(%arg17 : memref<!tpu.dma_semaphore, #tpu.memory_space<semaphore_mem>>) src(%dma_wait3A_494 : memref<2048xf32, #tpu.memory_space<vmem>>) dst(%dma_wait3A_492 : memref<2048xf32, #tpu.memory_space<hbm>>)
          %dma_wait3A_495 = arith.constant 2048 : i32
          %dma_wait3A_496 = tpu.memref_slice %arg14[%dma_wait3A_495] : memref<8192xf32, #tpu.memory_space<vmem>> -> memref<2048xf32, #tpu.memory_space<vmem>>
          %dma_wait3A_497 = arith.constant 0 : i32
          %dma_wait3A_498 = tpu.memref_slice %arg7[%add3A_110, %dma_wait3A_497] : memref<1536x49152xf32, #tpu.memory_space<hbm>> -> memref<1x2048xf32, #tpu.memory_space<hbm>>
          %dma_wait3A_499 = tpu.memref_squeeze %dma_wait3A_498 : memref<1x2048xf32, #tpu.memory_space<hbm>> -> memref<2048xf32, #tpu.memory_space<hbm>>
          %dma_wait3A_500 = arith.constant 0 : i32
          %dma_wait3A_501 = tpu.memref_slice %arg7[%add3A_110, %dma_wait3A_500] : memref<1536x49152xf32, #tpu.memory_space<hbm>> -> memref<1x2048xf32, #tpu.memory_space<hbm>>
          %dma_wait3A_502 = tpu.memref_squeeze %dma_wait3A_501 : memref<1x2048xf32, #tpu.memory_space<hbm>> -> memref<2048xf32, #tpu.memory_space<hbm>>
          %dma_wait3A_503 = arith.constant 2048 : i32
          %dma_wait3A_504 = tpu.memref_slice %arg14[%dma_wait3A_503] : memref<8192xf32, #tpu.memory_space<vmem>> -> memref<2048xf32, #tpu.memory_space<vmem>>
          tpu.wait_dma2 semaphore(%arg17 : memref<!tpu.dma_semaphore, #tpu.memory_space<semaphore_mem>>) src(%dma_wait3A_504 : memref<2048xf32, #tpu.memory_space<vmem>>) dst(%dma_wait3A_502 : memref<2048xf32, #tpu.memory_space<hbm>>)
          %dma_wait3A_505 = arith.constant 4096 : i32
          %dma_wait3A_506 = tpu.memref_slice %arg14[%dma_wait3A_505] : memref<8192xf32, #tpu.memory_space<vmem>> -> memref<2048xf32, #tpu.memory_space<vmem>>
          %dma_wait3A_507 = arith.constant 0 : i32
          %dma_wait3A_508 = tpu.memref_slice %arg7[%add3A_110, %dma_wait3A_507] : memref<1536x49152xf32, #tpu.memory_space<hbm>> -> memref<1x2048xf32, #tpu.memory_space<hbm>>
          %dma_wait3A_509 = tpu.memref_squeeze %dma_wait3A_508 : memref<1x2048xf32, #tpu.memory_space<hbm>> -> memref<2048xf32, #tpu.memory_space<hbm>>
          %dma_wait3A_510 = arith.constant 0 : i32
          %dma_wait3A_511 = tpu.memref_slice %arg7[%add3A_110, %dma_wait3A_510] : memref<1536x49152xf32, #tpu.memory_space<hbm>> -> memref<1x2048xf32, #tpu.memory_space<hbm>>
          %dma_wait3A_512 = tpu.memref_squeeze %dma_wait3A_511 : memref<1x2048xf32, #tpu.memory_space<hbm>> -> memref<2048xf32, #tpu.memory_space<hbm>>
          %dma_wait3A_513 = arith.constant 4096 : i32
          %dma_wait3A_514 = tpu.memref_slice %arg14[%dma_wait3A_513] : memref<8192xf32, #tpu.memory_space<vmem>> -> memref<2048xf32, #tpu.memory_space<vmem>>
          tpu.wait_dma2 semaphore(%arg17 : memref<!tpu.dma_semaphore, #tpu.memory_space<semaphore_mem>>) src(%dma_wait3A_514 : memref<2048xf32, #tpu.memory_space<vmem>>) dst(%dma_wait3A_512 : memref<2048xf32, #tpu.memory_space<hbm>>)
          %dma_wait3A_515 = arith.constant 6144 : i32
          %dma_wait3A_516 = tpu.memref_slice %arg14[%dma_wait3A_515] : memref<8192xf32, #tpu.memory_space<vmem>> -> memref<2048xf32, #tpu.memory_space<vmem>>
          %dma_wait3A_517 = arith.constant 0 : i32
          %dma_wait3A_518 = tpu.memref_slice %arg7[%add3A_110, %dma_wait3A_517] : memref<1536x49152xf32, #tpu.memory_space<hbm>> -> memref<1x2048xf32, #tpu.memory_space<hbm>>
          %dma_wait3A_519 = tpu.memref_squeeze %dma_wait3A_518 : memref<1x2048xf32, #tpu.memory_space<hbm>> -> memref<2048xf32, #tpu.memory_space<hbm>>
          %dma_wait3A_520 = arith.constant 0 : i32
          %dma_wait3A_521 = tpu.memref_slice %arg7[%add3A_110, %dma_wait3A_520] : memref<1536x49152xf32, #tpu.memory_space<hbm>> -> memref<1x2048xf32, #tpu.memory_space<hbm>>
          %dma_wait3A_522 = tpu.memref_squeeze %dma_wait3A_521 : memref<1x2048xf32, #tpu.memory_space<hbm>> -> memref<2048xf32, #tpu.memory_space<hbm>>
          %dma_wait3A_523 = arith.constant 6144 : i32
          %dma_wait3A_524 = tpu.memref_slice %arg14[%dma_wait3A_523] : memref<8192xf32, #tpu.memory_space<vmem>> -> memref<2048xf32, #tpu.memory_space<vmem>>
          tpu.wait_dma2 semaphore(%arg17 : memref<!tpu.dma_semaphore, #tpu.memory_space<semaphore_mem>>) src(%dma_wait3A_524 : memref<2048xf32, #tpu.memory_space<vmem>>) dst(%dma_wait3A_522 : memref<2048xf32, #tpu.memory_space<hbm>>)
        } else {
        }
        %mul3A_338 = arith.constant 1536 : i32
        %mul3A_339 = arith.muli %rem3A_111, %mul3A_338 : i32
        %add3A_340 = arith.constant 0 : i32
        %add3A_341 = arith.addi %mul3A_339, %add3A_340 : i32
        %mul3A_342 = arith.constant 16 : i32
        %mul3A_343 = arith.muli %add3A_329, %mul3A_342 : i32
        %add3A_344 = arith.addi %add3A_341, %mul3A_343 : i32
        %get3A_345 = arith.index_cast %add3A_344 : i32 to index
        %get3A_346 = tpu.vector_load %arg11[%get3A_345] {strides = array<i32>} : memref<3072xf32, #tpu.memory_space<vmem>>, vector<16xf32>,
        %mul3A_347 = arith.constant 2.550000e+02 : f32
        %mul3A_348 = vector.broadcast %mul3A_347 : f32 to vector<16xf32>
        %mul3A_349 = arith.mulf %get3A_346, %mul3A_348 : vector<16xf32>
        %jit3A_350 = arith.constant 0.000000e+00 : f32
        %jit3A_351 = arith.constant 2.550000e+02 : f32
        %max3A_352 = vector.broadcast %jit3A_350 : f32 to vector<16xf32>
        %max3A_353 = arith.maximumf %max3A_352, %mul3A_349 : vector<16xf32>
        %min3A_354 = vector.broadcast %jit3A_351 : f32 to vector<16xf32>
        %min3A_355 = arith.minimumf %min3A_354, %max3A_353 : vector<16xf32>
        %convert_element_type3A_356 = arith.fptosi %min3A_355 : vector<16xf32> to vector<16xi32>
        %mul3A_357 = arith.constant 128 : i32
        %mul3A_358 = vector.broadcast %mul3A_357 : i32 to vector<16xi32>
        %mul3A_359 = arith.muli %convert_element_type3A_356, %mul3A_358 : vector<16xi32>
        %swap3A_360 = arith.constant 0 : index
        %swap3A_361 = tpu.vector_load %arg15[%swap3A_360] {strides = array<i32>} : memref<64xi32, #tpu.memory_space<vmem>>, vector<16xi32>,
        tpu.vector_store %arg15[%swap3A_360], %mul3A_359 {strides = array<i32>} : memref<64xi32, #tpu.memory_space<vmem>>, vector<16xi32>,
        %mul3A_362 = arith.constant 1536 : i32
        %mul3A_363 = arith.muli %rem3A_111, %mul3A_362 : i32
        %add3A_364 = arith.constant 384 : i32
        %add3A_365 = arith.addi %mul3A_363, %add3A_364 : i32
        %mul3A_366 = arith.constant 16 : i32
        %mul3A_367 = arith.muli %add3A_329, %mul3A_366 : i32
        %add3A_368 = arith.addi %add3A_365, %mul3A_367 : i32
        %get3A_369 = arith.index_cast %add3A_368 : i32 to index
        %get3A_370 = tpu.vector_load %arg11[%get3A_369] {strides = array<i32>} : memref<3072xf32, #tpu.memory_space<vmem>>, vector<16xf32>,
        %mul3A_371 = arith.constant 2.550000e+02 : f32
        %mul3A_372 = vector.broadcast %mul3A_371 : f32 to vector<16xf32>
        %mul3A_373 = arith.mulf %get3A_370, %mul3A_372 : vector<16xf32>
        %jit3A_374 = arith.constant 0.000000e+00 : f32
        %jit3A_375 = arith.constant 2.550000e+02 : f32
        %max3A_376 = vector.broadcast %jit3A_374 : f32 to vector<16xf32>
        %max3A_377 = arith.maximumf %max3A_376, %mul3A_373 : vector<16xf32>
        %min3A_378 = vector.broadcast %jit3A_375 : f32 to vector<16xf32>
        %min3A_379 = arith.minimumf %min3A_378, %max3A_377 : vector<16xf32>
        %convert_element_type3A_380 = arith.fptosi %min3A_379 : vector<16xf32> to vector<16xi32>
        %mul3A_381 = arith.constant 128 : i32
        %mul3A_382 = vector.broadcast %mul3A_381 : i32 to vector<16xi32>
        %mul3A_383 = arith.muli %convert_element_type3A_380, %mul3A_382 : vector<16xi32>
        %swap3A_384 = arith.constant 16 : index
        %swap3A_385 = tpu.vector_load %arg15[%swap3A_384] {strides = array<i32>} : memref<64xi32, #tpu.memory_space<vmem>>, vector<16xi32>,
        tpu.vector_store %arg15[%swap3A_384], %mul3A_383 {strides = array<i32>} : memref<64xi32, #tpu.memory_space<vmem>>, vector<16xi32>,
        %mul3A_386 = arith.constant 1536 : i32
        %mul3A_387 = arith.muli %rem3A_111, %mul3A_386 : i32
        %add3A_388 = arith.constant 768 : i32
        %add3A_389 = arith.addi %mul3A_387, %add3A_388 : i32
        %mul3A_390 = arith.constant 16 : i32
        %mul3A_391 = arith.muli %add3A_329, %mul3A_390 : i32
        %add3A_392 = arith.addi %add3A_389, %mul3A_391 : i32
        %get3A_393 = arith.index_cast %add3A_392 : i32 to index
        %get3A_394 = tpu.vector_load %arg11[%get3A_393] {strides = array<i32>} : memref<3072xf32, #tpu.memory_space<vmem>>, vector<16xf32>,
        %mul3A_395 = arith.constant 2.550000e+02 : f32
        %mul3A_396 = vector.broadcast %mul3A_395 : f32 to vector<16xf32>
        %mul3A_397 = arith.mulf %get3A_394, %mul3A_396 : vector<16xf32>
        %jit3A_398 = arith.constant 0.000000e+00 : f32
        %jit3A_399 = arith.constant 2.550000e+02 : f32
        %max3A_400 = vector.broadcast %jit3A_398 : f32 to vector<16xf32>
        %max3A_401 = arith.maximumf %max3A_400, %mul3A_397 : vector<16xf32>
        %min3A_402 = vector.broadcast %jit3A_399 : f32 to vector<16xf32>
        %min3A_403 = arith.minimumf %min3A_402, %max3A_401 : vector<16xf32>
        %convert_element_type3A_404 = arith.fptosi %min3A_403 : vector<16xf32> to vector<16xi32>
        %mul3A_405 = arith.constant 128 : i32
        %mul3A_406 = vector.broadcast %mul3A_405 : i32 to vector<16xi32>
        %mul3A_407 = arith.muli %convert_element_type3A_404, %mul3A_406 : vector<16xi32>
        %swap3A_408 = arith.constant 32 : index
        %swap3A_409 = tpu.vector_load %arg15[%swap3A_408] {strides = array<i32>} : memref<64xi32, #tpu.memory_space<vmem>>, vector<16xi32>,
        tpu.vector_store %arg15[%swap3A_408], %mul3A_407 {strides = array<i32>} : memref<64xi32, #tpu.memory_space<vmem>>, vector<16xi32>,
        %mul3A_410 = arith.constant 1536 : i32
        %mul3A_411 = arith.muli %rem3A_111, %mul3A_410 : i32
        %add3A_412 = arith.constant 1152 : i32
        %add3A_413 = arith.addi %mul3A_411, %add3A_412 : i32
        %mul3A_414 = arith.constant 16 : i32
        %mul3A_415 = arith.muli %add3A_329, %mul3A_414 : i32
        %add3A_416 = arith.addi %add3A_413, %mul3A_415 : i32
        %get3A_417 = arith.index_cast %add3A_416 : i32 to index
        %get3A_418 = tpu.vector_load %arg11[%get3A_417] {strides = array<i32>} : memref<3072xf32, #tpu.memory_space<vmem>>, vector<16xf32>,
        %mul3A_419 = arith.constant 2.550000e+02 : f32
        %mul3A_420 = vector.broadcast %mul3A_419 : f32 to vector<16xf32>
        %mul3A_421 = arith.mulf %get3A_418, %mul3A_420 : vector<16xf32>
        %jit3A_422 = arith.constant 0.000000e+00 : f32
        %jit3A_423 = arith.constant 2.550000e+02 : f32
        %max3A_424 = vector.broadcast %jit3A_422 : f32 to vector<16xf32>
        %max3A_425 = arith.maximumf %max3A_424, %mul3A_421 : vector<16xf32>
        %min3A_426 = vector.broadcast %jit3A_423 : f32 to vector<16xf32>
        %min3A_427 = arith.minimumf %min3A_426, %max3A_425 : vector<16xf32>
        %convert_element_type3A_428 = arith.fptosi %min3A_427 : vector<16xf32> to vector<16xi32>
        %mul3A_429 = arith.constant 128 : i32
        %mul3A_430 = vector.broadcast %mul3A_429 : i32 to vector<16xi32>
        %mul3A_431 = arith.muli %convert_element_type3A_428, %mul3A_430 : vector<16xi32>
        %swap3A_432 = arith.constant 48 : index
        %swap3A_433 = tpu.vector_load %arg15[%swap3A_432] {strides = array<i32>} : memref<64xi32, #tpu.memory_space<vmem>>, vector<16xi32>,
        tpu.vector_store %arg15[%swap3A_432], %mul3A_431 {strides = array<i32>} : memref<64xi32, #tpu.memory_space<vmem>>, vector<16xi32>,
        %parallel_loop3A_434 = arith.constant 0 : i32
        %parallel_loop3A_435 = arith.constant 64 : i32
        %parallel_loop3A_436 = arith.constant 1 : i32
        scf.for %parallel_loop3A_485 = %parallel_loop3A_434 to %parallel_loop3A_435 step %parallel_loop3A_436  : i32 {
          %parallel_loop3A_486 = arith.constant 15 : i32
          %parallel_loop3A_487 = arith.andi %parallel_loop3A_485, %parallel_loop3A_486 : i32
          %parallel_loop3A_488 = arith.constant 128 : i32
          %parallel_loop3A_489 = arith.muli %parallel_loop3A_485, %parallel_loop3A_488 : i32
          %parallel_loop3A_490 = arith.constant 16 : i32
          %parallel_loop3A_491 = arith.muli %add3A_329, %parallel_loop3A_490 : i32
          %parallel_loop3A_492 = arith.addi %parallel_loop3A_491, %parallel_loop3A_487 : i32
          %parallel_loop3A_493 = arith.constant 128 : i32
          %parallel_loop3A_494 = arith.muli %parallel_loop3A_492, %parallel_loop3A_493 : i32
          %parallel_loop3A_495 = vector.broadcast %parallel_loop3A_485 : i32 to vector<16xi32>
          %parallel_loop3A_496 = tpu.vector_load_idx %arg15[%parallel_loop3A_495] : memref<64xi32, #tpu.memory_space<vmem>>[vector<16xi32>], vector<16xi32>,
          %parallel_loop3A_497 = arith.addi %parallel_loop3A_496, %iota3A : vector<16xi32>
          %parallel_loop3A_498 = arith.constant 0 : i32
          %parallel_loop3A_499 = tpu.memref_slice %arg8[%parallel_loop3A_498] : memref<32768xf32, #tpu.memory_space<vmem>> -> memref<32768xf32, #tpu.memory_space<vmem>>
          %parallel_loop3A_500 = tpu.vector_load_idx %parallel_loop3A_499[%parallel_loop3A_497] : memref<32768xf32, #tpu.memory_space<vmem>>[vector<16xi32>], vector<16xf32>,
          %parallel_loop3A_501 = arith.constant 16 : i32
          %parallel_loop3A_502 = tpu.memref_slice %arg8[%parallel_loop3A_501] : memref<32768xf32, #tpu.memory_space<vmem>> -> memref<32752xf32, #tpu.memory_space<vmem>>
          %parallel_loop3A_503 = tpu.vector_load_idx %parallel_loop3A_502[%parallel_loop3A_497] : memref<32752xf32, #tpu.memory_space<vmem>>[vector<16xi32>], vector<16xf32>,
          %parallel_loop3A_504 = arith.constant 32 : i32
          %parallel_loop3A_505 = tpu.memref_slice %arg8[%parallel_loop3A_504] : memref<32768xf32, #tpu.memory_space<vmem>> -> memref<32736xf32, #tpu.memory_space<vmem>>
          %parallel_loop3A_506 = tpu.vector_load_idx %parallel_loop3A_505[%parallel_loop3A_497] : memref<32736xf32, #tpu.memory_space<vmem>>[vector<16xi32>], vector<16xf32>,
          %parallel_loop3A_507 = arith.constant 48 : i32
          %parallel_loop3A_508 = tpu.memref_slice %arg8[%parallel_loop3A_507] : memref<32768xf32, #tpu.memory_space<vmem>> -> memref<32720xf32, #tpu.memory_space<vmem>>
          %parallel_loop3A_509 = tpu.vector_load_idx %parallel_loop3A_508[%parallel_loop3A_497] : memref<32720xf32, #tpu.memory_space<vmem>>[vector<16xi32>], vector<16xf32>,
          %parallel_loop3A_510 = arith.constant 64 : i32
          %parallel_loop3A_511 = tpu.memref_slice %arg8[%parallel_loop3A_510] : memref<32768xf32, #tpu.memory_space<vmem>> -> memref<32704xf32, #tpu.memory_space<vmem>>
          %parallel_loop3A_512 = tpu.vector_load_idx %parallel_loop3A_511[%parallel_loop3A_497] : memref<32704xf32, #tpu.memory_space<vmem>>[vector<16xi32>], vector<16xf32>,
          %parallel_loop3A_513 = arith.constant 80 : i32
          %parallel_loop3A_514 = tpu.memref_slice %arg8[%parallel_loop3A_513] : memref<32768xf32, #tpu.memory_space<vmem>> -> memref<32688xf32, #tpu.memory_space<vmem>>
          %parallel_loop3A_515 = tpu.vector_load_idx %parallel_loop3A_514[%parallel_loop3A_497] : memref<32688xf32, #tpu.memory_space<vmem>>[vector<16xi32>], vector<16xf32>,
          %parallel_loop3A_516 = arith.constant 96 : i32
          %parallel_loop3A_517 = tpu.memref_slice %arg8[%parallel_loop3A_516] : memref<32768xf32, #tpu.memory_space<vmem>> -> memref<32672xf32, #tpu.memory_space<vmem>>
          %parallel_loop3A_518 = tpu.vector_load_idx %parallel_loop3A_517[%parallel_loop3A_497] : memref<32672xf32, #tpu.memory_space<vmem>>[vector<16xi32>], vector<16xf32>,
          %parallel_loop3A_519 = arith.constant 112 : i32
          %parallel_loop3A_520 = tpu.memref_slice %arg8[%parallel_loop3A_519] : memref<32768xf32, #tpu.memory_space<vmem>> -> memref<32656xf32, #tpu.memory_space<vmem>>
          %parallel_loop3A_521 = tpu.vector_load_idx %parallel_loop3A_520[%parallel_loop3A_497] : memref<32656xf32, #tpu.memory_space<vmem>>[vector<16xi32>], vector<16xf32>,
          %parallel_loop3A_522 = arith.constant 0 : i32
          %parallel_loop3A_523 = arith.addi %parallel_loop3A_494, %parallel_loop3A_522 : i32
          %parallel_loop3A_524 = arith.index_cast %parallel_loop3A_523 : i32 to index
          %parallel_loop3A_525 = tpu.vector_load %arg9[%parallel_loop3A_524] {strides = array<i32>} : memref<49152xf32, #tpu.memory_space<vmem>>, vector<16xf32>,
          %parallel_loop3A_526 = arith.addf %parallel_loop3A_500, %parallel_loop3A_525 : vector<16xf32>
          %parallel_loop3A_527 = arith.addf %parallel_loop3A_526, %get3A_125 : vector<16xf32>
          %parallel_loop3A_528 = arith.constant 16 : i32
          %parallel_loop3A_529 = arith.addi %parallel_loop3A_494, %parallel_loop3A_528 : i32
          %parallel_loop3A_530 = arith.index_cast %parallel_loop3A_529 : i32 to index
          %parallel_loop3A_531 = tpu.vector_load %arg9[%parallel_loop3A_530] {strides = array<i32>} : memref<49152xf32, #tpu.memory_space<vmem>>, vector<16xf32>,
          %parallel_loop3A_532 = arith.addf %parallel_loop3A_503, %parallel_loop3A_531 : vector<16xf32>
          %parallel_loop3A_533 = arith.addf %parallel_loop3A_532, %get3A_131 : vector<16xf32>
          %parallel_loop3A_534 = arith.constant 32 : i32
          %parallel_loop3A_535 = arith.addi %parallel_loop3A_494, %parallel_loop3A_534 : i32
          %parallel_loop3A_536 = arith.index_cast %parallel_loop3A_535 : i32 to index
          %parallel_loop3A_537 = tpu.vector_load %arg9[%parallel_loop3A_536] {strides = array<i32>} : memref<49152xf32, #tpu.memory_space<vmem>>, vector<16xf32>,
          %parallel_loop3A_538 = arith.addf %parallel_loop3A_506, %parallel_loop3A_537 : vector<16xf32>
          %parallel_loop3A_539 = arith.addf %parallel_loop3A_538, %get3A_137 : vector<16xf32>
          %parallel_loop3A_540 = arith.constant 48 : i32
          %parallel_loop3A_541 = arith.addi %parallel_loop3A_494, %parallel_loop3A_540 : i32
          %parallel_loop3A_542 = arith.index_cast %parallel_loop3A_541 : i32 to index
          %parallel_loop3A_543 = tpu.vector_load %arg9[%parallel_loop3A_542] {strides = array<i32>} : memref<49152xf32, #tpu.memory_space<vmem>>, vector<16xf32>,
          %parallel_loop3A_544 = arith.addf %parallel_loop3A_509, %parallel_loop3A_543 : vector<16xf32>
          %parallel_loop3A_545 = arith.addf %parallel_loop3A_544, %get3A_143 : vector<16xf32>
          %parallel_loop3A_546 = arith.constant 64 : i32
          %parallel_loop3A_547 = arith.addi %parallel_loop3A_494, %parallel_loop3A_546 : i32
          %parallel_loop3A_548 = arith.index_cast %parallel_loop3A_547 : i32 to index
          %parallel_loop3A_549 = tpu.vector_load %arg9[%parallel_loop3A_548] {strides = array<i32>} : memref<49152xf32, #tpu.memory_space<vmem>>, vector<16xf32>,
          %parallel_loop3A_550 = arith.addf %parallel_loop3A_512, %parallel_loop3A_549 : vector<16xf32>
          %parallel_loop3A_551 = arith.addf %parallel_loop3A_550, %get3A_149 : vector<16xf32>
          %parallel_loop3A_552 = arith.constant 80 : i32
          %parallel_loop3A_553 = arith.addi %parallel_loop3A_494, %parallel_loop3A_552 : i32
          %parallel_loop3A_554 = arith.index_cast %parallel_loop3A_553 : i32 to index
          %parallel_loop3A_555 = tpu.vector_load %arg9[%parallel_loop3A_554] {strides = array<i32>} : memref<49152xf32, #tpu.memory_space<vmem>>, vector<16xf32>,
          %parallel_loop3A_556 = arith.addf %parallel_loop3A_515, %parallel_loop3A_555 : vector<16xf32>
          %parallel_loop3A_557 = arith.addf %parallel_loop3A_556, %get3A_155 : vector<16xf32>
          %parallel_loop3A_558 = arith.constant 96 : i32
          %parallel_loop3A_559 = arith.addi %parallel_loop3A_494, %parallel_loop3A_558 : i32
          %parallel_loop3A_560 = arith.index_cast %parallel_loop3A_559 : i32 to index
          %parallel_loop3A_561 = tpu.vector_load %arg9[%parallel_loop3A_560] {strides = array<i32>} : memref<49152xf32, #tpu.memory_space<vmem>>, vector<16xf32>,
          %parallel_loop3A_562 = arith.addf %parallel_loop3A_518, %parallel_loop3A_561 : vector<16xf32>
          %parallel_loop3A_563 = arith.addf %parallel_loop3A_562, %get3A_161 : vector<16xf32>
          %parallel_loop3A_564 = arith.constant 112 : i32
          %parallel_loop3A_565 = arith.addi %parallel_loop3A_494, %parallel_loop3A_564 : i32
          %parallel_loop3A_566 = arith.index_cast %parallel_loop3A_565 : i32 to index
          %parallel_loop3A_567 = tpu.vector_load %arg9[%parallel_loop3A_566] {strides = array<i32>} : memref<49152xf32, #tpu.memory_space<vmem>>, vector<16xf32>,
          %parallel_loop3A_568 = arith.addf %parallel_loop3A_521, %parallel_loop3A_567 : vector<16xf32>
          %parallel_loop3A_569 = arith.addf %parallel_loop3A_568, %get3A_167 : vector<16xf32>
          %parallel_loop3A_570 = arith.mulf %parallel_loop3A_527, %parallel_loop3A_527 : vector<16xf32>
          %parallel_loop3A_571 = arith.mulf %parallel_loop3A_533, %parallel_loop3A_533 : vector<16xf32>
          %parallel_loop3A_572 = arith.addf %parallel_loop3A_570, %parallel_loop3A_571 : vector<16xf32>
          %parallel_loop3A_573 = arith.mulf %parallel_loop3A_539, %parallel_loop3A_539 : vector<16xf32>
          %parallel_loop3A_574 = arith.addf %parallel_loop3A_572, %parallel_loop3A_573 : vector<16xf32>
          %parallel_loop3A_575 = arith.mulf %parallel_loop3A_545, %parallel_loop3A_545 : vector<16xf32>
          %parallel_loop3A_576 = arith.addf %parallel_loop3A_574, %parallel_loop3A_575 : vector<16xf32>
          %parallel_loop3A_577 = arith.mulf %parallel_loop3A_551, %parallel_loop3A_551 : vector<16xf32>
          %parallel_loop3A_578 = arith.addf %parallel_loop3A_576, %parallel_loop3A_577 : vector<16xf32>
          %parallel_loop3A_579 = arith.mulf %parallel_loop3A_557, %parallel_loop3A_557 : vector<16xf32>
          %parallel_loop3A_580 = arith.addf %parallel_loop3A_578, %parallel_loop3A_579 : vector<16xf32>
          %parallel_loop3A_581 = arith.mulf %parallel_loop3A_563, %parallel_loop3A_563 : vector<16xf32>
          %parallel_loop3A_582 = arith.addf %parallel_loop3A_580, %parallel_loop3A_581 : vector<16xf32>
          %parallel_loop3A_583 = arith.mulf %parallel_loop3A_569, %parallel_loop3A_569 : vector<16xf32>
          %parallel_loop3A_584 = arith.addf %parallel_loop3A_582, %parallel_loop3A_583 : vector<16xf32>
          %parallel_loop3A_585 = arith.constant true
          %parallel_loop3A_586 = vector.broadcast %parallel_loop3A_585 : i1 to vector<16xi1>
          %parallel_loop3A_587 = tpu.scan <sum>, %parallel_loop3A_584 masked %parallel_loop3A_586 : vector<16xf32>, vector<16xi1> -> vector<16xf32>
          %parallel_loop3A_588 = vector.extract %parallel_loop3A_587[15] : f32 from vector<16xf32>
          %parallel_loop3A_589 = arith.constant 7.812500e-03 : f32
          %parallel_loop3A_590 = arith.mulf %parallel_loop3A_588, %parallel_loop3A_589 : f32
          %parallel_loop3A_591 = arith.constant 9.99999997E-7 : f32
          %parallel_loop3A_592 = arith.addf %parallel_loop3A_590, %parallel_loop3A_591 : f32
          %parallel_loop3A_593 = arith.bitcast %parallel_loop3A_592 : f32 to i32
          %parallel_loop3A_594 = arith.constant 1 : i32
          %parallel_loop3A_595 = arith.shrui %parallel_loop3A_593, %parallel_loop3A_594 : i32
          %parallel_loop3A_596 = arith.constant 1597463007 : i32
          %parallel_loop3A_597 = arith.subi %parallel_loop3A_596, %parallel_loop3A_595 : i32
          %parallel_loop3A_598 = arith.bitcast %parallel_loop3A_597 : i32 to f32
          %parallel_loop3A_599 = arith.constant 5.000000e-01 : f32
          %parallel_loop3A_600 = arith.mulf %parallel_loop3A_592, %parallel_loop3A_599 : f32
          %parallel_loop3A_601 = arith.mulf %parallel_loop3A_600, %parallel_loop3A_598 : f32
          %parallel_loop3A_602 = arith.mulf %parallel_loop3A_601, %parallel_loop3A_598 : f32
          %parallel_loop3A_603 = arith.constant 1.500000e+00 : f32
          %parallel_loop3A_604 = arith.subf %parallel_loop3A_603, %parallel_loop3A_602 : f32
          %parallel_loop3A_605 = arith.mulf %parallel_loop3A_598, %parallel_loop3A_604 : f32
          %parallel_loop3A_606 = arith.mulf %parallel_loop3A_600, %parallel_loop3A_605 : f32
          %parallel_loop3A_607 = arith.mulf %parallel_loop3A_606, %parallel_loop3A_605 : f32
          %parallel_loop3A_608 = arith.constant 1.500000e+00 : f32
          %parallel_loop3A_609 = arith.subf %parallel_loop3A_608, %parallel_loop3A_607 : f32
          %parallel_loop3A_610 = arith.mulf %parallel_loop3A_605, %parallel_loop3A_609 : f32
          %parallel_loop3A_611 = arith.mulf %parallel_loop3A_600, %parallel_loop3A_610 : f32
          %parallel_loop3A_612 = arith.mulf %parallel_loop3A_611, %parallel_loop3A_610 : f32
          %parallel_loop3A_613 = arith.constant 1.500000e+00 : f32
          %parallel_loop3A_614 = arith.subf %parallel_loop3A_613, %parallel_loop3A_612 : f32
          %parallel_loop3A_615 = arith.mulf %parallel_loop3A_610, %parallel_loop3A_614 : f32
          %parallel_loop3A_616 = vector.broadcast %parallel_loop3A_615 : f32 to vector<16xf32>
          %parallel_loop3A_617 = arith.mulf %parallel_loop3A_616, %get3A_3 : vector<16xf32>
          %parallel_loop3A_618 = arith.mulf %parallel_loop3A_527, %parallel_loop3A_617 : vector<16xf32>
          %parallel_loop3A_619 = arith.constant 0 : i32
          %parallel_loop3A_620 = arith.addi %parallel_loop3A_489, %parallel_loop3A_619 : i32
          %parallel_loop3A_621 = arith.index_cast %parallel_loop3A_620 : i32 to index
          %parallel_loop3A_622 = tpu.vector_load %arg14[%parallel_loop3A_621] {strides = array<i32>} : memref<8192xf32, #tpu.memory_space<vmem>>, vector<16xf32>,
          tpu.vector_store %arg14[%parallel_loop3A_621], %parallel_loop3A_618 {strides = array<i32>} : memref<8192xf32, #tpu.memory_space<vmem>>, vector<16xf32>,
          %parallel_loop3A_623 = arith.mulf %parallel_loop3A_616, %get3A_5 : vector<16xf32>
          %parallel_loop3A_624 = arith.mulf %parallel_loop3A_533, %parallel_loop3A_623 : vector<16xf32>
          %parallel_loop3A_625 = arith.constant 16 : i32
          %parallel_loop3A_626 = arith.addi %parallel_loop3A_489, %parallel_loop3A_625 : i32
          %parallel_loop3A_627 = arith.index_cast %parallel_loop3A_626 : i32 to index
          %parallel_loop3A_628 = tpu.vector_load %arg14[%parallel_loop3A_627] {strides = array<i32>} : memref<8192xf32, #tpu.memory_space<vmem>>, vector<16xf32>,
          tpu.vector_store %arg14[%parallel_loop3A_627], %parallel_loop3A_624 {strides = array<i32>} : memref<8192xf32, #tpu.memory_space<vmem>>, vector<16xf32>,
          %parallel_loop3A_629 = arith.mulf %parallel_loop3A_616, %get3A_7 : vector<16xf32>
          %parallel_loop3A_630 = arith.mulf %parallel_loop3A_539, %parallel_loop3A_629 : vector<16xf32>
          %parallel_loop3A_631 = arith.constant 32 : i32
          %parallel_loop3A_632 = arith.addi %parallel_loop3A_489, %parallel_loop3A_631 : i32
          %parallel_loop3A_633 = arith.index_cast %parallel_loop3A_632 : i32 to index
          %parallel_loop3A_634 = tpu.vector_load %arg14[%parallel_loop3A_633] {strides = array<i32>} : memref<8192xf32, #tpu.memory_space<vmem>>, vector<16xf32>,
          tpu.vector_store %arg14[%parallel_loop3A_633], %parallel_loop3A_630 {strides = array<i32>} : memref<8192xf32, #tpu.memory_space<vmem>>, vector<16xf32>,
          %parallel_loop3A_635 = arith.mulf %parallel_loop3A_616, %get3A_9 : vector<16xf32>
          %parallel_loop3A_636 = arith.mulf %parallel_loop3A_545, %parallel_loop3A_635 : vector<16xf32>
          %parallel_loop3A_637 = arith.constant 48 : i32
          %parallel_loop3A_638 = arith.addi %parallel_loop3A_489, %parallel_loop3A_637 : i32
          %parallel_loop3A_639 = arith.index_cast %parallel_loop3A_638 : i32 to index
          %parallel_loop3A_640 = tpu.vector_load %arg14[%parallel_loop3A_639] {strides = array<i32>} : memref<8192xf32, #tpu.memory_space<vmem>>, vector<16xf32>,
          tpu.vector_store %arg14[%parallel_loop3A_639], %parallel_loop3A_636 {strides = array<i32>} : memref<8192xf32, #tpu.memory_space<vmem>>, vector<16xf32>,
          %parallel_loop3A_641 = arith.mulf %parallel_loop3A_616, %get3A_11 : vector<16xf32>
          %parallel_loop3A_642 = arith.mulf %parallel_loop3A_551, %parallel_loop3A_641 : vector<16xf32>
          %parallel_loop3A_643 = arith.constant 64 : i32
          %parallel_loop3A_644 = arith.addi %parallel_loop3A_489, %parallel_loop3A_643 : i32
          %parallel_loop3A_645 = arith.index_cast %parallel_loop3A_644 : i32 to index
          %parallel_loop3A_646 = tpu.vector_load %arg14[%parallel_loop3A_645] {strides = array<i32>} : memref<8192xf32, #tpu.memory_space<vmem>>, vector<16xf32>,
          tpu.vector_store %arg14[%parallel_loop3A_645], %parallel_loop3A_642 {strides = array<i32>} : memref<8192xf32, #tpu.memory_space<vmem>>, vector<16xf32>,
          %parallel_loop3A_647 = arith.mulf %parallel_loop3A_616, %get3A_13 : vector<16xf32>
          %parallel_loop3A_648 = arith.mulf %parallel_loop3A_557, %parallel_loop3A_647 : vector<16xf32>
          %parallel_loop3A_649 = arith.constant 80 : i32
          %parallel_loop3A_650 = arith.addi %parallel_loop3A_489, %parallel_loop3A_649 : i32
          %parallel_loop3A_651 = arith.index_cast %parallel_loop3A_650 : i32 to index
          %parallel_loop3A_652 = tpu.vector_load %arg14[%parallel_loop3A_651] {strides = array<i32>} : memref<8192xf32, #tpu.memory_space<vmem>>, vector<16xf32>,
          tpu.vector_store %arg14[%parallel_loop3A_651], %parallel_loop3A_648 {strides = array<i32>} : memref<8192xf32, #tpu.memory_space<vmem>>, vector<16xf32>,
          %parallel_loop3A_653 = arith.mulf %parallel_loop3A_616, %get3A_15 : vector<16xf32>
          %parallel_loop3A_654 = arith.mulf %parallel_loop3A_563, %parallel_loop3A_653 : vector<16xf32>
          %parallel_loop3A_655 = arith.constant 96 : i32
          %parallel_loop3A_656 = arith.addi %parallel_loop3A_489, %parallel_loop3A_655 : i32
          %parallel_loop3A_657 = arith.index_cast %parallel_loop3A_656 : i32 to index
          %parallel_loop3A_658 = tpu.vector_load %arg14[%parallel_loop3A_657] {strides = array<i32>} : memref<8192xf32, #tpu.memory_space<vmem>>, vector<16xf32>,
          tpu.vector_store %arg14[%parallel_loop3A_657], %parallel_loop3A_654 {strides = array<i32>} : memref<8192xf32, #tpu.memory_space<vmem>>, vector<16xf32>,
          %parallel_loop3A_659 = arith.mulf %parallel_loop3A_616, %get3A_17 : vector<16xf32>
          %parallel_loop3A_660 = arith.mulf %parallel_loop3A_569, %parallel_loop3A_659 : vector<16xf32>
          %parallel_loop3A_661 = arith.constant 112 : i32
          %parallel_loop3A_662 = arith.addi %parallel_loop3A_489, %parallel_loop3A_661 : i32
          %parallel_loop3A_663 = arith.index_cast %parallel_loop3A_662 : i32 to index
          %parallel_loop3A_664 = tpu.vector_load %arg14[%parallel_loop3A_663] {strides = array<i32>} : memref<8192xf32, #tpu.memory_space<vmem>>, vector<16xf32>,
          tpu.vector_store %arg14[%parallel_loop3A_663], %parallel_loop3A_660 {strides = array<i32>} : memref<8192xf32, #tpu.memory_space<vmem>>, vector<16xf32>,
        } {sc.loop_unroll_factor = 2 : i64, sc.parallel_access}
        %add3A_437 = arith.constant 0 : i32
        %add3A_438 = arith.addi %add3A_437, %add3A_110 : i32
        %mul3A_439 = arith.constant 2048 : i32
        %mul3A_440 = arith.muli %add3A_329, %mul3A_439 : i32
        %dma_start3A_441 = arith.constant 0 : i32
        %dma_start3A_442 = tpu.memref_slice %arg14[%dma_start3A_441] : memref<8192xf32, #tpu.memory_space<vmem>> -> memref<2048xf32, #tpu.memory_space<vmem>>
        %dma_start3A_443 = tpu.memref_slice %arg7[%add3A_438, %mul3A_440] : memref<1536x49152xf32, #tpu.memory_space<hbm>> -> memref<1x2048xf32, #tpu.memory_space<hbm>>
        %dma_start3A_444 = tpu.memref_squeeze %dma_start3A_443 : memref<1x2048xf32, #tpu.memory_space<hbm>> -> memref<2048xf32, #tpu.memory_space<hbm>>
        %dma_start3A_445 = tpu.memref_slice %arg7[%add3A_438, %mul3A_440] : memref<1536x49152xf32, #tpu.memory_space<hbm>> -> memref<1x2048xf32, #tpu.memory_space<hbm>>
        %dma_start3A_446 = tpu.memref_squeeze %dma_start3A_445 : memref<1x2048xf32, #tpu.memory_space<hbm>> -> memref<2048xf32, #tpu.memory_space<hbm>>
        %dma_start3A_447 = arith.constant 0 : i32
        %dma_start3A_448 = tpu.memref_slice %arg14[%dma_start3A_447] : memref<8192xf32, #tpu.memory_space<vmem>> -> memref<2048xf32, #tpu.memory_space<vmem>>
        tpu.enqueue_dma source(%dma_start3A_448 : memref<2048xf32, #tpu.memory_space<vmem>>) target(%dma_start3A_446 : memref<2048xf32, #tpu.memory_space<hbm>>) target_semaphore(%arg17 : memref<!tpu.dma_semaphore, #tpu.memory_space<semaphore_mem>>)
        %add3A_449 = arith.constant 384 : i32
        %add3A_450 = arith.addi %add3A_449, %add3A_110 : i32
        %mul3A_451 = arith.constant 2048 : i32
        %mul3A_452 = arith.muli %add3A_329, %mul3A_451 : i32
        %dma_start3A_453 = arith.constant 2048 : i32
        %dma_start3A_454 = tpu.memref_slice %arg14[%dma_start3A_453] : memref<8192xf32, #tpu.memory_space<vmem>> -> memref<2048xf32, #tpu.memory_space<vmem>>
        %dma_start3A_455 = tpu.memref_slice %arg7[%add3A_450, %mul3A_452] : memref<1536x49152xf32, #tpu.memory_space<hbm>> -> memref<1x2048xf32, #tpu.memory_space<hbm>>
        %dma_start3A_456 = tpu.memref_squeeze %dma_start3A_455 : memref<1x2048xf32, #tpu.memory_space<hbm>> -> memref<2048xf32, #tpu.memory_space<hbm>>
        %dma_start3A_457 = tpu.memref_slice %arg7[%add3A_450, %mul3A_452] : memref<1536x49152xf32, #tpu.memory_space<hbm>> -> memref<1x2048xf32, #tpu.memory_space<hbm>>
        %dma_start3A_458 = tpu.memref_squeeze %dma_start3A_457 : memref<1x2048xf32, #tpu.memory_space<hbm>> -> memref<2048xf32, #tpu.memory_space<hbm>>
        %dma_start3A_459 = arith.constant 2048 : i32
        %dma_start3A_460 = tpu.memref_slice %arg14[%dma_start3A_459] : memref<8192xf32, #tpu.memory_space<vmem>> -> memref<2048xf32, #tpu.memory_space<vmem>>
        tpu.enqueue_dma source(%dma_start3A_460 : memref<2048xf32, #tpu.memory_space<vmem>>) target(%dma_start3A_458 : memref<2048xf32, #tpu.memory_space<hbm>>) target_semaphore(%arg17 : memref<!tpu.dma_semaphore, #tpu.memory_space<semaphore_mem>>)
        %add3A_461 = arith.constant 768 : i32
        %add3A_462 = arith.addi %add3A_461, %add3A_110 : i32
        %mul3A_463 = arith.constant 2048 : i32
        %mul3A_464 = arith.muli %add3A_329, %mul3A_463 : i32
        %dma_start3A_465 = arith.constant 4096 : i32
        %dma_start3A_466 = tpu.memref_slice %arg14[%dma_start3A_465] : memref<8192xf32, #tpu.memory_space<vmem>> -> memref<2048xf32, #tpu.memory_space<vmem>>
        %dma_start3A_467 = tpu.memref_slice %arg7[%add3A_462, %mul3A_464] : memref<1536x49152xf32, #tpu.memory_space<hbm>> -> memref<1x2048xf32, #tpu.memory_space<hbm>>
        %dma_start3A_468 = tpu.memref_squeeze %dma_start3A_467 : memref<1x2048xf32, #tpu.memory_space<hbm>> -> memref<2048xf32, #tpu.memory_space<hbm>>
        %dma_start3A_469 = tpu.memref_slice %arg7[%add3A_462, %mul3A_464] : memref<1536x49152xf32, #tpu.memory_space<hbm>> -> memref<1x2048xf32, #tpu.memory_space<hbm>>
        %dma_start3A_470 = tpu.memref_squeeze %dma_start3A_469 : memref<1x2048xf32, #tpu.memory_space<hbm>> -> memref<2048xf32, #tpu.memory_space<hbm>>
        %dma_start3A_471 = arith.constant 4096 : i32
        %dma_start3A_472 = tpu.memref_slice %arg14[%dma_start3A_471] : memref<8192xf32, #tpu.memory_space<vmem>> -> memref<2048xf32, #tpu.memory_space<vmem>>
        tpu.enqueue_dma source(%dma_start3A_472 : memref<2048xf32, #tpu.memory_space<vmem>>) target(%dma_start3A_470 : memref<2048xf32, #tpu.memory_space<hbm>>) target_semaphore(%arg17 : memref<!tpu.dma_semaphore, #tpu.memory_space<semaphore_mem>>)
        %add3A_473 = arith.constant 1152 : i32
        %add3A_474 = arith.addi %add3A_473, %add3A_110 : i32
        %mul3A_475 = arith.constant 2048 : i32
        %mul3A_476 = arith.muli %add3A_329, %mul3A_475 : i32
        %dma_start3A_477 = arith.constant 6144 : i32
        %dma_start3A_478 = tpu.memref_slice %arg14[%dma_start3A_477] : memref<8192xf32, #tpu.memory_space<vmem>> -> memref<2048xf32, #tpu.memory_space<vmem>>
        %dma_start3A_479 = tpu.memref_slice %arg7[%add3A_474, %mul3A_476] : memref<1536x49152xf32, #tpu.memory_space<hbm>> -> memref<1x2048xf32, #tpu.memory_space<hbm>>
        %dma_start3A_480 = tpu.memref_squeeze %dma_start3A_479 : memref<1x2048xf32, #tpu.memory_space<hbm>> -> memref<2048xf32, #tpu.memory_space<hbm>>
        %dma_start3A_481 = tpu.memref_slice %arg7[%add3A_474, %mul3A_476] : memref<1536x49152xf32, #tpu.memory_space<hbm>> -> memref<1x2048xf32, #tpu.memory_space<hbm>>
        %dma_start3A_482 = tpu.memref_squeeze %dma_start3A_481 : memref<1x2048xf32, #tpu.memory_space<hbm>> -> memref<2048xf32, #tpu.memory_space<hbm>>
        %dma_start3A_483 = arith.constant 6144 : i32
        %dma_start3A_484 = tpu.memref_slice %arg14[%dma_start3A_483] : memref<8192xf32, #tpu.memory_space<vmem>> -> memref<2048xf32, #tpu.memory_space<vmem>>
        tpu.enqueue_dma source(%dma_start3A_484 : memref<2048xf32, #tpu.memory_space<vmem>>) target(%dma_start3A_482 : memref<2048xf32, #tpu.memory_space<hbm>>) target_semaphore(%arg17 : memref<!tpu.dma_semaphore, #tpu.memory_space<semaphore_mem>>)
      }
      %scan3A_172 = arith.constant 12 : i32
    }
    %scan3A_21 = arith.constant 12 : i32
    %dma_wait3A = arith.constant 0 : i32
    %dma_wait3A_22 = arith.constant 0 : i32
    %dma_wait3A_23 = tpu.memref_slice %arg13[%dma_wait3A_22] : memref<8192xf32, #tpu.memory_space<vmem>> -> memref<2048xf32, #tpu.memory_space<vmem>>
    %dma_wait3A_24 = arith.constant 0 : i32
    %dma_wait3A_25 = tpu.memref_slice %arg7[%dma_wait3A, %dma_wait3A_24] : memref<1536x49152xf32, #tpu.memory_space<hbm>> -> memref<1x2048xf32, #tpu.memory_space<hbm>>
    %dma_wait3A_26 = tpu.memref_squeeze %dma_wait3A_25 : memref<1x2048xf32, #tpu.memory_space<hbm>> -> memref<2048xf32, #tpu.memory_space<hbm>>
    %dma_wait3A_27 = arith.constant 0 : i32
    %dma_wait3A_28 = tpu.memref_slice %arg7[%dma_wait3A, %dma_wait3A_27] : memref<1536x49152xf32, #tpu.memory_space<hbm>> -> memref<1x2048xf32, #tpu.memory_space<hbm>>
    %dma_wait3A_29 = tpu.memref_squeeze %dma_wait3A_28 : memref<1x2048xf32, #tpu.memory_space<hbm>> -> memref<2048xf32, #tpu.memory_space<hbm>>
    %dma_wait3A_30 = arith.constant 0 : i32
    %dma_wait3A_31 = tpu.memref_slice %arg13[%dma_wait3A_30] : memref<8192xf32, #tpu.memory_space<vmem>> -> memref<2048xf32, #tpu.memory_space<vmem>>
    tpu.wait_dma2 semaphore(%arg16 : memref<!tpu.dma_semaphore, #tpu.memory_space<semaphore_mem>>) src(%dma_wait3A_31 : memref<2048xf32, #tpu.memory_space<vmem>>) dst(%dma_wait3A_29 : memref<2048xf32, #tpu.memory_space<hbm>>)
    %dma_wait3A_32 = arith.constant 0 : i32
    %dma_wait3A_33 = arith.constant 0 : i32
    %dma_wait3A_34 = tpu.memref_slice %arg14[%dma_wait3A_33] : memref<8192xf32, #tpu.memory_space<vmem>> -> memref<2048xf32, #tpu.memory_space<vmem>>
    %dma_wait3A_35 = arith.constant 0 : i32
    %dma_wait3A_36 = tpu.memref_slice %arg7[%dma_wait3A_32, %dma_wait3A_35] : memref<1536x49152xf32, #tpu.memory_space<hbm>> -> memref<1x2048xf32, #tpu.memory_space<hbm>>
    %dma_wait3A_37 = tpu.memref_squeeze %dma_wait3A_36 : memref<1x2048xf32, #tpu.memory_space<hbm>> -> memref<2048xf32, #tpu.memory_space<hbm>>
    %dma_wait3A_38 = arith.constant 0 : i32
    %dma_wait3A_39 = tpu.memref_slice %arg7[%dma_wait3A_32, %dma_wait3A_38] : memref<1536x49152xf32, #tpu.memory_space<hbm>> -> memref<1x2048xf32, #tpu.memory_space<hbm>>
    %dma_wait3A_40 = tpu.memref_squeeze %dma_wait3A_39 : memref<1x2048xf32, #tpu.memory_space<hbm>> -> memref<2048xf32, #tpu.memory_space<hbm>>
    %dma_wait3A_41 = arith.constant 0 : i32
    %dma_wait3A_42 = tpu.memref_slice %arg14[%dma_wait3A_41] : memref<8192xf32, #tpu.memory_space<vmem>> -> memref<2048xf32, #tpu.memory_space<vmem>>
    tpu.wait_dma2 semaphore(%arg17 : memref<!tpu.dma_semaphore, #tpu.memory_space<semaphore_mem>>) src(%dma_wait3A_42 : memref<2048xf32, #tpu.memory_space<vmem>>) dst(%dma_wait3A_40 : memref<2048xf32, #tpu.memory_space<hbm>>)
    %dma_wait3A_43 = arith.constant 0 : i32
    %dma_wait3A_44 = arith.constant 2048 : i32
    %dma_wait3A_45 = tpu.memref_slice %arg13[%dma_wait3A_44] : memref<8192xf32, #tpu.memory_space<vmem>> -> memref<2048xf32, #tpu.memory_space<vmem>>
    %dma_wait3A_46 = arith.constant 0 : i32
    %dma_wait3A_47 = tpu.memref_slice %arg7[%dma_wait3A_43, %dma_wait3A_46] : memref<1536x49152xf32, #tpu.memory_space<hbm>> -> memref<1x2048xf32, #tpu.memory_space<hbm>>
    %dma_wait3A_48 = tpu.memref_squeeze %dma_wait3A_47 : memref<1x2048xf32, #tpu.memory_space<hbm>> -> memref<2048xf32, #tpu.memory_space<hbm>>
    %dma_wait3A_49 = arith.constant 0 : i32
    %dma_wait3A_50 = tpu.memref_slice %arg7[%dma_wait3A_43, %dma_wait3A_49] : memref<1536x49152xf32, #tpu.memory_space<hbm>> -> memref<1x2048xf32, #tpu.memory_space<hbm>>
    %dma_wait3A_51 = tpu.memref_squeeze %dma_wait3A_50 : memref<1x2048xf32, #tpu.memory_space<hbm>> -> memref<2048xf32, #tpu.memory_space<hbm>>
    %dma_wait3A_52 = arith.constant 2048 : i32
    %dma_wait3A_53 = tpu.memref_slice %arg13[%dma_wait3A_52] : memref<8192xf32, #tpu.memory_space<vmem>> -> memref<2048xf32, #tpu.memory_space<vmem>>
    tpu.wait_dma2 semaphore(%arg16 : memref<!tpu.dma_semaphore, #tpu.memory_space<semaphore_mem>>) src(%dma_wait3A_53 : memref<2048xf32, #tpu.memory_space<vmem>>) dst(%dma_wait3A_51 : memref<2048xf32, #tpu.memory_space<hbm>>)
    %dma_wait3A_54 = arith.constant 0 : i32
    %dma_wait3A_55 = arith.constant 2048 : i32
    %dma_wait3A_56 = tpu.memref_slice %arg14[%dma_wait3A_55] : memref<8192xf32, #tpu.memory_space<vmem>> -> memref<2048xf32, #tpu.memory_space<vmem>>
    %dma_wait3A_57 = arith.constant 0 : i32
    %dma_wait3A_58 = tpu.memref_slice %arg7[%dma_wait3A_54, %dma_wait3A_57] : memref<1536x49152xf32, #tpu.memory_space<hbm>> -> memref<1x2048xf32, #tpu.memory_space<hbm>>
    %dma_wait3A_59 = tpu.memref_squeeze %dma_wait3A_58 : memref<1x2048xf32, #tpu.memory_space<hbm>> -> memref<2048xf32, #tpu.memory_space<hbm>>
    %dma_wait3A_60 = arith.constant 0 : i32
    %dma_wait3A_61 = tpu.memref_slice %arg7[%dma_wait3A_54, %dma_wait3A_60] : memref<1536x49152xf32, #tpu.memory_space<hbm>> -> memref<1x2048xf32, #tpu.memory_space<hbm>>
    %dma_wait3A_62 = tpu.memref_squeeze %dma_wait3A_61 : memref<1x2048xf32, #tpu.memory_space<hbm>> -> memref<2048xf32, #tpu.memory_space<hbm>>
    %dma_wait3A_63 = arith.constant 2048 : i32
    %dma_wait3A_64 = tpu.memref_slice %arg14[%dma_wait3A_63] : memref<8192xf32, #tpu.memory_space<vmem>> -> memref<2048xf32, #tpu.memory_space<vmem>>
    tpu.wait_dma2 semaphore(%arg17 : memref<!tpu.dma_semaphore, #tpu.memory_space<semaphore_mem>>) src(%dma_wait3A_64 : memref<2048xf32, #tpu.memory_space<vmem>>) dst(%dma_wait3A_62 : memref<2048xf32, #tpu.memory_space<hbm>>)
    %dma_wait3A_65 = arith.constant 0 : i32
    %dma_wait3A_66 = arith.constant 4096 : i32
    %dma_wait3A_67 = tpu.memref_slice %arg13[%dma_wait3A_66] : memref<8192xf32, #tpu.memory_space<vmem>> -> memref<2048xf32, #tpu.memory_space<vmem>>
    %dma_wait3A_68 = arith.constant 0 : i32
    %dma_wait3A_69 = tpu.memref_slice %arg7[%dma_wait3A_65, %dma_wait3A_68] : memref<1536x49152xf32, #tpu.memory_space<hbm>> -> memref<1x2048xf32, #tpu.memory_space<hbm>>
    %dma_wait3A_70 = tpu.memref_squeeze %dma_wait3A_69 : memref<1x2048xf32, #tpu.memory_space<hbm>> -> memref<2048xf32, #tpu.memory_space<hbm>>
    %dma_wait3A_71 = arith.constant 0 : i32
    %dma_wait3A_72 = tpu.memref_slice %arg7[%dma_wait3A_65, %dma_wait3A_71] : memref<1536x49152xf32, #tpu.memory_space<hbm>> -> memref<1x2048xf32, #tpu.memory_space<hbm>>
    %dma_wait3A_73 = tpu.memref_squeeze %dma_wait3A_72 : memref<1x2048xf32, #tpu.memory_space<hbm>> -> memref<2048xf32, #tpu.memory_space<hbm>>
    %dma_wait3A_74 = arith.constant 4096 : i32
    %dma_wait3A_75 = tpu.memref_slice %arg13[%dma_wait3A_74] : memref<8192xf32, #tpu.memory_space<vmem>> -> memref<2048xf32, #tpu.memory_space<vmem>>
    tpu.wait_dma2 semaphore(%arg16 : memref<!tpu.dma_semaphore, #tpu.memory_space<semaphore_mem>>) src(%dma_wait3A_75 : memref<2048xf32, #tpu.memory_space<vmem>>) dst(%dma_wait3A_73 : memref<2048xf32, #tpu.memory_space<hbm>>)
    %dma_wait3A_76 = arith.constant 0 : i32
    %dma_wait3A_77 = arith.constant 4096 : i32
    %dma_wait3A_78 = tpu.memref_slice %arg14[%dma_wait3A_77] : memref<8192xf32, #tpu.memory_space<vmem>> -> memref<2048xf32, #tpu.memory_space<vmem>>
    %dma_wait3A_79 = arith.constant 0 : i32
    %dma_wait3A_80 = tpu.memref_slice %arg7[%dma_wait3A_76, %dma_wait3A_79] : memref<1536x49152xf32, #tpu.memory_space<hbm>> -> memref<1x2048xf32, #tpu.memory_space<hbm>>
    %dma_wait3A_81 = tpu.memref_squeeze %dma_wait3A_80 : memref<1x2048xf32, #tpu.memory_space<hbm>> -> memref<2048xf32, #tpu.memory_space<hbm>>
    %dma_wait3A_82 = arith.constant 0 : i32
    %dma_wait3A_83 = tpu.memref_slice %arg7[%dma_wait3A_76, %dma_wait3A_82] : memref<1536x49152xf32, #tpu.memory_space<hbm>> -> memref<1x2048xf32, #tpu.memory_space<hbm>>
    %dma_wait3A_84 = tpu.memref_squeeze %dma_wait3A_83 : memref<1x2048xf32, #tpu.memory_space<hbm>> -> memref<2048xf32, #tpu.memory_space<hbm>>
    %dma_wait3A_85 = arith.constant 4096 : i32
    %dma_wait3A_86 = tpu.memref_slice %arg14[%dma_wait3A_85] : memref<8192xf32, #tpu.memory_space<vmem>> -> memref<2048xf32, #tpu.memory_space<vmem>>
    tpu.wait_dma2 semaphore(%arg17 : memref<!tpu.dma_semaphore, #tpu.memory_space<semaphore_mem>>) src(%dma_wait3A_86 : memref<2048xf32, #tpu.memory_space<vmem>>) dst(%dma_wait3A_84 : memref<2048xf32, #tpu.memory_space<hbm>>)
    %dma_wait3A_87 = arith.constant 0 : i32
    %dma_wait3A_88 = arith.constant 6144 : i32
    %dma_wait3A_89 = tpu.memref_slice %arg13[%dma_wait3A_88] : memref<8192xf32, #tpu.memory_space<vmem>> -> memref<2048xf32, #tpu.memory_space<vmem>>
    %dma_wait3A_90 = arith.constant 0 : i32
    %dma_wait3A_91 = tpu.memref_slice %arg7[%dma_wait3A_87, %dma_wait3A_90] : memref<1536x49152xf32, #tpu.memory_space<hbm>> -> memref<1x2048xf32, #tpu.memory_space<hbm>>
    %dma_wait3A_92 = tpu.memref_squeeze %dma_wait3A_91 : memref<1x2048xf32, #tpu.memory_space<hbm>> -> memref<2048xf32, #tpu.memory_space<hbm>>
    %dma_wait3A_93 = arith.constant 0 : i32
    %dma_wait3A_94 = tpu.memref_slice %arg7[%dma_wait3A_87, %dma_wait3A_93] : memref<1536x49152xf32, #tpu.memory_space<hbm>> -> memref<1x2048xf32, #tpu.memory_space<hbm>>
    %dma_wait3A_95 = tpu.memref_squeeze %dma_wait3A_94 : memref<1x2048xf32, #tpu.memory_space<hbm>> -> memref<2048xf32, #tpu.memory_space<hbm>>
    %dma_wait3A_96 = arith.constant 6144 : i32
    %dma_wait3A_97 = tpu.memref_slice %arg13[%dma_wait3A_96] : memref<8192xf32, #tpu.memory_space<vmem>> -> memref<2048xf32, #tpu.memory_space<vmem>>
    tpu.wait_dma2 semaphore(%arg16 : memref<!tpu.dma_semaphore, #tpu.memory_space<semaphore_mem>>) src(%dma_wait3A_97 : memref<2048xf32, #tpu.memory_space<vmem>>) dst(%dma_wait3A_95 : memref<2048xf32, #tpu.memory_space<hbm>>)
    %dma_wait3A_98 = arith.constant 0 : i32
    %dma_wait3A_99 = arith.constant 6144 : i32
    %dma_wait3A_100 = tpu.memref_slice %arg14[%dma_wait3A_99] : memref<8192xf32, #tpu.memory_space<vmem>> -> memref<2048xf32, #tpu.memory_space<vmem>>
    %dma_wait3A_101 = arith.constant 0 : i32
    %dma_wait3A_102 = tpu.memref_slice %arg7[%dma_wait3A_98, %dma_wait3A_101] : memref<1536x49152xf32, #tpu.memory_space<hbm>> -> memref<1x2048xf32, #tpu.memory_space<hbm>>
    %dma_wait3A_103 = tpu.memref_squeeze %dma_wait3A_102 : memref<1x2048xf32, #tpu.memory_space<hbm>> -> memref<2048xf32, #tpu.memory_space<hbm>>
    %dma_wait3A_104 = arith.constant 0 : i32
    %dma_wait3A_105 = tpu.memref_slice %arg7[%dma_wait3A_98, %dma_wait3A_104] : memref<1536x49152xf32, #tpu.memory_space<hbm>> -> memref<1x2048xf32, #tpu.memory_space<hbm>>
    %dma_wait3A_106 = tpu.memref_squeeze %dma_wait3A_105 : memref<1x2048xf32, #tpu.memory_space<hbm>> -> memref<2048xf32, #tpu.memory_space<hbm>>
    %dma_wait3A_107 = arith.constant 6144 : i32
    %dma_wait3A_108 = tpu.memref_slice %arg14[%dma_wait3A_107] : memref<8192xf32, #tpu.memory_space<vmem>> -> memref<2048xf32, #tpu.memory_space<vmem>>
    tpu.wait_dma2 semaphore(%arg17 : memref<!tpu.dma_semaphore, #tpu.memory_space<semaphore_mem>>) src(%dma_wait3A_108 : memref<2048xf32, #tpu.memory_space<vmem>>) dst(%dma_wait3A_106 : memref<2048xf32, #tpu.memory_space<hbm>>)
    return
  }
}

module attributes {stable_mosaic.version = 14 : i64} {
  func.func @_pos_parts_body(%arg0: memref<1x32xf32, #tpu.memory_space<vmem>>, %arg1: memref<1x32xf32, #tpu.memory_space<vmem>>, %arg2: memref<1x32xf32, #tpu.memory_space<vmem>>, %arg3: memref<1x32xf32, #tpu.memory_space<vmem>>, %arg4: memref<128x128xf32, #tpu.memory_space<vmem>>, %arg5: memref<1x128xf32, #tpu.memory_space<vmem>>, %arg6: memref<384x128xf32, #tpu.memory_space<vmem>>, %arg7: memref<384x128xf32, #tpu.memory_space<vmem>>) attributes {dimension_semantics = [], scalar_prefetch = 0 : i64, scratch_operands = 0 : i64, tpu.core_type = #tpu.core_type<tc>} {
    %get3A = arith.constant 0 : index
    %get3A_0 = arith.constant 0 : index
    %get3A_1 = vector.load %arg0[%get3A, %get3A_0] : memref<1x32xf32, #tpu.memory_space<vmem>>, vector<1x32xf32>
    %max3A = arith.constant 0.000000e+00 : f32
    %max3A_2 = vector.broadcast %max3A : f32 to vector<1x32xf32>
    %max3A_3 = arith.maximumf %get3A_1, %max3A_2 : vector<1x32xf32>
    %abs3A = math.absf %get3A_1 : vector<1x32xf32>
    %neg3A = arith.constant 0.000000e+00 : f32
    %neg3A_4 = vector.broadcast %neg3A : f32 to vector<1x32xf32>
    %neg3A_5 = arith.subf %neg3A_4, %abs3A : vector<1x32xf32>
    %exp3A = math.exp %neg3A_5 : vector<1x32xf32>
    %add3A = arith.constant 1.000000e+00 : f32
    %add3A_6 = vector.broadcast %add3A : f32 to vector<1x32xf32>
    %add3A_7 = arith.addf %add3A_6, %exp3A : vector<1x32xf32>
    %log3A = math.log %add3A_7 : vector<1x32xf32>
    %add3A_8 = arith.addf %max3A_3, %log3A : vector<1x32xf32>
    %mul3A = arith.constant 1.000000e+01 : f32
    %mul3A_9 = vector.broadcast %mul3A : f32 to vector<1x32xf32>
    %mul3A_10 = arith.mulf %add3A_8, %mul3A_9 : vector<1x32xf32>
    %get3A_11 = arith.constant 0 : index
    %get3A_12 = arith.constant 0 : index
    %get3A_13 = vector.load %arg1[%get3A_11, %get3A_12] : memref<1x32xf32, #tpu.memory_space<vmem>>, vector<1x32xf32>
    %max3A_14 = arith.constant 0.000000e+00 : f32
    %max3A_15 = vector.broadcast %max3A_14 : f32 to vector<1x32xf32>
    %max3A_16 = arith.maximumf %get3A_13, %max3A_15 : vector<1x32xf32>
    %abs3A_17 = math.absf %get3A_13 : vector<1x32xf32>
    %neg3A_18 = arith.constant 0.000000e+00 : f32
    %neg3A_19 = vector.broadcast %neg3A_18 : f32 to vector<1x32xf32>
    %neg3A_20 = arith.subf %neg3A_19, %abs3A_17 : vector<1x32xf32>
    %exp3A_21 = math.exp %neg3A_20 : vector<1x32xf32>
    %add3A_22 = arith.constant 1.000000e+00 : f32
    %add3A_23 = vector.broadcast %add3A_22 : f32 to vector<1x32xf32>
    %add3A_24 = arith.addf %add3A_23, %exp3A_21 : vector<1x32xf32>
    %log3A_25 = math.log %add3A_24 : vector<1x32xf32>
    %add3A_26 = arith.addf %max3A_16, %log3A_25 : vector<1x32xf32>
    %mul3A_27 = arith.constant 1.000000e+01 : f32
    %mul3A_28 = vector.broadcast %mul3A_27 : f32 to vector<1x32xf32>
    %mul3A_29 = arith.mulf %add3A_26, %mul3A_28 : vector<1x32xf32>
    %iota3A = tpu.iota {dimensions = array<i32: 0>} : vector<384x1xi32>
    %convert_element_type3A = arith.sitofp %iota3A : vector<384x1xi32> to vector<384x1xf32>
    %mul3A_30 = arith.constant 0.00260416674 : f32
    %mul3A_31 = vector.broadcast %mul3A_30 : f32 to vector<384x1xf32>
    %mul3A_32 = arith.mulf %convert_element_type3A, %mul3A_31 : vector<384x1xf32>
    %iota3A_33 = tpu.iota {dimensions = array<i32: 0>} : vector<384x1xi32>
    %convert_element_type3A_34 = arith.sitofp %iota3A_33 : vector<384x1xi32> to vector<384x1xf32>
    %mul3A_35 = arith.constant 0.00260416674 : f32
    %mul3A_36 = vector.broadcast %mul3A_35 : f32 to vector<384x1xf32>
    %mul3A_37 = arith.mulf %convert_element_type3A_34, %mul3A_36 : vector<384x1xf32>
    %mul3A_38 = vector.broadcast %mul3A_32 : vector<384x1xf32> to vector<384x32xf32>
    %mul3A_39 = vector.broadcast %mul3A_10 : vector<1x32xf32> to vector<384x32xf32>
    %mul3A_40 = arith.mulf %mul3A_38, %mul3A_39 : vector<384x32xf32>
    %get3A_41 = arith.constant 0 : index
    %get3A_42 = arith.constant 0 : index
    %get3A_43 = vector.load %arg2[%get3A_41, %get3A_42] : memref<1x32xf32, #tpu.memory_space<vmem>>, vector<1x32xf32>
    %add3A_44 = vector.broadcast %get3A_43 : vector<1x32xf32> to vector<384x32xf32>
    %add3A_45 = arith.addf %mul3A_40, %add3A_44 : vector<384x32xf32>
    %mul3A_46 = vector.broadcast %mul3A_37 : vector<384x1xf32> to vector<384x32xf32>
    %mul3A_47 = vector.broadcast %mul3A_29 : vector<1x32xf32> to vector<384x32xf32>
    %mul3A_48 = arith.mulf %mul3A_46, %mul3A_47 : vector<384x32xf32>
    %get3A_49 = arith.constant 0 : index
    %get3A_50 = arith.constant 0 : index
    %get3A_51 = vector.load %arg3[%get3A_49, %get3A_50] : memref<1x32xf32, #tpu.memory_space<vmem>>, vector<1x32xf32>
    %add3A_52 = vector.broadcast %get3A_51 : vector<1x32xf32> to vector<384x32xf32>
    %add3A_53 = arith.addf %mul3A_48, %add3A_52 : vector<384x32xf32>
    %sin3A = math.sin %add3A_45 : vector<384x32xf32>
    %cos3A = math.cos %add3A_45 : vector<384x32xf32>
    %concatenate3A = tpu.concatenate %sin3A, %cos3A in 1 : vector<384x32xf32>, vector<384x32xf32> -> vector<384x64xf32>
    %sin3A_54 = math.sin %add3A_53 : vector<384x32xf32>
    %cos3A_55 = math.cos %add3A_53 : vector<384x32xf32>
    %concatenate3A_56 = tpu.concatenate %sin3A_54, %cos3A_55 in 1 : vector<384x32xf32>, vector<384x32xf32> -> vector<384x64xf32>
    %get3A_57 = arith.constant 0 : index
    %get3A_58 = arith.constant 0 : index
    %get3A_59 = vector.load %arg4[%get3A_57, %get3A_58] : memref<128x128xf32, #tpu.memory_space<vmem>>, vector<128x128xf32>
    %slice3A = vector.extract_strided_slice %get3A_59 {offsets = [0, 0], sizes = [64, 128], strides = [1, 1]} : vector<128x128xf32> to vector<64x128xf32>
    %dot_general3A = arith.constant dense<0.000000e+00> : vector<384x128xf32>
    %dot_general3A_60 = tpu.matmul %concatenate3A, %slice3A, %dot_general3A {dimension_numbers = #tpu.dot_dimension_numbers<[1], [0], [0], [1], [0, 0, 1, 1], [], []>, transpose_lhs_hint = false} : vector<384x64xf32>, vector<64x128xf32>, vector<384x128xf32> -> vector<384x128xf32>
    %swap3A = arith.constant 0 : index
    %swap3A_61 = arith.constant 0 : index
    %swap3A_62 = vector.load %arg6[%swap3A, %swap3A_61] : memref<384x128xf32, #tpu.memory_space<vmem>>, vector<384x128xf32>
    tpu.vector_store %arg6[%swap3A, %swap3A_61], %dot_general3A_60 {strides = array<i32>} : memref<384x128xf32, #tpu.memory_space<vmem>>, vector<384x128xf32>,
    %slice3A_63 = vector.extract_strided_slice %get3A_59 {offsets = [64, 0], sizes = [64, 128], strides = [1, 1]} : vector<128x128xf32> to vector<64x128xf32>
    %dot_general3A_64 = arith.constant dense<0.000000e+00> : vector<384x128xf32>
    %dot_general3A_65 = tpu.matmul %concatenate3A_56, %slice3A_63, %dot_general3A_64 {dimension_numbers = #tpu.dot_dimension_numbers<[1], [0], [0], [1], [0, 0, 1, 1], [], []>, transpose_lhs_hint = false} : vector<384x64xf32>, vector<64x128xf32>, vector<384x128xf32> -> vector<384x128xf32>
    %get3A_66 = arith.constant 0 : index
    %get3A_67 = arith.constant 0 : index
    %get3A_68 = vector.load %arg5[%get3A_66, %get3A_67] : memref<1x128xf32, #tpu.memory_space<vmem>>, vector<1x128xf32>
    %add3A_69 = vector.broadcast %get3A_68 : vector<1x128xf32> to vector<384x128xf32>
    %add3A_70 = arith.addf %dot_general3A_65, %add3A_69 : vector<384x128xf32>
    %swap3A_71 = arith.constant 0 : index
    %swap3A_72 = arith.constant 0 : index
    %swap3A_73 = vector.load %arg7[%swap3A_71, %swap3A_72] : memref<384x128xf32, #tpu.memory_space<vmem>>, vector<384x128xf32>
    tpu.vector_store %arg7[%swap3A_71, %swap3A_72], %add3A_70 {strides = array<i32>} : memref<384x128xf32, #tpu.memory_space<vmem>>, vector<384x128xf32>,
    return
  }
}

</mosaic_0001>

<sc_bundles>
// kernel: kernel.4.cloned.1.call-start
scs
__scs_entry_jumppad:
0x0: {  	(pc) =	sbr.rel $0x88, $3  }
0x1: {  	(tag) =	ssettag $0x0;
	lr =	simm.s32 $0x1  }
0x2: {  	[smem:$0x3F98] =	sst lr;
	_ =	strace $0xD0000000  }
0x3: {  	_ = 	snop  }
0x4: {  	_ = 	snop  }
0x5: {  	_ = 	snop  }
0x6: {  	_ = 	snop  }
0x7: {  	_ = 	snop  }
__scs_overlays_trampoline_lowered:
0x8: {  	[smem:$0x3FA7] =	sst s0  }
0x9: {  	[smem:$0x3FA8] =	sst s1  }
0xa: {  	[smem:$0x3FA9] =	sst s2  }
0xb: {  	[smem:$0x3FAA] =	sst s3  }
0xc: {  	[smem:$0x3FAB] =	sst s4  }
0xd: {  	[smem:$0x3FAC] =	sst s5  }
0xe: {  	[smem:$0x3FAD] =	sst s6  }
0xf: {  	[smem:$0x3FAE] =	sst s7  }
0x10: {  	[smem:$0x3FAF] =	sst s8  }
0x11: {  	[smem:$0x3FB0] =	sst s9;
	s0 =	simm.s32 @!p0 $0x0  }
0x12: {  	s1 =	sld [smem:$0x3F96];
	s0 =	simm.s32 @p0 $0x1  }
0x13: {  	[smem:$0x3FB1] =	sst s0;
	s0 =	simm.s32 @!p1 $0x0  }
0x14: {  	s2 =	sld [smem:$0x3F95];
	s0 =	simm.s32 @p1 $0x1  }
0x15: {  	[smem:$0x3FB2] =	sst s0;
	s0 =	simm.s32 @!p2 $0x0  }
0x16: {  	s3 =	sld [smem:$0x3FDB];
	s0 =	simm.s32 @p2 $0x1  }
0x17: {  	s4 =	simm.s32 $0x1BF5;
	[smem:$0x3FB4] =	sst s0  }
0x18: {  	s0 =	sld [smem:$0x3F97];
	_ =	swait.ge [sflag:s4], $0x0  }
0x19: {  	s7 =	sld [smem:$0x3F98]  }
0x1a: {  	s8 =	sadd.s32 $0xFFFFE003, lr  }
0x1b: {  	s9 =	sadd.s32 $0xFFFFFEF7, lr;
	s5 =	simm.s32 $0xFFFFFFFF;
	p2 =	slt.u32 s8, $0xFFFFF086  }
0x1c: {  	p1 =	slt.u32 s9, $0xF7A;
	s5 =	simm.s32 @!p2 $0x0  }
0x1d: {  	s5 =	simm.s32 @p1 $0x1;
	p0 =	seq.s32 s7, s2  }
0x1e: {  	s7 =	smul.u32 @!p0 $0xF7A, s2;
	p2 =	seq.s32 @!p0 s5, $0x0  }
0x1f: {  	s9 =	smul.u32 $0xF7A, s1;
	s8 =	simm.s32 @!p0 $0x1BF5;
	p2 =	por !p2, p0  }
0x20: {  	[sflag:s8] =	ssyncset.s32 @!p0 $0xFFFFF086;
	s6 =	sadd.s32 @!p0 s3, s7;
	s7 =	simm.s32 @!p0 $0x108  }
0x21: {  	s3 =	sadd.s32 s3, s9;
	s6 =	sadd.s32 @!p0 $0x88, s6;
	s7 =	simm.s32 @p2 $0x1082  }
0x22: {  	[simem:s7], [sflag:s8] =	dma.local @!p0 [hbm:s6], $0xF7A  }
0x23: {  	s9 =	sor.u32 $0xD0000000, s2;
	s6 =	simm.s32 $0x108;
	_ =	swait.ge @!p0 [sflag:s8], $0x0  }
0x24: {  	s3 =	sadd.s32 $0x88, s3;
	s6 =	simm.s32 @!p1 $0x1082;
	[sflag:s4] =	ssyncset.s32 $0xFFFFF086  }
0x25: {  	[simem:s6], [sflag:s4] =	dma.local [hbm:s3], $0xF7A  }
0x26: {  	[smem:$0x3F98] =	sst s1;
	(tag) =	ssettag s2;
	_ =	strace s9  }
0x27: {  	s1 =	sld [smem:$0x3FA8]  }
0x28: {  	s2 =	sld [smem:$0x3FA9]  }
0x29: {  	s4 =	sld [smem:$0x3FAB]  }
0x2a: {  	p0 =	seq.s32 s5, $0x0;
	s5 =	sld [smem:$0x3FAC]  }
0x2b: {  	s6 =	sld [smem:$0x3FAD]  }
0x2c: {  	s7 =	sld [smem:$0x3FAE]  }
0x2d: {  	s3 =	simm.s32 $0x108;
	s8 =	sld [smem:$0x3FAF]  }
0x2e: {  	s3 =	simm.s32 @!p0 $0x1082;
	s9 =	sld [smem:$0x3FB0]  }
0x2f: {  	lr =	sadd.s32 s0, s3;
	s0 =	sld [smem:$0x3FA7]  }
0x30: {  	s3 =	sld [smem:$0x3FAA]  }
0x31: {  	[smem:$0x3FB3] =	sst s10  }
0x32: {  	s10 =	sld [smem:$0x3FB1];
	_ =	sdelay $0x3  }
0x33: {  	p0 =	seq.s32 s10, $0x1;
	s10 =	sld [smem:$0x3FB3];
	_ =	sdelay $0x3  }
0x34: {  	[smem:$0x3FB3] =	sst s10  }
0x35: {  	s10 =	sld [smem:$0x3FB2];
	_ =	sdelay $0x3  }
0x36: {  	p1 =	seq.s32 s10, $0x1;
	s10 =	sld [smem:$0x3FB3];
	_ =	sdelay $0x3  }
0x37: {  	[smem:$0x3FB3] =	sst s10  }
0x38: {  	s10 =	sld [smem:$0x3FB4]  }
0x39: {  	_ = 	snop;
	(pc) =	sbr.ind lr, $3  }
0x3a: {  	_ = 	snop  }
0x3b: {  	_ = 	snop  }
0x3c: {  	p2 =	seq.s32 s10, $0x1;
	s10 =	sld [smem:$0x3FB3]  }
0x3d: {  	_ =	shalt  }
0x3e: {  	_ =	shalt  }
0x3f: {  	_ =	shalt  }
0x40: {  	_ =	shalt  }
0x41: {  	_ =	shalt  }
0x42: {  	_ =	shalt  }
0x43: {  	_ =	shalt  }
0x44: {  	_ =	shalt  }
0x45: {  	_ =	shalt  }
0x46: {  	_ =	shalt  }
0x47: {  	_ =	shalt  }
0x48: {  	_ =	shalt  }
0x49: {  	_ =	shalt  }
0x4a: {  	_ =	shalt  }
0x4b: {  	_ =	shalt  }
0x4c: {  	_ =	shalt  }
0x4d: {  	_ =	shalt  }
0x4e: {  	_ =	shalt  }
0x4f: {  	_ =	shalt  }
0x50: {  	_ =	shalt  }
0x51: {  	_ =	shalt  }
0x52: {  	_ =	shalt  }
0x53: {  	_ =	shalt  }
0x54: {  	_ =	shalt  }
0x55: {  	_ =	shalt  }
0x56: {  	_ =	shalt  }
0x57: {  	_ =	shalt  }
0x58: {  	_ =	shalt  }
0x59: {  	_ =	shalt  }
0x5a: {  	_ =	shalt  }
0x5b: {  	_ =	shalt  }
0x5c: {  	_ =	shalt  }
0x5d: {  	_ =	shalt  }
0x5e: {  	_ =	shalt  }
0x5f: {  	_ =	shalt  }
0x60: {  	_ =	shalt  }
0x61: {  	_ =	shalt  }
0x62: {  	_ =	shalt  }
0x63: {  	_ =	shalt  }
0x64: {  	_ =	shalt  }
0x65: {  	_ =	shalt  }
0x66: {  	_ =	shalt  }
0x67: {  	_ =	shalt  }
0x68: {  	_ =	shalt  }
0x69: {  	_ =	shalt  }
0x6a: {  	_ =	shalt  }
0x6b: {  	_ =	shalt  }
0x6c: {  	_ =	shalt  }
0x6d: {  	_ =	shalt  }
0x6e: {  	_ =	shalt  }
0x6f: {  	_ =	shalt  }
0x70: {  	_ =	shalt  }
0x71: {  	_ =	shalt  }
0x72: {  	_ =	shalt  }
0x73: {  	_ =	shalt  }
0x74: {  	_ =	shalt  }
0x75: {  	_ =	shalt  }
0x76: {  	_ =	shalt  }
0x77: {  	_ =	shalt  }
0x78: {  	_ =	shalt  }
0x79: {  	_ =	shalt  }
0x7a: {  	_ =	shalt  }
0x7b: {  	_ =	shalt  }
0x7c: {  	_ =	shalt  }
0x7d: {  	_ =	shalt  }
0x7e: {  	_ =	shalt  }
0x7f: {  	_ =	shalt  }
0x80: {  	_ =	shalt  }
0x81: {  	_ =	shalt  }
0x82: {  	_ =	shalt  }
0x83: {  	_ =	shalt  }
0x84: {  	_ =	shalt  }
0x85: {  	_ =	shalt  }
0x86: {  	_ =	shalt  }
0x87: {  	_ =	shalt  }
.Lfunc_end0:
.L_simem_size_0:
called_computation_lowered:
.L_overlay_start_0:
0x88: {  	s2 =	sld [smem:$0x3FD9]  }
0x89: {  	s3 =	sld [smem:$0x3FFE];
	_ =	sdelay $0x1  }
0x8a: {  	s1 =	srdreg.scid  }
0x8b: {  	s0 =	sand.u32 $0x1, s1  }
0x8c: {  	s17 =	sshll.u32 s0, $0xA;
	s2 =	sadd.s32 s3, s2  }
0x8d: {  	s2 =	sadd.s32 s2, s17  }
0x8e: {  	[smem:$0x3FBF] =	sst s2  }
0x8f: {  	_ = 	snop  }
0x90: {  	s2 =	sld [smem:$0x3FC8]  }
0x91: {  	s18 =	sld [smem:$0x3FC1]  }
0x92: {  	s4 =	sld [smem:$0x3FD0];
	(tm) =	ssettm $0x1  }
0x93: {  	s5 =	sld [smem:$0x3FFB];
	_ =	sdelay $0x3  }
0x94: {  	_ =	strace s5  }
0x95: {  	s5 =	sld [smem:$0x3FFC];
	_ =	sdelay $0x3  }
0x96: {  	_ =	strace s5  }
0x97: {  	s5 =	sld [smem:$0x3FFD];
	_ =	sdelay $0x3  }
0x98: {  	_ =	strace s5  }
0x99: {  	_ =	strace $0x8FFFFFFF  }
0x9a: {  	s19 =	sld [smem:$0x3FDB];
	_ =	sdelay $0x1  }
0x9b: {  	s6 =	simm.s32 $_scs_section_size  }
0x9c: {  	s7 =	simm.s32 $_size__tile_overlayer_lowered;
	s8 =	simm.s32 $_tile_overlayer_lowered  }
0x9d: {  	s22 =	simm.s32 $0x1BFF;
	s21 =	sshll.u32 s8, $0x1;
	s5 =	sadd.s32 s6, s19  }
0x9e: {  	s9 =	simm.s32 $0x0;
	s20 =	sshll.u32 s7, $0x1;
	s7 =	sadd.s32 s21, s5  }
0x9f: {  	[timem:s9], [sflag:s22] =	dma.local [hbm:s7], s20  }
0xa0: {  	_ =	swait.ge [sflag:s22], s20  }
0xa1: {  	s6 =	ssub.s32 $0x0, s20;
	[sflag:s22] =	ssyncset.done $0x0  }
0xa2: {  	[sflag:s22] =	ssyncadd.s32 s6;
	_ =	sdelay $0x1  }
0xa3: {  	s23 =	simm.s32 $0x1B8B  }
0xa4: {  	_ =	swait.ge [sflag:s23], $0x1  }
0xa5: {  	[sflag:s23] =	ssyncset.done $0x0  }
0xa6: {  	s25 =	simm.s32 $0x1B8E;
	s24 =	sld [smem:$0x3FFE];
	[sflag:s23] =	ssyncadd.s32 $0xFFFFFFFF  }
0xa7: {  	s26 =	simm.s32 $execute0_lowered;
	[smem:$0x3FD2] =	sst s25  }
0xa8: {  	s7 =	sshll.u32 s26, $0x1;
	_ =	strace $0x80000046;
	[dreg:$0x1] =	wrdreg $0xFFFFFFFF  }
0xa9: {  	s28 =	simm.s32 $_size_execute0_lowered;
	s5 =	sadd.s32 s5, s7;
	[dreg:$0x0] =	wrdreg $0x0  }
0xaa: {  	s7 =	sshll.u32 s28, $0x1;
	[dreg:$0x2] =	wrdreg s5  }
0xab: {  	[dreg:$0x3] =	wrdreg s7  }
0xac: {  	[dreg:$0x4] =	wrdreg $0xC0  }
0xad: {  	_ =	task [dreg:s9], $0x5FFFF  }
0xae: {  	[dreg:$0x1] =	wrdreg $0xFFFFFFFF  }
0xaf: {  	[dreg:$0x0] =	wrdreg $0x60  }
0xb0: {  	[dreg:$0x2] =	wrdreg s4  }
0xb1: {  	[dreg:$0x3] =	wrdreg s2  }
0xb2: {  	[dreg:$0x4] =	wrdreg s24  }
0xb3: {  	[dreg:$0x5] =	wrdreg s18  }
0xb4: {  	[dreg:$0x6] =	wrdreg $0x9  }
0xb5: {  	_ =	task.clear_ibuf [dreg:s9], $0x7FFFF;
	_ =	strace $0x90000046  }
0xb6: {  	s29 =	simm.s32 $0x9;
	_ =	strace $0x80000048  }
0xb7: {  	_ =	swait.ge [sflag:s29], $0x1  }
0xb8: {  	[sflag:s29] =	ssyncadd.s32 $0xFFFFFFFF  }
0xb9: {  	_ =	strace $0x90000048  }
0xba: {  	_ =	sfence  }
0xbb: {  	s30 =	sld [smem:$0x0];
	_ =	sdelay $0x2  }
0xbc: {  	s31 =	sshll.u32 s1, $0xD;
	s1 =	sshrl.u32 s1, $0x2  }
0xbd: {  	s3 =	sand.u32 $0x4000, s31;
	s1 =	sadd.s32 s1, s30  }
0xbe: {  	s0 =	sor.u32 s3, s0;
	s1 =	sshll.u32 s1, $0x11  }
0xbf: {  	s0 =	sor.u32 s1, s0  }
0xc0: {  	s0 =	sadd.s32 $0x8F2B, s0  }
0xc1: {  	[sflag:s0] =	ssyncadd.remote.s32 $0x1  }
0xc2: {  	_ =	sfence.sel $0xFFFF  }
0xc3: {  	[dreg:$0x0] =	wrdreg $0xFFFFFFFF;
	(pc) =	sbr.abs _section_cstart, $3  }
0xc4: {  	[dreg:$0x1] =	wrdreg $0xFFFFFFFF  }
0xc5: {  	_ =	task.clear_ibuf [dreg:s9], $0x2FFFF;
	_ =	strace $0x9FFFFFFF  }
0xc6: {  	(tm) =	ssettm $0x7FFFFFFF  }
0xc7: {  	_ =	shalt  }
tec
execute0_lowered:
.L_overlay_start_1:
0x0: {  	(tag) =	ssettag $0x1  }
0x1: {  	s4 =	rddreg [dreg:$0x0]  }
0x2: {  	s0 =	srdreg.scid;
	s2 =	stileid.u32  }
0x3: {  	s1 =	rddreg [dreg:$0x2];
	s5 =	simm.s32 $0x0;
	s16 =	simm.s32 $0x80  }
0x4: {  	s17 =	simm.s32 $0x400;
	s21 =	simm.s32 $0x18D80;
	s22 =	simm.s32 $0x10  }
0x5: {  	s23 =	simm.s32 $0x20;
	s24 =	simm.s32 $0x30;
	s28 =	simm.s32 $0x60  }
0x6: {  	s29 =	simm.s32 $0x70;
	s0 =	sand.u32 $0x1, s0;
	s2 =	sshll.u32 s2, $0x1  }
0x7: {  	[smem:$0x7FF] =	sst s5;
	s3 =	sadd.s32 $0x2E00, s1;
	s2 =	sor.u32 s0, s2  }
0x8: {  	s6 =	sadd.s32 $0x1600, s1;
	s9 =	sadd.s32 $0x4600, s1;
	s2 =	smul.u32 $0xC, s2  }
0x9: {  	_ =	strace $0x80000047;
	[dreg:$0x6] =	wrdreg s3;
	s26 =	sshll.u32 s0, $0x9  }
0xa: {  	s0 =	ssub.s32 $0x2, s0;
	[dreg:$0x5] =	wrdreg s2;
	s2 =	sshrl.u32 s2, $0x3  }
0xb: {  	s30 =	sshrl.u32 s0, $0x1;
	s25 =	smul.u32 $0x3000, s2;
	s2 =	sshll.u32 s2, $0xA  }
0xc: {  	[dreg:$0x7] =	wrdreg s6;
	s0 =	ssub.s32 s0, s30;
	s1 =	sor.u32 s26, s2  }
0xd: {  	s0 =	smax.u32 s0, $0x1;
	s3 =	sor.u32 s26, s25;
	s1 =	sshrl.u32 s1, $0x3  }
0xe: {  	[dreg:$0xa] =	wrdreg s0;
	s3 =	sshrl.u32 s3, $0x3;
	s1 =	sadd.s32 s6, s1  }
0xf: {  	s2 =	simm.s32 $0x0;
	s31 =	sadd.s32 s4, s3;
	[dreg:$0x9] =	wrdreg s1  }
0x10: {  	v27 =	vlaneseq.u32;
	s25 =	simm.s32 $0x40;
	s26 =	simm.s32 $0x50;
	[dreg:$0x8] =	wrdreg s31  }
.LBB2_1:
0x11: {  	[dreg:$0xb] =	wrdreg s2  }
0x12: {  	s0 =	rddreg [dreg:$0x1];
	s1 =	simm.s32 $0x4  }
0x13: {  	[tilespmem:s5], [sflag:$0x4] =	stream.linear.gather [hbm4b:s0+s5], $0x8000, $0x38;
	[tilespmem:$0x18E00] =	vst v63  }
0x14: {  	_ =	swait.ge [sflag:s1], $0x8000  }
0x15: {  	[sflag:s1] =	ssyncset.done $0x0  }
0x16: {  	s14 =	simm.s32 $0x8000;
	s13 =	rddreg [dreg:$0x6];
	[sflag:s1] =	ssyncadd.s32 $0xFFFF8000  }
0x17: {  	[tilespmem:s14], [sflag:$0x4] =	stream.linear.gather [hbm4b:s13+s5], $0xC000, $0x38;
	[tilespmem:$0x18E00] =	vst v63  }
0x18: {  	_ =	swait.ge [sflag:s1], $0xC000  }
0x19: {  	[sflag:s1] =	ssyncset.done $0x0  }
0x1a: {  	[sflag:s1] =	ssyncadd.s32 $0xFFFF4000  }
0x1b: {  	s18 =	simm.s32 $0x14000;
	s15 =	rddreg [dreg:$0x3]  }
0x1c: {  	[tilespmem:s18], [sflag:$0x4] =	stream.linear.gather [hbm4b:s15+s5], $0x80, $0x38;
	[tilespmem:$0x18E00] =	vst v63  }
0x1d: {  	_ =	swait.ge [sflag:s1], $0x80  }
0x1e: {  	[sflag:s1] =	ssyncset.done $0x0  }
0x1f: {  	s20 =	simm.s32 $0x14080;
	s19 =	rddreg [dreg:$0x8];
	[sflag:s1] =	ssyncadd.s32 $0xFFFFFF80  }
0x20: {  	[tilespmem:s20], [sflag:$0x4] =	stream.strided.gather [hbm4b:s19+s16], $0x600, s17, s16, $0x38;
	[tilespmem:$0x18E00] =	vst v63  }
0x21: {  	_ =	swait.ge [sflag:s1], $0x600  }
0x22: {  	[sflag:s1] =	ssyncset.done $0x0  }
0x23: {  	s31 =	simm.s32 $0x14C80;
	s30 =	rddreg [dreg:$0x9];
	[sflag:s1] =	ssyncadd.s32 $0xFFFFFA00  }
0x24: {  	[tilespmem:s31], [sflag:$0x4] =	stream.linear.gather [hbm4b:s30+s5], $0x80, $0x38;
	[tilespmem:$0x18E00] =	vst v63  }
0x25: {  	_ =	swait.ge [sflag:s1], $0x80  }
0x26: {  	[sflag:s1] =	ssyncset.done $0x0  }
0x27: {  	[sflag:s1] =	ssyncadd.s32 $0xFFFFFF80  }
0x28: {  	v25 =	vld [tilespmem:$0x14000]  }
0x29: {  	v26 =	vld [tilespmem:$0x14010]  }
0x2a: {  	v28 =	vld [tilespmem:$0x14020]  }
0x2b: {  	v33 =	vld [tilespmem:$0x14030]  }
0x2c: {  	v51 =	vld [tilespmem:$0x14040]  }
0x2d: {  	v1 =	vld [tilespmem:$0x14050];
	[tilespmem:$0x1FF80] =	vst v25  }
0x2e: {  	v6 =	vld [tilespmem:$0x14060];
	[tilespmem:$0x1FF90] =	vst v26  }
0x2f: {  	v7 =	vld [tilespmem:$0x14070];
	[tilespmem:$0x1FFA0] =	vst v28  }
0x30: {  	[tilespmem:$0x1FFB0] =	vst v33  }
0x31: {  	[tilespmem:$0x1FFC0] =	vst v51  }
0x32: {  	[tilespmem:$0x1FFD0] =	vst v1  }
0x33: {  	[tilespmem:$0x1FFE0] =	vst v6  }
0x34: {  	s0 =	simm.s32 $0x0;
	[tilespmem:$0x1FFF0] =	vst v7  }
.LBB2_3:
0x35: {  	p0 =	seq.s32 s0, $0x0  }
0x36: {  	s3 =	simm.s32 @!p0 $0x3;
	p1 =	seq.s32 @!p0 s0, $0xB  }
0x37: {  	_ =	swait.ge @!p0 [sflag:s3], $0x600;
	p1 =	por p0, !p1  }
.Ltmp0:
0x38: {  	[sflag:s3] =	ssyncset.done @!p0 $0x0;
	(pc) =	sbr.rel @!p1 .LBB2_5-.Ltmp0, $4  }
0x39: {  	[sflag:s3] =	ssyncadd.s32 @!p0 $0xFFFFFA00  }
0x3a: {  	_ =	swait.ge @!p0 [sflag:s3], $0x80  }
0x3b: {  	s2 =	sand.u32 $0x1, s0;
	s1 =	rddreg [dreg:$0x5];
	[sflag:s3] =	ssyncset.done @!p0 $0x0  }
0x3c: {  	s1 =	sadd.s32 s1, s0;
	[sflag:s3] =	ssyncadd.s32 @!p0 $0xFFFFFF80;
	s3 =	simm.s32 @!p0 $0xC  }
0x3d: {  	s3 =	sadd.s32 $0x1, s1  }
0x3e: {  	s7 =	sxor.u32 $0x1, s2;
	s4 =	sshrl.u32 s3, $0x3  }
0x3f: {  	s10 =	rddreg [dreg:$0x0];
	s3 =	sshll.u32 s3, $0x7;
	s6 =	smul.u32 $0x3000, s4  }
0x40: {  	s31 =	rddreg [dreg:$0x7];
	s8 =	smul.u32 $0x1800, s7;
	s3 =	sand.u32 $0x380, s3  }
0x41: {  	s30 =	sshll.u32 s7, $0x7;
	s4 =	sshll.u32 s4, $0xA;
	s6 =	sor.u32 s3, s6  }
0x42: {  	s8 =	sshrl.u32 s8, $0x2;
	s3 =	sor.u32 s3, s4;
	s6 =	sshrl.u32 s6, $0x3  }
0x43: {  	s8 =	sor.u32 $0x14080, s8;
	s3 =	sshrl.u32 s3, $0x3;
	s6 =	sadd.s32 s10, s6  }
0x44: {  	[tilespmem:s8], [sflag:$0x3] =	stream.strided.gather [hbm4b:s6+s16], $0x600, s17, s16, $0x38;
	[tilespmem:$0x18E00] =	vst v63  }
0x45: {  	s4 =	sadd.s32 $0x14C80, s30;
	s3 =	sadd.s32 s31, s3  }
0x46: {  	[tilespmem:s4], [sflag:$0x3] =	stream.linear.gather [hbm4b:s3+s5], $0x80, $0x38;
	[tilespmem:$0x18E00] =	vst v63  }
0x47: {  	s3 =	sadd.s32 @!p0 $0x1, s0  }
0x48: {  	s3 =	simm.s32 @p0 $0x1  }
.LBB2_5:
0x49: {  	s11 =	sshll.u32 s2, $0x7  }
0x4a: {  	v0 =	vld [tilespmem:s11+$0x14C80]  }
0x4b: {  	v57 =	vld [tilespmem:s11+$0x14C90]  }
0x4c: {  	v58 =	vld [tilespmem:s11+$0x14CA0]  }
0x4d: {  	s12 =	smul.u32 $0x600, s2;
	v59 =	vld [tilespmem:s11+$0x14CB0]  }
0x4e: {  	s0 =	smul.u32 $0x18, s0;
	v60 =	vld [tilespmem:s11+$0x14CC0]  }
0x4f: {  	[dreg:$0xc] =	wrdreg s3;
	s4 =	sshrl.u32 s1, $0x3;
	v61 =	vld [tilespmem:s11+$0x14CD0];
	[tilespmem:$0x1FF00] =	vst v0  }
0x50: {  	s13 =	sshll.u32 s1, $0x7;
	v62 =	vld [tilespmem:s11+$0x14CE0];
	[dreg:$0xd] =	wrdreg s0;
	s14 =	sor.u32 $0x14080, s12;
	[tilespmem:$0x1FF10] =	vst v57  }
0x51: {  	s4 =	smul.u32 $0x60000, s4;
	v63 =	vld [tilespmem:s11+$0x14CF0];
	s18 =	sor.u32 $0x180, s12;
	[dreg:$0xe] =	wrdreg s14;
	[tilespmem:$0x1FF20] =	vst v58  }
0x52: {  	s15 =	sand.u32 $0x380, s13;
	s19 =	sadd.s32 $0x300, s12;
	[dreg:$0xf] =	wrdreg s18;
	[tilespmem:$0x1FF30] =	vst v59  }
0x53: {  	s20 =	sadd.s32 $0x480, s12;
	[dreg:$0x10] =	wrdreg s19;
	s18 =	sor.u32 s15, s4;
	[tilespmem:$0x1FF40] =	vst v60  }
0x54: {  	[dreg:$0x11] =	wrdreg s20;
	s30 =	sadd.s32 $0x1200000, s18;
	[tilespmem:$0x1FF50] =	vst v61  }
0x55: {  	s31 =	sadd.s32 $0x2400000, s18;
	[dreg:$0x12] =	wrdreg s30;
	[tilespmem:$0x1FF60] =	vst v62  }
0x56: {  	s7 =	simm.s32 $0x0;
	s8 =	sadd.s32 $0x3600000, s18;
	[dreg:$0x13] =	wrdreg s31;
	[tilespmem:$0x1FF70] =	vst v63  }
.LBB2_6:
0x57: {  	s0 =	rddreg [dreg:$0xd]  }
0x58: {  	s0 =	sor.u32 s0, s7  }
0x59: {  	p0 =	seq.s32 s0, $0x0  }
0x5a: {  	s0 =	simm.s32 @!p0 $0x1  }
0x5b: {  	_ =	swait.ge @!p0 [sflag:s0], $0x800  }
0x5c: {  	[sflag:s0] =	ssyncset.done @!p0 $0x0  }
0x5d: {  	[sflag:s0] =	ssyncadd.s32 @!p0 $0xFFFFF800  }
0x5e: {  	_ =	swait.ge @!p0 [sflag:s0], $0x800  }
0x5f: {  	[sflag:s0] =	ssyncset.done @!p0 $0x0  }
0x60: {  	[sflag:s0] =	ssyncadd.s32 @!p0 $0xFFFFF800  }
0x61: {  	_ =	swait.ge @!p0 [sflag:s0], $0x800  }
0x62: {  	[sflag:s0] =	ssyncset.done @!p0 $0x0  }
0x63: {  	[sflag:s0] =	ssyncadd.s32 @!p0 $0xFFFFF800  }
0x64: {  	s30 =	sshll.u32 s7, $0x5;
	_ =	swait.ge @!p0 [sflag:s0], $0x800  }
0x65: {  	s2 =	sand.u32 $0x180, s30;
	s1 =	rddreg [dreg:$0xe]  }
0x66: {  	s3 =	sand.u32 $0x60, s30;
	[sflag:s0] =	ssyncset.done @!p0 $0x0;
	s2 =	sadd.s32 s2, s1  }
0x67: {  	[sflag:s0] =	ssyncadd.s32 @!p0 $0xFFFFF800;
	s10 =	sadd.s32 s3, s2  }
0x68: {  	v0 =	vld [tilespmem:s10+$0x0];
	_ =	sdelay $0x4  }
0x69: {  	v0 =	vmul.f32 $2.550000000e+02, v0;
	_ =	sdelay $0x1  }
0x6a: {  	v0 =	vmax.f32 v0, $0.0e+00  }
0x6b: {  	v0 =	vmin.f32 v0, $2.550000000e+02  }
0x6c: {  	v0 =	vtrunc.f32 v0  }
0x6d: {  	s11 =	rddreg [dreg:$0xf];
	v0 =	vcvt.f32.s32 v0  }
0x6e: {  	s0 =	sadd.s32 s11, s30  }
0x6f: {  	s0 =	sand.u32 $0xF80, s0;
	v0 =	vshll.u32 v0, $0x7  }
0x70: {  	s0 =	sor.u32 s3, s0;
	[tilespmem:$0x18D80] =	vst v0  }
0x71: {  	v0 =	vld [tilespmem:s0+$0x14080];
	_ =	sdelay $0x4  }
0x72: {  	v0 =	vmul.f32 $2.550000000e+02, v0;
	_ =	sdelay $0x1  }
0x73: {  	v0 =	vmax.f32 v0, $0.0e+00  }
0x74: {  	v0 =	vmin.f32 v0, $2.550000000e+02  }
0x75: {  	v0 =	vtrunc.f32 v0  }
0x76: {  	s12 =	rddreg [dreg:$0x10];
	v0 =	vcvt.f32.s32 v0  }
0x77: {  	s0 =	sadd.s32 s12, s30  }
0x78: {  	s0 =	sand.u32 $0x1F80, s0;
	v0 =	vshll.u32 v0, $0x7  }
0x79: {  	s0 =	sor.u32 s3, s0;
	[tilespmem:$0x18D90] =	vst v0  }
0x7a: {  	v0 =	vld [tilespmem:s0+$0x14080];
	_ =	sdelay $0x4  }
0x7b: {  	v0 =	vmul.f32 $2.550000000e+02, v0;
	_ =	sdelay $0x1  }
0x7c: {  	v0 =	vmax.f32 v0, $0.0e+00  }
0x7d: {  	v0 =	vmin.f32 v0, $2.550000000e+02  }
0x7e: {  	v0 =	vtrunc.f32 v0  }
0x7f: {  	s13 =	rddreg [dreg:$0x11];
	v0 =	vcvt.f32.s32 v0  }
0x80: {  	s0 =	sadd.s32 s13, s30  }
0x81: {  	s0 =	sand.u32 $0x1F80, s0;
	v0 =	vshll.u32 v0, $0x7  }
0x82: {  	s0 =	sor.u32 s3, s0;
	[tilespmem:$0x18DA0] =	vst v0  }
0x83: {  	v0 =	vld [tilespmem:s0+$0x14080];
	_ =	sdelay $0x4  }
0x84: {  	v0 =	vmul.f32 $2.550000000e+02, v0;
	_ =	sdelay $0x1  }
0x85: {  	v0 =	vmax.f32 v0, $0.0e+00  }
0x86: {  	s14 =	simm.s32 $0x1;
	v0 =	vmin.f32 v0, $2.550000000e+02  }
0x87: {  	v1 =	vmov s14;
	v53 =	vld [tilespmem:$0x1FF20];
	v0 =	vtrunc.f32 v0  }
0x88: {  	v41 =	vld [tilespmem:$0x1FF00];
	v0 =	vcvt.f32.s32 v0  }
0x89: {  	v45 =	vld [tilespmem:$0x1FF10];
	s0 =	sand.u32 $0xF, s14  }
0x8a: {  	v48 =	vld [tilespmem:$0x1FF40];
	s0 =	sor.u32 s30, s0;
	v0 =	vshll.u32 v0, $0x7  }
0x8b: {  	v31 =	vld [tilespmem:$0x1FF30];
	s0 =	sshll.u32 s0, $0x7;
	[tilespmem:$0x18DB0] =	vst v0  }
0x8c: {  	s0 =	sand.u32 $0x3FFFFF80, s0;
	v0 =	vld.idx.msk [tilespmem:v1+s21+$0x0], $0xffff  }
0x8d: {  	v2 =	vld [tilespmem:s0+$0x8060]  }
0x8e: {  	v3 =	vld [tilespmem:s0+$0x8040]  }
0x8f: {  	s15 =	simm.s32 $0x0;
	v4 =	vld [tilespmem:s0+$0x8000]  }
0x90: {  	v1 =	vmov s15;
	v5 =	vld [tilespmem:s0+$0x8020]  }
0x91: {  	v32 =	vmov v6;
	v6 =	vld [tilespmem:s0+$0x8010];
	v1 =	vand.u32 $0xFFFFFFFE, v1  }
0x92: {  	v33 =	vmov v7;
	s19 =	sand.u32 $0xE, s15;
	v7 =	vld [tilespmem:s0+$0x8050];
	v1 =	vbroadcast v1, $0x0  }
0x93: {  	s20 =	sor.u32 s30, s19;
	v8 =	vld [tilespmem:s0+$0x8070]  }
0x94: {  	v16 =	vld [tilespmem:s0+$0x8030];
	s0 =	sshll.u32 s20, $0x7;
	v0 =	vadd.s32 v27, v0  }
0x95: {  	v54 =	vld [tilespmem:$0x1FF50];
	s1 =	sand.u32 $0x3FFFFF80, s0  }
0x96: {  	v20 =	vld [tilespmem:s1+$0x8010]  }
0x97: {  	v21 =	vld [tilespmem:s1+$0x8000]  }
0x98: {  	v1 =	vld.idx.msk [tilespmem:v1+s21+$0x0], $0xffff  }
0x99: {  	v9 =	vld.idx.msk [tilespmem:v0+s28+$0x0], $0xffff  }
0x9a: {  	v10 =	vld.idx.msk [tilespmem:v0+s29+$0x0], $0xffff  }
0x9b: {  	v13 =	vld.idx.msk [tilespmem:v0+s23+$0x0], $0xffff  }
0x9c: {  	v11 =	vld.idx.msk [tilespmem:v0+s26+$0x0], $0xffff  }
0x9d: {  	v15 =	vld.idx.msk [tilespmem:v0+s24+$0x0], $0xffff  }
0x9e: {  	v12 =	vld.idx.msk [tilespmem:v0+s22+$0x0], $0xffff  }
0x9f: {  	v14 =	vld.idx.msk [tilespmem:v0+s5+$0x0], $0xffff;
	v1 =	vadd.s32 v27, v1  }
0xa0: {  	v0 =	vld.idx.msk [tilespmem:v0+s25+$0x0], $0xffff;
	v5 =	vadd.f32 v5, v13  }
0xa1: {  	v13 =	vld [tilespmem:s1+$0x8020]  }
0xa2: {  	v38 =	vadd.f32 v5, v53;
	v5 =	vadd.f32 v16, v15;
	v15 =	vld [tilespmem:s1+$0x8040]  }
0xa3: {  	v16 =	vld [tilespmem:s1+$0x8030]  }
0xa4: {  	v17 =	vld.idx.msk [tilespmem:v1+s29+$0x0], $0xffff  }
0xa5: {  	v24 =	vld.idx.msk [tilespmem:v1+s22+$0x0], $0xffff  }
0xa6: {  	v22 =	vld.idx.msk [tilespmem:v1+s23+$0x0], $0xffff  }
0xa7: {  	v23 =	vld.idx.msk [tilespmem:v1+s5+$0x0], $0xffff  }
0xa8: {  	v6 =	vadd.f32 v6, v12;
	v18 =	vld.idx.msk [tilespmem:v1+s28+$0x0], $0xffff  }
0xa9: {  	v4 =	vadd.f32 v4, v14;
	v7 =	vadd.f32 v7, v11;
	v19 =	vld.idx.msk [tilespmem:v1+s26+$0x0], $0xffff  }
0xaa: {  	s3 =	simm.s32 $0x3;
	v8 =	vadd.f32 v8, v10;
	v12 =	vld.idx.msk [tilespmem:v1+s25+$0x0], $0xffff;
	v11 =	vadd.f32 v20, v24  }
0xab: {  	v14 =	vmov s3;
	v3 =	vadd.f32 v3, v0;
	v1 =	vld.idx.msk [tilespmem:v1+s24+$0x0], $0xffff;
	v0 =	vadd.f32 v13, v22  }
0xac: {  	v49 =	vld [tilespmem:$0x1FF60];
	v10 =	vadd.f32 v21, v23;
	v22 =	vadd.f32 v11, v45  }
0xad: {  	s6 =	simm.s32 $0x2;
	v20 =	vld [tilespmem:s1+$0x8060];
	v21 =	vadd.f32 v0, v53  }
0xae: {  	s4 =	sand.u32 $0xF, s3;
	v2 =	vadd.f32 v2, v9;
	v9 =	vmov s6;
	v13 =	vld [tilespmem:s1+$0x8050];
	v42 =	vadd.f32 v10, v41;
	[tilespmem:$0x1FEC0] =	vst v22  }
0xaf: {  	v44 =	vld [tilespmem:$0x1FF70];
	s3 =	sor.u32 s30, s4;
	v9 =	vand.u32 $0xFFFFFFFE, v9;
	v12 =	vadd.f32 v15, v12;
	[tilespmem:$0x1FED0] =	vst v21  }
0xb0: {  	s3 =	sshll.u32 s3, $0x7;
	v1 =	vadd.f32 v16, v1;
	v11 =	vmul.f32 v42, v42;
	v0 =	vld.idx.msk [tilespmem:v14+s21+$0x0], $0xffff;
	v14 =	vmul.f32 v22, v22  }
0xb1: {  	s10 =	sand.u32 $0x3FFFFF80, s3;
	v9 =	vbroadcast v9, $0x0;
	v52 =	vadd.f32 v12, v48;
	v10 =	vld [tilespmem:s1+$0x8070]  }
0xb2: {  	v12 =	vmul.f32 v21, v21;
	v21 =	vadd.f32 v1, v31;
	v15 =	vld [tilespmem:s10+$0x8060];
	v11 =	vadd.f32 v14, v11  }
0xb3: {  	v50 =	vadd.f32 v6, v45;
	v16 =	vadd.f32 v20, v18;
	v18 =	vld [tilespmem:s10+$0x8000]  }
0xb4: {  	v56 =	vadd.f32 v4, v41;
	v14 =	vld [tilespmem:s10+$0x8040];
	[tilespmem:$0x1FEB0] =	vst v21;
	v1 =	vadd.f32 v12, v11  }
0xb5: {  	v20 =	vld [tilespmem:s10+$0x8020];
	v11 =	vmul.f32 v21, v21;
	v12 =	vmul.f32 v50, v50;
	v6 =	vadd.s32 v27, v0  }
0xb6: {  	v4 =	vld [tilespmem:s10+$0x8010];
	v0 =	vadd.f32 v13, v19;
	v10 =	vadd.f32 v10, v17;
	v17 =	vmul.f32 v56, v56  }
0xb7: {  	v22 =	vadd.f32 v16, v49;
	v9 =	vld.idx.msk [tilespmem:v9+s21+$0x0], $0xffff;
	v19 =	vmul.f32 v52, v52;
	v1 =	vadd.f32 v11, v1  }
0xb8: {  	v13 =	vld [tilespmem:s10+$0x8050];
	v21 =	vadd.f32 v0, v54;
	v12 =	vadd.f32 v12, v17  }
0xb9: {  	v0 =	vld [tilespmem:s10+$0x8070];
	[tilespmem:$0x1FEE0] =	vst v22;
	v17 =	vadd.f32 v19, v1;
	v19 =	vadd.f32 v10, v44  }
0xba: {  	v62 =	vadd.f32 v5, v31;
	v11 =	vmul.f32 v38, v38;
	v5 =	vld.idx.msk [tilespmem:v6+s28+$0x0], $0xffff;
	[tilespmem:$0x1FDA0] =	vst v21  }
0xbb: {  	v16 =	vmul.f32 v21, v21;
	v1 =	vld.idx.msk [tilespmem:v6+s29+$0x0], $0xffff;
	[tilespmem:$0x1FEF0] =	vst v19  }
0xbc: {  	s0 =	sand.u32 $0xE, s6;
	v60 =	vadd.f32 v3, v48;
	v3 =	vadd.f32 v11, v12;
	v11 =	vmul.f32 v62, v62;
	v10 =	vld.idx.msk [tilespmem:v6+s26+$0x0], $0xffff  }
0xbd: {  	s0 =	sor.u32 s30, s0;
	v16 =	vadd.f32 v16, v17;
	v17 =	vld.idx.msk [tilespmem:v6+s22+$0x0], $0xffff  }
0xbe: {  	s0 =	sshll.u32 s0, $0x7;
	v3 =	vadd.f32 v11, v3;
	v11 =	vmul.f32 v19, v19;
	v19 =	vld.idx.msk [tilespmem:v6+s23+$0x0], $0xffff  }
0xbf: {  	s11 =	sand.u32 $0x3FFFFF80, s0;
	v59 =	vadd.f32 v2, v49;
	v2 =	vld.idx.msk [tilespmem:v6+s5+$0x0], $0xffff  }
0xc0: {  	v9 =	vadd.s32 v27, v9;
	v21 =	vld [tilespmem:s11+$0x8000]  }
0xc1: {  	v61 =	vadd.f32 v7, v54;
	v7 =	vmul.f32 v60, v60;
	v12 =	vmul.f32 v22, v22;
	v27 =	vld [tilespmem:s11+$0x8020]  }
0xc2: {  	v28 =	vld [tilespmem:s11+$0x8060]  }
0xc3: {  	v12 =	vadd.f32 v12, v16;
	v16 =	vmul.f32 v61, v61;
	v3 =	vadd.f32 v7, v3;
	v7 =	vld.idx.msk [tilespmem:v6+s24+$0x0], $0xffff  }
0xc4: {  	v58 =	vadd.f32 v8, v44;
	v6 =	vld.idx.msk [tilespmem:v6+s25+$0x0], $0xffff  }
0xc5: {  	v8 =	vmul.f32 v59, v59;
	v22 =	vld.idx.msk [tilespmem:v9+s26+$0x0], $0xffff;
	v11 =	vadd.f32 v11, v12;
	v3 =	vadd.f32 v16, v3  }
0xc6: {  	v24 =	vld.idx.msk [tilespmem:v9+s23+$0x0], $0xffff  }
0xc7: {  	v25 =	vld.idx.msk [tilespmem:v9+s5+$0x0], $0xffff;
	(xrf2) =	vadd.scan.msk.f32 $0xffff, v11;
	v11 =	vmul.f32 v58, v58;
	v3 =	vadd.f32 v8, v3  }
0xc8: {  	v26 =	vld.idx.msk [tilespmem:v9+s22+$0x0], $0xffff  }
0xc9: {  	v12 =	vld [tilespmem:s10+$0x8030];
	v3 =	vadd.f32 v11, v3  }
0xca: {  	v16 =	vld.idx.msk [tilespmem:v9+s29+$0x0], $0xffff  }
0xcb: {  	v8 =	vld.idx.msk [tilespmem:v9+s28+$0x0], $0xffff;
	(xrf2) =	vadd.scan.msk.f32 $0xffff, v3  }
0xcc: {  	v6 =	vadd.f32 v14, v6;
	v14 =	vld [tilespmem:s11+$0x8030]  }
0xcd: {  	s12 =	simm.s32 $0x5;
	v5 =	vadd.f32 v15, v5;
	v11 =	vld [tilespmem:s11+$0x8010]  }
0xce: {  	v19 =	vadd.f32 v20, v19;
	v20 =	vmov s12;
	v7 =	vadd.f32 v12, v7;
	v12 =	vld [tilespmem:s11+$0x8040]  }
0xcf: {  	v4 =	vadd.f32 v4, v17;
	v2 =	vadd.f32 v18, v2;
	v3 =	vld.idx.msk [tilespmem:v9+s25+$0x0], $0xffff  }
0xd0: {  	v10 =	vadd.f32 v13, v10;
	v13 =	vadd.f32 v21, v25;
	v9 =	vld.idx.msk [tilespmem:v9+s24+$0x0], $0xffff  }
0xd1: {  	s13 =	sand.u32 $0xF, s12;
	v17 =	vld [tilespmem:s11+$0x8070];
	v29 =	vadd.f32 v19, v53;
	v19 =	vadd.f32 v27, v24  }
0xd2: {  	s3 =	sor.u32 s30, s13;
	v30 =	vadd.f32 v13, v41;
	v11 =	vadd.f32 v11, v26  }
0xd3: {  	s3 =	sshll.u32 s3, $0x7;
	v21 =	vld.idx.msk [tilespmem:v20+s21+$0x0], $0xffff;
	v8 =	vadd.f32 v28, v8;
	v20 =	vadd.f32 v19, v53;
	v23, _, _ =	vpop (xrf2)  }
0xd4: {  	s15 =	sand.u32 $0x3FFFFF80, s3;
	v24 =	vld [tilespmem:s11+$0x8050];
	v27 =	vadd.f32 v11, v45;
	(v2sf) =	vpush v23, $0xF  }
0xd5: {  	s14 =	simm.s32 $0x4;
	v13 =	vld [tilespmem:s15+$0x8060];
	[tilespmem:$0x1FDB0] =	vst v30;
	v15 =	vmul.f32 v30, v30;
	v9 =	vadd.f32 v14, v9;
	v3 =	vadd.f32 v12, v3;
	v18, _, _ =	vpop (xrf2)  }
0xd6: {  	v14 =	vadd.f32 v17, v16;
	[tilespmem:$0x1FDC0] =	vst v27;
	(v2sf) =	vpush v18, $0xF;
	v18 =	vmov s14  }
0xd7: {  	v23 =	vlaneseq.u32;
	v37 =	vadd.f32 v3, v48;
	v19 =	vld [tilespmem:s15+$0x8040];
	v11 =	vand.u32 $0xFFFFFFFE, v18  }
0xd8: {  	v12 =	vld [tilespmem:s15+$0x8000];
	v16 =	vadd.s32 v23, v21;
	v21 =	vadd.f32 v4, v45;
	v11 =	vbroadcast v11, $0x0  }
0xd9: {  	v3 =	vmul.f32 v20, v20;
	v17 =	vld [tilespmem:s15+$0x8020];
	[tilespmem:$0x1FDD0] =	vst v20;
	v20 =	vadd.f32 v2, v41;
	v18 =	vmul.f32 v27, v27  }
0xda: {  	v4 =	vadd.f32 v24, v22;
	v22 =	vadd.f32 v8, v49;
	v8 =	vmul.f32 v21, v21  }
0xdb: {  	v24 =	vmul.f32 v20, v20;
	v15 =	vadd.f32 v18, v15;
	v18 =	vadd.f32 v9, v31  }
0xdc: {  	v2 =	vld [tilespmem:s15+$0x8050]  }
0xdd: {  	v28 =	vmul.f32 v29, v29;
	v8 =	vadd.f32 v8, v24;
	v27 =	vadd.f32 v10, v54;
	v9 =	vld [tilespmem:s15+$0x8010];
	[tilespmem:$0x1FDE0] =	vst v18  }
0xde: {  	v3 =	vadd.f32 v3, v15;
	v15 =	vmul.f32 v18, v18;
	v11 =	vld.idx.msk [tilespmem:v11+s21+$0x0], $0xffff;
	[tilespmem:$0x1FDF0] =	vst v21  }
0xdf: {  	v8 =	vadd.f32 v28, v8;
	v18 =	vld [tilespmem:s15+$0x8070];
	[tilespmem:$0x1FE00] =	vst v20;
	v20 =	vadd.f32 v4, v54  }
0xe0: {  	v3 =	vadd.f32 v15, v3;
	v4 =	vmul.f32 v37, v37;
	v15 =	vld.idx.msk [tilespmem:v16+s28+$0x0], $0xffff;
	[tilespmem:$0x1FE10] =	vst v29  }
0xe1: {  	v21 =	vadd.f32 v6, v48;
	v29 =	vld.idx.msk [tilespmem:v16+s29+$0x0], $0xffff;
	v24 =	vmov v20;
	v20 =	vadd.f32 v7, v31  }
0xe2: {  	v7 =	vmul.f32 v22, v22;
	v3 =	vadd.f32 v4, v3;
	v4 =	vld.idx.msk [tilespmem:v16+s26+$0x0], $0xffff;
	v30 =	vmul.f32 v24, v24  }
0xe3: {  	s19 =	spop (v2sf);
	v6 =	vld.idx.msk [tilespmem:v16+s22+$0x0], $0xffff;
	[tilespmem:$0x1FE20] =	vst v20;
	v28 =	vmul.f32 v20, v20;
	v20 =	vadd.f32 v14, v44  }
0xe4: {  	s3 =	smul.f32 $7.812500000e-03, s19;
	v11 =	vadd.s32 v23, v11;
	v3 =	vadd.f32 v30, v3;
	v14 =	vld.idx.msk [tilespmem:v16+s23+$0x0], $0xffff;
	[tilespmem:$0x1FE30] =	vst v21  }
0xe5: {  	v0 =	vadd.f32 v0, v1;
	v34 =	vld.idx.msk [tilespmem:v16+s5+$0x0], $0xffff;
	[tilespmem:$0x1FE40] =	vst v20;
	v1 =	vmul.f32 v20, v20  }
0xe6: {  	s3 =	sadd.f32 $9.999999970e-07, s3;
	v20 =	vadd.f32 v5, v49;
	v3 =	vadd.f32 v7, v3;
	v7 =	vld.idx.msk [tilespmem:v16+s24+$0x0], $0xffff;
	[tilespmem:$0x1FE50] =	vst v27  }
0xe7: {  	v10 =	vmul.f32 v21, v21;
	v8 =	vadd.f32 v28, v8;
	v5 =	vld.idx.msk [tilespmem:v16+s25+$0x0], $0xffff  }
0xe8: {  	v21 =	vadd.f32 v0, v44;
	s4 =	spop (v2sf);
	s6 =	sshrl.u32 s3, $0x1;
	s3 =	smul.f32 $5.000000000e-01, s3;
	v1 =	vadd.f32 v1, v3;
	v3 =	vld [tilespmem:s15+$0x8030];
	[tilespmem:$0x1FE60] =	vst v20  }
0xe9: {  	s0 =	sand.u32 $0xE, s14;
	v28 =	vmul.f32 v27, v27;
	s4 =	smul.f32 $7.812500000e-03, s4;
	s6 =	ssub.s32 $0x5F3759DF, s6;
	v8 =	vadd.f32 v10, v8;
	v10 =	vld.idx.msk [tilespmem:v11+s29+$0x0], $0xffff  }
0xea: {  	s0 =	sor.u32 s30, s0;
	s10 =	smul.f32 s6, s3;
	v16 =	vld.idx.msk [tilespmem:v11+s28+$0x0], $0xffff;
	[tilespmem:$0x1FE70] =	vst v21  }
0xeb: {  	s12 =	sshll.u32 s0, $0x7;
	v0 =	vmul.f32 v20, v20;
	s20 =	sadd.f32 $9.999999970e-07, s4;
	v8 =	vadd.f32 v28, v8;
	v39 =	vld.idx.msk [tilespmem:v11+s26+$0x0], $0xffff  }
0xec: {  	s1 =	smul.f32 s6, s10;
	s10 =	sand.u32 $0x3FFFFF80, s12;
	(xrf2) =	vadd.scan.msk.f32 $0xffff, v1;
	v36 =	vld.idx.msk [tilespmem:v11+s5+$0x0], $0xffff  }
0xed: {  	s11 =	sshrl.u32 s20, $0x1;
	s0 =	smul.f32 $5.000000000e-01, s20;
	v0 =	vadd.f32 v0, v8;
	v8 =	vld [tilespmem:s10+$0x8010]  }
0xee: {  	v6 =	vadd.f32 v9, v6;
	v1 =	vmul.f32 v21, v21;
	s14 =	ssub.s32 $0x5F3759DF, s11;
	v28 =	vld [tilespmem:s10+$0x8000];
	s13 =	ssub.f32 $1.500000000e+00, s1  }
0xef: {  	v2 =	vadd.f32 v2, v4;
	v9 =	vadd.f32 v12, v34;
	s12 =	simm.s32 $0x7;
	v12 =	vld [tilespmem:s10+$0x8020];
	s11 =	smul.f32 s14, s0  }
0xf0: {  	v4 =	vld [tilespmem:s10+$0x8060];
	v0 =	vadd.f32 v1, v0;
	v3 =	vadd.f32 v3, v7;
	v7 =	vmov s12;
	s2 =	smul.f32 s6, s13  }
0xf1: {  	v1 =	vld.idx.msk [tilespmem:v11+s23+$0x0], $0xffff;
	s15 =	smul.f32 s14, s11  }
0xf2: {  	(xrf2) =	vadd.scan.msk.f32 $0xffff, v0;
	v0 =	vadd.f32 v17, v14;
	v14 =	vld.idx.msk [tilespmem:v11+s22+$0x0], $0xffff;
	s19 =	smul.f32 s2, s3  }
0xf3: {  	v17 =	vld.idx.msk [tilespmem:v11+s25+$0x0], $0xffff;
	s6 =	ssub.f32 $1.500000000e+00, s15  }
0xf4: {  	v20 =	vadd.f32 v18, v29;
	v21 =	vadd.f32 v13, v15;
	v11 =	vld.idx.msk [tilespmem:v11+s24+$0x0], $0xffff;
	s11 =	smul.f32 s19, s2  }
0xf5: {  	v5 =	vadd.f32 v19, v5;
	v19 =	vadd.f32 v28, v36;
	s4 =	smul.f32 s14, s6;
	v7 =	vld.idx.msk [tilespmem:v7+s21+$0x0], $0xffff  }
0xf6: {  	v4 =	vadd.f32 v4, v16;
	v1 =	vadd.f32 v12, v1;
	v12 =	vld [tilespmem:s10+$0x8050];
	s20 =	ssub.f32 $1.500000000e+00, s11;
	v18, _, _ =	vpop (xrf2)  }
0xf7: {  	s1 =	smul.f32 s4, s0;
	v8 =	vadd.f32 v8, v14;
	v14 =	vld [tilespmem:s10+$0x8030];
	(v2sf) =	vpush v18, $0xF  }
0xf8: {  	v15 =	vld [tilespmem:s10+$0x8040];
	v46 =	vadd.f32 v9, v41;
	v0 =	vadd.f32 v0, v53;
	s14 =	smul.f32 s20, s2  }
0xf9: {  	v13 =	vadd.f32 v19, v41;
	v41 =	vadd.f32 v4, v49;
	s13 =	smul.f32 s1, s4  }
0xfa: {  	v25 =	vld [tilespmem:$0x1FF80];
	v35 =	vadd.f32 v1, v53;
	s2 =	simm.s32 $0x6;
	v36 =	vadd.f32 v8, v45;
	s3 =	smul.f32 s14, s3  }
0xfb: {  	v26 =	vld [tilespmem:$0x1FF90];
	s15 =	sand.u32 $0xF, s12;
	v18 =	vmul.f32 v13, v13;
	v1 =	vmov s2;
	v7 =	vadd.s32 v23, v7;
	s6 =	ssub.f32 $1.500000000e+00, s13  }
0xfc: {  	s19 =	sor.u32 s30, s15;
	v8 =	vld [tilespmem:s10+$0x8070];
	v12 =	vadd.f32 v12, v39;
	v19 =	vmul.f32 v36, v36;
	v16, _, _ =	vpop (xrf2);
	v11 =	vadd.f32 v14, v11;
	s3 =	smul.f32 s3, s14  }
0xfd: {  	v30 =	vld [tilespmem:$0x1FFB0];
	s10 =	sshll.u32 s19, $0x7;
	v1 =	vand.u32 $0xFFFFFFFE, v1;
	v14 =	vadd.f32 v15, v17;
	(v2sf) =	vpush v16, $0xF;
	s4 =	smul.f32 s6, s4  }
0xfe: {  	v28 =	vld [tilespmem:$0x1FFA0];
	[tilespmem:$0x1FE80] =	vst v13;
	s20 =	sand.u32 $0x3FFFFF80, s10;
	v15 =	vadd.f32 v19, v18;
	v16 =	vmul.f32 v35, v35;
	v40 =	vadd.f32 v11, v31;
	s3 =	ssub.f32 $1.500000000e+00, s3  }
0xff: {  	v45 =	vadd.f32 v6, v45;
	v55 =	vld [tilespmem:s20+$0x8060];
	[tilespmem:$0x1FE90] =	vst v0;
	v1 =	vbroadcast v1, $0x0;
	v39 =	vadd.f32 v12, v54;
	s0 =	smul.f32 s4, s0  }
0x100: {  	v57 =	vld [tilespmem:s20+$0x8040];
	v43 =	vadd.f32 v14, v48;
	v14 =	vadd.f32 v16, v15;
	v15 =	vmul.f32 v40, v40;
	s3 =	smul.f32 s3, s14  }
0x101: {  	v4 =	vmul.f32 v45, v45;
	v8 =	vadd.f32 v8, v10;
	v10 =	vadd.f32 v2, v54;
	v2 =	vld [tilespmem:s20+$0x8020];
	s0 =	smul.f32 s0, s4  }
0x102: {  	v16 =	vld [tilespmem:s20+$0x8010];
	v9 =	vmul.f32 v43, v43;
	v12 =	vadd.f32 v15, v14;
	v14 =	vmul.f32 v46, v46  }
0x103: {  	v47 =	vadd.f32 v3, v31;
	v11 =	vmul.f32 v0, v0;
	v63 =	vld.idx.msk [tilespmem:v7+s28+$0x0], $0xffff;
	v6 =	vmul.f32 s3, v25;
	s0 =	ssub.f32 $1.500000000e+00, s0  }
0x104: {  	v19 =	vld.idx.msk [tilespmem:v7+s29+$0x0], $0xffff;
	v15 =	vmul.f32 v39, v39;
	v9 =	vadd.f32 v9, v12;
	v4 =	vadd.f32 v4, v14  }
0x105: {  	v1 =	vld.idx.msk [tilespmem:v1+s21+$0x0], $0xffff;
	v12 =	vmul.f32 v41, v41;
	v6 =	vmul.f32 v6, v42;
	s1 =	smul.f32 s0, s4;
	v42 =	vadd.f32 v8, v44  }
0x106: {  	v3 =	vld.idx.msk [tilespmem:v7+s22+$0x0], $0xffff;
	v8 =	vadd.f32 v15, v9;
	v4 =	vadd.f32 v11, v4;
	v11 =	vmul.f32 v47, v47;
	s12 =	spop (v2sf)  }
0x107: {  	v18 =	vld.idx.msk [tilespmem:v7+s24+$0x0], $0xffff;
	v9 =	vmul.f32 s1, v28;
	v17 =	vmul.f32 s1, v30;
	s0 =	smul.f32 $7.812500000e-03, s12  }
0x108: {  	v48 =	vadd.f32 v5, v48;
	v14 =	vld.idx.msk [tilespmem:v7+s26+$0x0], $0xffff;
	v8 =	vadd.f32 v12, v8;
	v12 =	vmul.f32 v42, v42  }
0x109: {  	v15 =	vld.idx.msk [tilespmem:v7+s23+$0x0], $0xffff;
	v11 =	vadd.f32 v11, v4;
	v5 =	vmul.f32 v9, v38;
	v17 =	vmul.f32 v17, v62;
	s0 =	sadd.f32 $9.999999970e-07, s0  }
0x10a: {  	v4 =	vld.idx.msk [tilespmem:v7+s25+$0x0], $0xffff;
	v62 =	vadd.s32 v23, v1;
	v1 =	vmul.f32 s1, v26;
	v38 =	vmul.f32 v48, v48  }
0x10b: {  	v9 =	vld.idx.msk [tilespmem:v7+s5+$0x0], $0xffff;
	v7 =	vmul.f32 s1, v51;
	v8 =	vadd.f32 v12, v8;
	s13 =	sshrl.u32 s0, $0x1;
	s4 =	smul.f32 $5.000000000e-01, s0;
	s0 =	simm.s32 $0x14E00  }
0x10c: {  	v23 =	vld [tilespmem:$0x1FFD0];
	v1 =	vmul.f32 v1, v50;
	[tilespmem:s0+$0xFFFFFF80] =	vst v6;
	v6 =	vadd.f32 v38, v11;
	v11 =	vmul.f32 v10, v10  }
0x10d: {  	v13 =	vld [tilespmem:s20+$0x8000];
	v7 =	vmul.f32 v7, v60;
	v60 =	vadd.f32 v16, v3;
	v3 =	vmul.f32 s1, v25  }
0x10e: {  	v12 =	vld [tilespmem:s20+$0x8050];
	v50 =	vadd.f32 v21, v49;
	[tilespmem:$0x1FEA0] =	vst v10;
	v6 =	vadd.f32 v11, v6;
	v11 =	vmul.f32 s3, v51  }
0x10f: {  	v3 =	vmul.f32 v3, v56;
	[tilespmem:s0+$0x20] =	vst v5  }
0x110: {  	v31 =	vadd.f32 v20, v44;
	[tilespmem:s0+$0x30] =	vst v17;
	v17 =	vmul.f32 v11, v52;
	v11 =	vmul.f32 v50, v50  }
0x111: {  	v10 =	vld [tilespmem:s20+$0x8070];
	v5 =	vmul.f32 s1, v32;
	[tilespmem:s0+$0x40] =	vst v7;
	v7 =	vadd.f32 v2, v15;
	v2 =	vmul.f32 s1, v33  }
0x112: {  	s2 =	sand.u32 $0xE, s2;
	v0 =	vmul.f32 s1, v23;
	v16 =	vld [tilespmem:s20+$0x8030];
	[tilespmem:s0+$0x10] =	vst v1;
	v1 =	vadd.f32 v11, v6;
	v6 =	vmul.f32 v31, v31  }
0x113: {  	s2 =	sor.u32 s30, s2;
	v54 =	vadd.f32 v13, v9;
	v9 =	vmul.f32 v5, v59;
	v38 =	vmul.f32 v2, v58;
	v2 =	vld [tilespmem:$0x1FEB0];
	[tilespmem:s0+$0x0] =	vst v3  }
0x114: {  	s2 =	sshll.u32 s2, $0x7;
	v3 =	vadd.f32 v6, v1;
	v1 =	vld [tilespmem:$0x1FEC0];
	[tilespmem:s0+$0xFFFFFFC0] =	vst v17  }
0x115: {  	s6 =	sand.u32 $0x3FFFFF80, s2;
	s11 =	ssub.s32 $0x5F3759DF, s13;
	v56 =	vld.idx.msk [tilespmem:v62+s26+$0x0], $0xffff;
	v0 =	vmul.f32 v0, v61;
	[tilespmem:s0+$0x60] =	vst v9  }
0x116: {  	s14 =	spop (v2sf);
	s15 =	smul.f32 s11, s4;
	v13 =	vld [tilespmem:s6+$0x8010];
	[tilespmem:s0+$0x70] =	vst v38  }
0x117: {  	s12 =	smul.f32 $7.812500000e-03, s14;
	v9 =	vld [tilespmem:$0x1FED0];
	[tilespmem:s0+$0x50] =	vst v0  }
0x118: {  	v15 =	vmul.f32 s3, v30;
	s14 =	smul.f32 s11, s15;
	v0 =	vld [tilespmem:$0x1FEE0]  }
0x119: {  	(xrf2) =	vadd.scan.msk.f32 $0xffff, v8;
	s12 =	sadd.f32 $9.999999970e-07, s12;
	v8 =	vld.idx.msk [tilespmem:v62+s25+$0x0], $0xffff  }
0x11a: {  	v61 =	vld.idx.msk [tilespmem:v62+s29+$0x0], $0xffff;
	s19 =	ssub.f32 $1.500000000e+00, s14;
	v44 =	vmul.f32 v15, v2  }
0x11b: {  	v5 =	vld.idx.msk [tilespmem:v62+s28+$0x0], $0xffff;
	s15 =	sshrl.u32 s12, $0x1;
	v49 =	vadd.f32 v7, v53;
	v7 =	vmul.f32 s3, v32;
	s14 =	smul.f32 $5.000000000e-01, s12  }
0x11c: {  	s12 =	ssub.s32 $0x5F3759DF, s15;
	v11 =	vld [tilespmem:s6+$0x8000];
	s10 =	smul.f32 s11, s19;
	[tilespmem:s0+$0xFFFFFFB0] =	vst v44  }
0x11d: {  	s20 =	smul.f32 s12, s14;
	v7 =	vmul.f32 v7, v0;
	v0 =	vld [tilespmem:$0x1FEF0]  }
0x11e: {  	v34 =	vmul.f32 s3, v26;
	v53 =	vadd.f32 v16, v18;
	v18 =	vld.idx.msk [tilespmem:v62+s22+$0x0], $0xffff;
	s11 =	smul.f32 s10, s4  }
0x11f: {  	v16 =	vadd.f32 v12, v14;
	v14 =	vadd.f32 v10, v19;
	v19 =	vld [tilespmem:s6+$0x8020];
	v6 =	vmul.f32 s3, v28;
	s15 =	smul.f32 s12, s20  }
0x120: {  	v58 =	vmul.f32 v49, v49;
	v12 =	vmul.f32 s3, v33;
	v17 =	vld.idx.msk [tilespmem:v62+s5+$0x0], $0xffff;
	s11 =	smul.f32 s11, s10  }
0x121: {  	s31 =	sshll.u32 s7, $0x1;
	s2 =	simm.s32 $0x14F00;
	v2 =	vld [tilespmem:s6+$0x8050];
	s20 =	ssub.f32 $1.500000000e+00, s15;
	v1 =	vmul.f32 v34, v1;
	v6 =	vmul.f32 v6, v9  }
0x122: {  	v15 =	vld.idx.msk [tilespmem:v62+s23+$0x0], $0xffff;
	(xrf2) =	vadd.scan.msk.f32 $0xffff, v3;
	s15 =	simm.s32 $0x8;
	s11 =	ssub.f32 $1.500000000e+00, s11;
	v9 =	vmul.f32 s3, v23;
	s3 =	simm.s32 $0x15000;
	v0 =	vmul.f32 v12, v0  }
.LBB2_7:
0x123: {  	v3 =	vld [tilespmem:s6+$0x8060]  }
0x124: {  	[tilespmem:s0+$0xFFFFFF90] =	vst v1;
	v1 =	vld [tilespmem:$0x1FDA0]  }
0x125: {  	v23 =	vld [tilespmem:$0x1FF50]  }
0x126: {  	v27 =	vld [tilespmem:$0x1FF70]  }
0x127: {  	v29 =	vld [tilespmem:$0x1FF30]  }
0x128: {  	v51 =	vmov v41;
	v41 =	vld [tilespmem:s6+$0x8070]  }
0x129: {  	[tilespmem:s0+$0xFFFFFFA0] =	vst v6;
	v6 =	vld [tilespmem:$0x1FE00]  }
0x12a: {  	v63 =	vadd.f32 v55, v63;
	v55 =	vmul.f32 v9, v1;
	v9 =	vld [tilespmem:$0x1FDE0]  }
0x12b: {  	v21 =	vmov v40;
	v1 =	vmov v43;
	v43 =	vld [tilespmem:s6+$0x8040]  }
0x12c: {  	s11 =	smul.f32 s11, s10;
	[tilespmem:$0x1FDE0] =	vst v21;
	v21 =	vld [tilespmem:$0x1FF00]  }
0x12d: {  	v52 =	vmov v22;
	v22 =	vadd.f32 v11, v17;
	[tilespmem:s0+$0xFFFFFFF0] =	vst v0;
	v17 =	vadd.f32 v3, v5;
	v3 =	vld [tilespmem:$0x1FE40]  }
0x12e: {  	s4 =	smul.f32 s11, s4;
	v59 =	vadd.f32 v14, v27;
	v14 =	vld.idx.msk [tilespmem:v62+s24+$0x0], $0xffff  }
0x12f: {  	v20 =	vmov v46;
	s20 =	smul.f32 s12, s20;
	[tilespmem:s0+$0xFFFFFFE0] =	vst v7;
	v7 =	vld [tilespmem:$0x1FE60]  }
0x130: {  	s13 =	sadd.s32 $0x1, s15;
	s19 =	sadd.s32 $0x2, s15;
	[tilespmem:$0x1FE00] =	vst v20;
	v20 =	vld [tilespmem:$0x1FF10];
	s4 =	smul.f32 s4, s11;
	v10 =	vmov v6;
	v6 =	vmov v24  }
0x131: {  	p0 =	slt.u32 s15, $0x3E;
	s12 =	smov.u32 s15;
	s15 =	smul.f32 s20, s14;
	[tilespmem:$0x1FDA0] =	vst v6;
	v6 =	vadd.f32 v16, v23;
	v16 =	vadd.f32 v22, v21;
	v22 =	vld [tilespmem:$0x1FE20]  }
0x132: {  	v38 =	vmov v35;
	s1 =	sand.u32 $0xF, s13;
	v0 =	vmov v31;
	v31 =	vld [tilespmem:$0x1FF20];
	s4 =	ssub.f32 $1.500000000e+00, s4  }
0x133: {  	v40 =	vmov s13;
	s1 =	sor.u32 s30, s1;
	v19 =	vadd.f32 v19, v15;
	s13 =	smul.f32 s15, s20;
	[tilespmem:$0x1FD90] =	vst v1;
	v35 =	vmovc v3;
	v3 =	vmovc v42;
	v46 =	vadd.f32 v54, v21;
	v21 =	vld [tilespmem:$0x1FDB0]  }
0x134: {  	s1 =	sshll.u32 s1, $0x7;
	v15 =	vld [tilespmem:s6+$0x8030];
	s11 =	smul.f32 s4, s11;
	v1 =	vmov v9;
	v9, _, _ =	vpop (xrf2);
	v11 =	vmov v7;
	v7 =	vmov v50;
	[tilespmem:$0x1FE40] =	vst v3  }
0x135: {  	s10 =	sand.u32 $0x3FFFFF80, s1;
	s1 =	ssub.f32 $1.500000000e+00, s13;
	(v2sf) =	vpush v9, $0xF;
	v3 =	vld [tilespmem:$0x1FE30];
	[tilespmem:$0x1FE60] =	vst v7;
	v7 =	vadd.f32 v13, v18;
	v18, _, _ =	vpop (xrf2)  }
0x136: {  	v24 =	vld [tilespmem:$0x1FF60];
	[tilespmem:s0+$0xFFFFFFD0] =	vst v55;
	v34 =	vmul.f32 s11, v25;
	(v2sf) =	vpush v18, $0xF;
	v18 =	vmovc v22;
	v22 =	vmov v47  }
0x137: {  	v4 =	vadd.f32 v57, v4;
	v62 =	vadd.f32 v2, v56;
	v55 =	vmov s12;
	s1 =	smul.f32 s1, s20;
	[tilespmem:$0x1FE20] =	vst v22;
	v22 =	vld [tilespmem:$0x1FF40]  }
0x138: {  	v42 =	vadd.f32 v41, v61;
	v13 =	vmovc v48;
	v7 =	vadd.f32 v7, v20;
	v48 =	vmul.f32 v34, v21;
	v21 =	vld [tilespmem:$0x1FE80]  }
0x139: {  	v8 =	vadd.f32 v43, v8;
	s15 =	smul.f32 s1, s14;
	v50 =	vmul.f32 v16, v16;
	v14 =	vadd.f32 v15, v14  }
0x13a: {  	v5 =	vmovc v3;
	v3 =	vadd.f32 v19, v31;
	v19 =	vld.idx.msk [tilespmem:v40+s21+$0x0], $0xffff;
	v57 =	vmul.f32 v7, v7;
	v40 =	vand.u32 $0xFFFFFFFE, v55  }
0x13b: {  	v56 =	vld [tilespmem:s10+$0x8010];
	v41 =	vadd.f32 v17, v24;
	s4 =	smul.f32 s15, s1;
	v15 =	vbroadcast v40, $0x0;
	v40 =	vadd.f32 v14, v29  }
0x13c: {  	v17 =	vld [tilespmem:s10+$0x8000];
	v61 =	vadd.f32 v57, v50;
	v43 =	vadd.f32 v8, v22;
	v8 =	vmul.f32 v3, v3  }
0x13d: {  	v12 =	vmov v45;
	v45 =	vadd.f32 v60, v20;
	v20 =	vld [tilespmem:s10+$0x8020];
	s4 =	ssub.f32 $1.500000000e+00, s4;
	v33 =	vmov v21  }
0x13e: {  	v32 =	vlaneseq.u32;
	v55 =	vld [tilespmem:s10+$0x8060];
	[tilespmem:$0x1FDB0] =	vst v33;
	v33 =	vmul.f32 v40, v40;
	v8 =	vadd.f32 v8, v61  }
0x13f: {  	v44 =	vmovc v36;
	v36 =	vmovc v39;
	v39 =	vadd.f32 v62, v23;
	v2 =	vmul.f32 s11, v26;
	v47 =	vadd.f32 v53, v29;
	s6 =	smul.f32 s4, s1;
	v29 =	vld [tilespmem:$0x1FE90]  }
0x140: {  	s0 =	smov.u32 s2;
	v14 =	vmovc v16;
	v57 =	vld [tilespmem:s10+$0x8040];
	v19 =	vadd.s32 v32, v19;
	v16 =	vmul.f32 v43, v43;
	v8 =	vadd.f32 v33, v8  }
0x141: {  	v15 =	vld.idx.msk [tilespmem:v15+s21+$0x0], $0xffff;
	[tilespmem:s0+$0xFFFFFF80] =	vst v48;
	v48 =	vadd.f32 v4, v22;
	v61 =	vmul.f32 s6, v26;
	v26 =	vmul.f32 s6, v28  }
0x142: {  	[tilespmem:$0x1FE80] =	vst v14;
	v14 =	vld [tilespmem:s10+$0x8070];
	v28 =	vmul.f32 s6, v30;
	v33 =	vmul.f32 v39, v39;
	v4 =	vadd.f32 v16, v8  }
0x143: {  	v21 =	vld [tilespmem:s10+$0x8050]  }
0x144: {  	v60 =	vmul.f32 v41, v41;
	v18 =	vmul.f32 v28, v18;
	v28 =	vld [tilespmem:$0x1FDF0];
	v4 =	vadd.f32 v33, v4  }
0x145: {  	v50 =	vadd.f32 v63, v24;
	v63 =	vld.idx.msk [tilespmem:v19+s28+$0x0], $0xffff  }
0x146: {  	v60 =	vadd.f32 v60, v4;
	v4 =	vld [tilespmem:$0x1FE10]  }
0x147: {  	v23 =	vld.idx.msk [tilespmem:v19+s29+$0x0], $0xffff  }
0x148: {  	v54 =	vmul.f32 v45, v45;
	v34 =	vmul.f32 v46, v46;
	v24 =	vld.idx.msk [tilespmem:v19+s26+$0x0], $0xffff  }
0x149: {  	v42 =	vadd.f32 v42, v27;
	v27 =	vld.idx.msk [tilespmem:v19+s5+$0x0], $0xffff  }
0x14a: {  	v16 =	vadd.f32 v54, v34;
	v54 =	vmul.f32 s6, v25;
	v25 =	vld.idx.msk [tilespmem:v19+s22+$0x0], $0xffff  }
0x14b: {  	v62 =	vadd.s32 v32, v15;
	v15 =	vld.idx.msk [tilespmem:v19+s23+$0x0], $0xffff;
	v26 =	vmul.f32 v26, v4;
	v4 =	vmov v29  }
0x14c: {  	[tilespmem:$0x1FE10] =	vst v4;
	v4 =	vld [tilespmem:$0x1FFC0]  }
0x14d: {  	v34 =	vmul.f32 v47, v47;
	v32 =	vld [tilespmem:$0x1FFD0];
	v16 =	vadd.f32 v58, v16  }
0x14e: {  	v8 =	vmul.f32 v42, v42;
	v33 =	vld [tilespmem:$0x1FFE0]  }
0x14f: {  	v16 =	vadd.f32 v34, v16;
	v34 =	vld [tilespmem:$0x1FFF0]  }
0x150: {  	v28 =	vmul.f32 v61, v28;
	v8 =	vadd.f32 v8, v60;
	v61 =	vld.idx.msk [tilespmem:v62+s29+$0x0], $0xffff  }
0x151: {  	v60 =	vadd.f32 v56, v25;
	v25 =	vld [tilespmem:$0x1FF80];
	v58 =	vmul.f32 s11, v4;
	v30 =	vmul.f32 s6, v4;
	v4 =	vmovc v49  }
0x152: {  	s20 =	spop (v2sf);
	v29 =	vld.idx.msk [tilespmem:v19+s24+$0x0], $0xffff;
	[tilespmem:$0x1FE90] =	vst v4  }
0x153: {  	s14 =	smul.f32 $7.812500000e-03, s20;
	v4 =	vld.idx.msk [tilespmem:v19+s25+$0x0], $0xffff;
	[tilespmem:s0+$0x20] =	vst v26  }
0x154: {  	v26 =	vld [tilespmem:s10+$0x8030];
	v30 =	vmul.f32 v30, v5;
	v5 =	vmov v12  }
0x155: {  	s1 =	sadd.f32 $9.999999970e-07, s14;
	[tilespmem:$0x1FDF0] =	vst v5;
	v5 =	vld [tilespmem:$0x1FE50]  }
0x156: {  	[tilespmem:s0+$0x40] =	vst v30;
	v30 =	vld [tilespmem:$0x1FFB0]  }
0x157: {  	v53 =	vmul.f32 v48, v48;
	s15 =	spop (v2sf);
	s20 =	sshrl.u32 s1, $0x1;
	s4 =	smul.f32 $5.000000000e-01, s1;
	(xrf2) =	vadd.scan.msk.f32 $0xffff, v8;
	v8 =	vld [tilespmem:$0x1FE70]  }
0x158: {  	[tilespmem:$0x1FE30] =	vst v13;
	s13 =	smul.f32 $7.812500000e-03, s15;
	s1 =	ssub.s32 $0x5F3759DF, s20;
	v56 =	vld.idx.msk [tilespmem:v62+s26+$0x0], $0xffff;
	v19 =	vmul.f32 s6, v32  }
0x159: {  	s12 =	sand.u32 $0xE, s12;
	v13 =	vmul.f32 v6, v6;
	s14 =	smul.f32 s1, s4;
	v16 =	vadd.f32 v53, v16;
	[tilespmem:s0+$0x10] =	vst v28;
	v28 =	vld [tilespmem:$0x1FFA0]  }
0x15a: {  	s12 =	sor.u32 s30, s12;
	v53 =	vadd.f32 v26, v29;
	v26 =	vld [tilespmem:$0x1FF90];
	v12 =	vmul.f32 v19, v5;
	v19 =	vmul.f32 s6, v34  }
0x15b: {  	s12 =	sshll.u32 s12, $0x7;
	v10 =	vmul.f32 v54, v10;
	s13 =	sadd.f32 $9.999999970e-07, s13;
	v54 =	vadd.f32 v17, v27;
	s15 =	smul.f32 s1, s14;
	v5 =	vld.idx.msk [tilespmem:v62+s28+$0x0], $0xffff;
	v17 =	vmul.f32 s11, v30  }
0x15c: {  	v0 =	vmovc v0;
	v15 =	vadd.f32 v20, v15;
	[tilespmem:s0+$0x30] =	vst v18;
	v18 =	vmul.f32 s6, v33;
	s6 =	sand.u32 $0x3FFFFF80, s12;
	v19 =	vmul.f32 v19, v8;
	v8 =	vld [tilespmem:$0x1FEA0]  }
0x15d: {  	s20 =	sshrl.u32 s13, $0x1;
	v16 =	vadd.f32 v13, v16;
	s14 =	smul.f32 $5.000000000e-01, s13;
	[tilespmem:$0x1FE70] =	vst v0;
	s13 =	ssub.f32 $1.500000000e+00, s15;
	v13 =	vld [tilespmem:s6+$0x8010];
	v20 =	vmul.f32 v17, v1;
	v1 =	vmov v6  }
0x15e: {  	v18 =	vmul.f32 v18, v11;
	v29 =	vmul.f32 s11, v34;
	[tilespmem:$0x1FEA0] =	vst v1;
	v1 =	vld [tilespmem:$0x1FDC0]  }
0x15f: {  	v22 =	vmul.f32 v50, v50;
	s10 =	smul.f32 s1, s13;
	[tilespmem:s0+$0x0] =	vst v10;
	v11 =	vld [tilespmem:s6+$0x8000]  }
0x160: {  	v9 =	vmul.f32 v59, v59;
	[tilespmem:s0+$0x60] =	vst v18;
	v0 =	vmul.f32 v29, v35;
	v35 =	vmovc v3;
	v3 =	vld [tilespmem:$0x1FD90];
	v6 =	vmov v44  }
0x161: {  	v16 =	vadd.f32 v22, v16;
	s12 =	ssub.s32 $0x5F3759DF, s20;
	s20 =	smul.f32 s10, s4;
	v17 =	vmul.f32 v58, v37;
	[tilespmem:$0x1FDC0] =	vst v6;
	v6 =	vld [tilespmem:$0x1FDD0];
	v8 =	vmov v8  }
0x162: {  	s15 =	smul.f32 s12, s14;
	[tilespmem:$0x1FE50] =	vst v8;
	v8 =	vld.idx.msk [tilespmem:v62+s25+$0x0], $0xffff  }
.Ltmp1:
0x163: {  	v14 =	vadd.f32 v14, v23;
	v22 =	vadd.f32 v9, v16;
	v1 =	vmul.f32 v2, v1;
	v2 =	vld [tilespmem:s6+$0x8050];
	[tilespmem:s0+$0xFFFFFFC0] =	vst v17;
	(pc) =	sbr.rel @p0 .LBB2_7-.Ltmp1, $4  }
0x164: {  	v16 =	vadd.f32 v21, v24;
	v49 =	vadd.f32 v15, v31;
	s13 =	smul.f32 s20, s10;
	[tilespmem:s0+$0x50] =	vst v12;
	v15 =	vld.idx.msk [tilespmem:v62+s23+$0x0], $0xffff  }
0x165: {  	v24 =	vmovc v36;
	v21 =	vmul.f32 s11, v33;
	v36 =	vmovc v7;
	v7 =	vmov v38;
	v10 =	vmul.f32 s11, v28;
	s1 =	smul.f32 s12, s15;
	[tilespmem:s0+$0x70] =	vst v19;
	v17 =	vld.idx.msk [tilespmem:v62+s5+$0x0], $0xffff  }
0x166: {  	s2 =	smov.u32 s3;
	v9 =	vmul.f32 s11, v32;
	(xrf2) =	vadd.scan.msk.f32 $0xffff, v22;
	v31 =	vmovc v59;
	v58 =	vmul.f32 v49, v49;
	[tilespmem:$0x1FDD0] =	vst v7;
	s11 =	ssub.f32 $1.500000000e+00, s13;
	v18 =	vld.idx.msk [tilespmem:v62+s22+$0x0], $0xffff  }
0x167: {  	s3 =	sadd.s32 $0x100, s3;
	v27 =	vlaneseq.u32;
	v22 =	vmovc v51;
	s15 =	smov.u32 s19;
	v7 =	vmul.f32 v21, v52;
	s20 =	ssub.f32 $1.500000000e+00, s1;
	v37 =	vmovc v3;
	v6 =	vmul.f32 v10, v6;
	v19 =	vld [tilespmem:s6+$0x8020];
	[tilespmem:s0+$0xFFFFFFB0] =	vst v20  }
0x168: {  	_ =	sdelay $0x1  }
0x169: {  	v3 =	vld [tilespmem:s6+$0x8060]  }
0x16a: {  	v33 =	vld [tilespmem:$0x1FF50]  }
0x16b: {  	v20 =	vld.idx.msk [tilespmem:v62+s24+$0x0], $0xffff  }
0x16c: {  	v62 =	vld [tilespmem:$0x1FF00]  }
0x16d: {  	v4 =	vadd.f32 v57, v4;
	v10 =	vadd.f32 v55, v63;
	v63 =	vld [tilespmem:$0x1FF10]  }
0x16e: {  	v12 =	vld [tilespmem:s6+$0x8040];
	v2 =	vadd.f32 v2, v56;
	v11 =	vadd.f32 v11, v17  }
0x16f: {  	v29 =	vld [tilespmem:$0x1FF20];
	v13 =	vadd.f32 v13, v18;
	v21 =	vadd.f32 v16, v33;
	v16, _, _ =	vpop (xrf2)  }
0x170: {  	v15 =	vadd.f32 v19, v15;
	(v2sf) =	vpush v16, $0xF;
	v16 =	vld [tilespmem:s6+$0x8030]  }
0x171: {  	v59 =	vld [tilespmem:$0x1FF40];
	v18 =	vadd.f32 v11, v62;
	v3 =	vadd.f32 v3, v5  }
0x172: {  	v52 =	vld [tilespmem:$0x1FF30];
	v17 =	vadd.f32 v13, v63;
	v60 =	vadd.f32 v60, v63  }
0x173: {  	v57 =	vadd.f32 v54, v62;
	v8 =	vadd.f32 v12, v8;
	v5, _, _ =	vpop (xrf2)  }
0x174: {  	v11 =	vmul.f32 v18, v18;
	(v2sf) =	vpush v5, $0xF;
	v5 =	vmul.f32 v17, v17  }
0x175: {  	v23 =	vadd.f32 v15, v29;
	v13 =	vadd.f32 v16, v20  }
0x176: {  	v12 =	vmul.f32 v57, v57;
	v5 =	vadd.f32 v5, v11;
	v11 =	vmul.f32 v60, v60  }
0x177: {  	v15 =	vld [tilespmem:s6+$0x8070];
	v16 =	vadd.f32 v8, v59;
	v8 =	vmul.f32 v23, v23;
	v55 =	vadd.f32 v13, v52  }
0x178: {  	v56 =	vld [tilespmem:$0x1FF60];
	v11 =	vadd.f32 v11, v12;
	v13 =	vadd.f32 v53, v52  }
0x179: {  	v5 =	vadd.f32 v8, v5;
	v8 =	vmul.f32 v55, v55  }
0x17a: {  	v44 =	vld [tilespmem:$0x1FF70];
	v20 =	vadd.f32 v4, v59;
	v4 =	vadd.f32 v58, v11;
	v11 =	vmul.f32 v13, v13  }
0x17b: {  	v19 =	vadd.f32 v2, v33;
	v2 =	vmul.f32 v16, v16;
	v5 =	vadd.f32 v8, v5  }
0x17c: {  	v12 =	vmul.f32 v20, v20;
	v8 =	vadd.f32 v15, v61;
	v4 =	vadd.f32 v11, v4  }
0x17d: {  	s1 =	smul.f32 s12, s20;
	v11 =	vadd.f32 v3, v56;
	v3 =	vmul.f32 v19, v19;
	v2 =	vadd.f32 v2, v5  }
0x17e: {  	v61 =	vadd.f32 v10, v56;
	v5 =	vmul.f32 v21, v21;
	v4 =	vadd.f32 v12, v4  }
0x17f: {  	s12 =	smul.f32 s1, s14;
	v10 =	vmul.f32 v11, v11;
	v38 =	vadd.f32 v8, v44;
	v2 =	vadd.f32 v3, v2  }
0x180: {  	v51 =	vadd.f32 v14, v44;
	v3 =	vmul.f32 v61, v61;
	v4 =	vadd.f32 v5, v4  }
0x181: {  	s6 =	smul.f32 s12, s1;
	v5 =	vmul.f32 v38, v38;
	v2 =	vadd.f32 v10, v2  }
0x182: {  	v8 =	vmul.f32 v51, v51;
	v3 =	vadd.f32 v3, v4  }
0x183: {  	s6 =	ssub.f32 $1.500000000e+00, s6;
	v2 =	vadd.f32 v5, v2  }
0x184: {  	s10 =	smul.f32 s11, s10;
	v3 =	vadd.f32 v8, v3  }
0x185: {  	s1 =	smul.f32 s6, s1;
	s13 =	spop (v2sf);
	(xrf2) =	vadd.scan.msk.f32 $0xffff, v2  }
0x186: {  	s6 =	smul.f32 $7.812500000e-03, s13;
	(xrf2) =	vadd.scan.msk.f32 $0xffff, v3  }
0x187: {  	s12 =	smul.f32 s1, s14  }
0x188: {  	s15 =	spop (v2sf);
	s6 =	sadd.f32 $9.999999970e-07, s6  }
0x189: {  	s11 =	smul.f32 $7.812500000e-03, s15  }
0x18a: {  	s13 =	sshrl.u32 s6, $0x1;
	s14 =	smul.f32 $5.000000000e-01, s6  }
0x18b: {  	s11 =	sadd.f32 $9.999999970e-07, s11;
	s6 =	ssub.s32 $0x5F3759DF, s13  }
0x18c: {  	s20 =	smul.f32 s6, s14  }
0x18d: {  	s15 =	smul.f32 $5.000000000e-01, s11  }
0x18e: {  	s19 =	sshrl.u32 s11, $0x1;
	s11 =	smul.f32 s6, s20  }
0x18f: {  	[tilespmem:s0+$0xFFFFFF90] =	vst v1;
	v2, _, _ =	vpop (xrf2)  }
0x190: {  	[tilespmem:s0+$0xFFFFFFA0] =	vst v6;
	s11 =	ssub.f32 $1.500000000e+00, s11;
	(v2sf) =	vpush v2, $0xF;
	v2, _, _ =	vpop (xrf2)  }
0x191: {  	s4 =	smul.f32 s10, s4;
	(v2sf) =	vpush v2, $0xF;
	v2 =	vld [tilespmem:$0x1FDA0]  }
0x192: {  	s11 =	smul.f32 s6, s11  }
0x193: {  	s4 =	smul.f32 s4, s10  }
0x194: {  	s6 =	smul.f32 s11, s14;
	[tilespmem:s0+$0xFFFFFFF0] =	vst v0  }
0x195: {  	s4 =	ssub.f32 $1.500000000e+00, s4;
	s12 =	smul.f32 s12, s1;
	[tilespmem:s0+$0xFFFFFFE0] =	vst v7  }
0x196: {  	s20 =	smul.f32 s6, s11;
	v3 =	vld [tilespmem:$0x1FDB0];
	v2 =	vmul.f32 v9, v2  }
0x197: {  	s6 =	smul.f32 s4, s10  }
0x198: {  	s12 =	ssub.f32 $1.500000000e+00, s12;
	[tilespmem:s0+$0xFFFFFFD0] =	vst v2  }
0x199: {  	v1 =	vmul.f32 s6, v25;
	v2 =	vld [tilespmem:$0x1FE10]  }
0x19a: {  	s1 =	smul.f32 s12, s1  }
0x19b: {  	v1 =	vmul.f32 v1, v3  }
0x19c: {  	v0 =	vmul.f32 s1, v28  }
0x19d: {  	v32 =	vld [tilespmem:$0x1FFC0];
	[tilespmem:s2+$0xFFFFFF80] =	vst v1  }
0x19e: {  	v4 =	vld [tilespmem:$0x1FE20];
	v0 =	vmul.f32 v0, v2;
	_ =	sdelay $0x1  }
0x19f: {  	[tilespmem:s2+$0x20] =	vst v0  }
0x1a0: {  	v3 =	vmul.f32 s1, v30;
	v5 =	vld [tilespmem:$0x1FDF0]  }
0x1a1: {  	v0 =	vld [tilespmem:$0x1FE30]  }
0x1a2: {  	v3 =	vmul.f32 v3, v4  }
0x1a3: {  	v1 =	vmul.f32 s1, v26  }
0x1a4: {  	v2 =	vmul.f32 s1, v32;
	[tilespmem:s2+$0x30] =	vst v3  }
0x1a5: {  	v1 =	vmul.f32 v1, v5;
	v5 =	vld [tilespmem:$0x1FE00]  }
0x1a6: {  	v0 =	vmul.f32 v2, v0;
	_ =	sdelay $0x1  }
0x1a7: {  	v4 =	vmul.f32 s1, v25;
	v58 =	vld [tilespmem:$0x1FFE0];
	[tilespmem:s2+$0x40] =	vst v0  }
0x1a8: {  	v54 =	vld [tilespmem:$0x1FFF0];
	[tilespmem:s2+$0x10] =	vst v1  }
0x1a9: {  	v4 =	vmul.f32 v4, v5;
	v5 =	vld [tilespmem:$0x1FE60]  }
0x1aa: {  	s13 =	ssub.s32 $0x5F3759DF, s19  }
0x1ab: {  	s19 =	smul.f32 s13, s15  }
0x1ac: {  	v3 =	vmul.f32 s1, v58  }
0x1ad: {  	s19 =	smul.f32 s13, s19;
	v6 =	vld [tilespmem:$0x1FFD0];
	[tilespmem:s2+$0x0] =	vst v4  }
0x1ae: {  	v2 =	vmul.f32 s6, v32;
	v3 =	vmul.f32 v3, v5;
	v5 =	vld [tilespmem:$0x1FE70]  }
0x1af: {  	s19 =	ssub.f32 $1.500000000e+00, s19  }
0x1b0: {  	v1 =	vmul.f32 v2, v37  }
0x1b1: {  	s13 =	smul.f32 s13, s19;
	v0 =	vmul.f32 s1, v54  }
0x1b2: {  	[tilespmem:s2+$0xFFFFFFC0] =	vst v1  }
0x1b3: {  	s19 =	smul.f32 s13, s15;
	v0 =	vmul.f32 v0, v5;
	v5 =	vld [tilespmem:$0x1FE50];
	_ =	sdelay $0x1  }
0x1b4: {  	s19 =	smul.f32 s19, s13  }
0x1b5: {  	s10 =	ssub.f32 $1.500000000e+00, s20;
	v2 =	vmul.f32 s1, v6  }
0x1b6: {  	s12 =	ssub.f32 $1.500000000e+00, s19;
	[tilespmem:s2+$0x60] =	vst v3  }
0x1b7: {  	s4 =	smul.f32 s10, s11;
	v3 =	vld [tilespmem:$0x1FDE0];
	v2 =	vmul.f32 v2, v5  }
0x1b8: {  	s11 =	smul.f32 s12, s13;
	[tilespmem:s2+$0x70] =	vst v0  }
0x1b9: {  	v0 =	vld [tilespmem:$0x1FDC0];
	[tilespmem:s2+$0x50] =	vst v2  }
0x1ba: {  	s12 =	smul.f32 s11, s15;
	s15 =	spop (v2sf);
	v4 =	vmul.f32 s6, v30;
	v5 =	vld [tilespmem:$0x1FDD0]  }
0x1bb: {  	s13 =	smul.f32 $7.812500000e-03, s15;
	s19 =	spop (v2sf)  }
0x1bc: {  	s20 =	smul.f32 $7.812500000e-03, s19;
	v3 =	vmul.f32 v4, v3  }
0x1bd: {  	s10 =	smul.f32 s4, s14;
	s15 =	sadd.f32 $9.999999970e-07, s13;
	v4 =	vmul.f32 s6, v28  }
0x1be: {  	s13 =	sadd.f32 $9.999999970e-07, s20;
	[tilespmem:s2+$0xFFFFFFB0] =	vst v3  }
0x1bf: {  	s14 =	smul.f32 s10, s4;
	v1 =	vmul.f32 s6, v26;
	v4 =	vmul.f32 v4, v5;
	v5 =	vld [tilespmem:$0x1FE40]  }
0x1c0: {  	s19 =	sshrl.u32 s15, $0x1;
	s20 =	sshrl.u32 s13, $0x1;
	s10 =	smul.f32 $5.000000000e-01, s13  }
0x1c1: {  	s0 =	smul.f32 $5.000000000e-01, s15;
	s15 =	ssub.s32 $0x5F3759DF, s19;
	s19 =	ssub.s32 $0x5F3759DF, s20;
	v2 =	vmul.f32 s6, v58;
	v0 =	vmul.f32 v1, v0  }
0x1c2: {  	s20 =	smul.f32 s19, s10;
	v1 =	vmul.f32 s6, v54  }
0x1c3: {  	s12 =	smul.f32 s12, s11;
	v3 =	vmul.f32 s6, v6;
	[tilespmem:s2+$0xFFFFFF90] =	vst v0;
	v0 =	vmul.f32 v2, v22  }
0x1c4: {  	s14 =	ssub.f32 $1.500000000e+00, s14;
	s1 =	smul.f32 s19, s20;
	[tilespmem:s2+$0xFFFFFFA0] =	vst v4;
	v1 =	vmul.f32 v1, v5  }
0x1c5: {  	s13 =	smul.f32 s15, s0;
	v3 =	vmul.f32 v3, v24;
	[tilespmem:s2+$0xFFFFFFE0] =	vst v0  }
0x1c6: {  	s4 =	smul.f32 s14, s4;
	s1 =	ssub.f32 $1.500000000e+00, s1;
	[tilespmem:s2+$0xFFFFFFF0] =	vst v1  }
0x1c7: {  	s12 =	ssub.f32 $1.500000000e+00, s12;
	s13 =	smul.f32 s15, s13;
	v0 =	vld [tilespmem:$0x1FE80];
	[tilespmem:s2+$0xFFFFFFD0] =	vst v3  }
0x1c8: {  	s1 =	smul.f32 s19, s1;
	v3 =	vld [tilespmem:$0x1FE90]  }
0x1c9: {  	s11 =	smul.f32 s12, s11;
	s13 =	ssub.f32 $1.500000000e+00, s13  }
0x1ca: {  	s20 =	smul.f32 s1, s10;
	v2 =	vmul.f32 s4, v25  }
0x1cb: {  	s15 =	smul.f32 s15, s13;
	v1 =	vmul.f32 s11, v28  }
0x1cc: {  	s13 =	smul.f32 s20, s1;
	v0 =	vmul.f32 v2, v0;
	v2 =	vmul.f32 s11, v30  }
0x1cd: {  	v1 =	vmul.f32 v1, v3;
	v3 =	vmul.f32 s11, v32  }
0x1ce: {  	s2 =	ssub.f32 $1.500000000e+00, s13;
	[tilespmem:s3+$0xFFFFFF80] =	vst v0;
	v0 =	vmul.f32 s11, v26;
	v2 =	vmul.f32 v2, v47  }
0x1cf: {  	s19 =	smul.f32 s15, s0;
	v4 =	vmul.f32 s11, v25;
	[tilespmem:s3+$0x20] =	vst v1;
	v1 =	vmul.f32 v3, v48  }
0x1d0: {  	s1 =	smul.f32 s2, s1;
	v3 =	vmul.f32 s4, v32;
	v0 =	vmul.f32 v0, v45;
	[tilespmem:s3+$0x30] =	vst v2  }
0x1d1: {  	s6 =	smul.f32 s19, s15;
	v4 =	vmul.f32 v4, v46;
	v2 =	vmul.f32 s11, v58;
	[tilespmem:s3+$0x40] =	vst v1  }
0x1d2: {  	s2 =	smul.f32 s1, s10;
	v1 =	vmul.f32 s11, v54;
	[tilespmem:s3+$0x10] =	vst v0;
	v0 =	vmul.f32 v3, v43  }
0x1d3: {  	s6 =	ssub.f32 $1.500000000e+00, s6;
	[tilespmem:s3+$0x0] =	vst v4;
	v2 =	vmul.f32 v2, v50  }
0x1d4: {  	v4 =	vmul.f32 s4, v30;
	s2 =	smul.f32 s2, s1;
	v1 =	vmul.f32 v1, v31;
	[tilespmem:s3+$0xFFFFFFC0] =	vst v0  }
0x1d5: {  	s6 =	smul.f32 s6, s15;
	v5 =	vld [tilespmem:$0x1FEA0];
	[tilespmem:s3+$0x60] =	vst v2  }
0x1d6: {  	s2 =	ssub.f32 $1.500000000e+00, s2;
	v2 =	vmul.f32 v4, v40;
	[tilespmem:s3+$0x70] =	vst v1;
	v1 =	vmul.f32 s4, v54  }
0x1d7: {  	s0 =	smul.f32 s6, s0;
	v0 =	vmul.f32 s4, v26  }
0x1d8: {  	s1 =	smul.f32 s2, s1;
	[tilespmem:s3+$0xFFFFFFB0] =	vst v2;
	v2 =	vmul.f32 s4, v6;
	v1 =	vmul.f32 v1, v42  }
0x1d9: {  	s0 =	smul.f32 s0, s6;
	v3 =	vmul.f32 s11, v6;
	v0 =	vmul.f32 v0, v36  }
0x1da: {  	v2 =	vmul.f32 v2, v39;
	[tilespmem:s3+$0xFFFFFFF0] =	vst v1;
	v1 =	vmul.f32 s1, v28  }
0x1db: {  	s0 =	ssub.f32 $1.500000000e+00, s0;
	v4 =	vmul.f32 s4, v28;
	[tilespmem:s3+$0xFFFFFF90] =	vst v0;
	v3 =	vmul.f32 v3, v5  }
0x1dc: {  	[tilespmem:s3+$0xFFFFFFD0] =	vst v2;
	v1 =	vmul.f32 v1, v49;
	v2 =	vmul.f32 s1, v32  }
0x1dd: {  	s14 =	sadd.s32 $0x100, s3;
	s0 =	smul.f32 s0, s6;
	v4 =	vmul.f32 v4, v35;
	[tilespmem:s3+$0x50] =	vst v3;
	v3 =	vmul.f32 s4, v58  }
0x1de: {  	[tilespmem:s14+$0x20] =	vst v1;
	v1 =	vmul.f32 v2, v20  }
0x1df: {  	[tilespmem:s3+$0xFFFFFFA0] =	vst v4;
	v0 =	vmul.f32 v3, v41;
	v3 =	vmul.f32 s0, v25  }
0x1e0: {  	[tilespmem:s14+$0x40] =	vst v1;
	v1 =	vmul.f32 s1, v54  }
0x1e1: {  	v4 =	vmul.f32 s1, v25;
	[tilespmem:s3+$0xFFFFFFE0] =	vst v0;
	v0 =	vmul.f32 v3, v18  }
0x1e2: {  	v3 =	vmul.f32 s1, v30;
	v1 =	vmul.f32 v1, v51  }
0x1e3: {  	v4 =	vmul.f32 v4, v57;
	[tilespmem:s14+$0xFFFFFF80] =	vst v0;
	v0 =	vmul.f32 s1, v26  }
0x1e4: {  	v3 =	vmul.f32 v3, v13;
	[tilespmem:s14+$0x70] =	vst v1;
	v1 =	vmul.f32 s0, v54  }
0x1e5: {  	v2 =	vmul.f32 s0, v32;
	[tilespmem:s14+$0x0] =	vst v4;
	v0 =	vmul.f32 v0, v60  }
0x1e6: {  	[tilespmem:s14+$0x30] =	vst v3;
	v3 =	vmul.f32 s1, v58;
	v1 =	vmul.f32 v1, v38  }
0x1e7: {  	[tilespmem:s14+$0x10] =	vst v0;
	v0 =	vmul.f32 v2, v16;
	v2 =	vmul.f32 s1, v6  }
0x1e8: {  	v4 =	vmul.f32 s0, v30;
	v3 =	vmul.f32 v3, v61;
	[tilespmem:s14+$0xFFFFFFF0] =	vst v1  }
0x1e9: {  	[tilespmem:s14+$0xFFFFFFC0] =	vst v0;
	v0 =	vmul.f32 s0, v26;
	v2 =	vmul.f32 v2, v21  }
0x1ea: {  	[tilespmem:s14+$0x60] =	vst v3;
	v3 =	vmul.f32 v4, v55;
	v4 =	vmul.f32 s0, v28  }
0x1eb: {  	v0 =	vmul.f32 v0, v17;
	[tilespmem:s14+$0x50] =	vst v2;
	v2 =	vmul.f32 s0, v58  }
0x1ec: {  	v4 =	vmul.f32 v4, v23;
	[tilespmem:s14+$0xFFFFFFB0] =	vst v3;
	v3 =	vmul.f32 s0, v6  }
0x1ed: {  	s15 =	sshll.u32 s7, $0xF;
	[tilespmem:s14+$0xFFFFFF90] =	vst v0;
	v0 =	vmul.f32 v2, v11  }
0x1ee: {  	s19 =	sadd.s32 s18, s15;
	[tilespmem:s14+$0xFFFFFFA0] =	vst v4;
	v2 =	vmul.f32 v3, v19  }
0x1ef: {  	s1 =	sshrl.u32 s19, $0x3;
	[tilespmem:s14+$0xFFFFFFE0] =	vst v0  }
0x1f0: {  	s20 =	simm.s32 $0x14D80;
	s1 =	sadd.s32 s9, s1;
	[tilespmem:s14+$0xFFFFFFD0] =	vst v2  }
0x1f1: {  	[hbm4b:s1+s16] =	stream.strided.scatter [tilespmem:s20], [sflag:$0x1], $0x800, s17, s16, $0x38;
	[tilespmem:$0x18E00] =	vst v63  }
0x1f2: {  	s2 =	rddreg [dreg:$0x12]  }
0x1f3: {  	s1 =	sadd.s32 s2, s15  }
0x1f4: {  	s1 =	sshrl.u32 s1, $0x3  }
0x1f5: {  	s3 =	simm.s32 $0x15580;
	s4 =	rddreg [dreg:$0x13];
	s1 =	sadd.s32 s9, s1  }
0x1f6: {  	[hbm4b:s1+s16] =	stream.strided.scatter [tilespmem:s3], [sflag:$0x1], $0x800, s17, s16, $0x38;
	[tilespmem:$0x18E00] =	vst v63  }
0x1f7: {  	s1 =	sadd.s32 s4, s15  }
0x1f8: {  	s30 =	sor.u32 $0x1, s31;
	s0 =	sadd.s32 s8, s15;
	s1 =	sshrl.u32 s1, $0x3  }
0x1f9: {  	s6 =	simm.s32 $0x15D80;
	s0 =	sshrl.u32 s0, $0x3;
	s1 =	sadd.s32 s9, s1  }
0x1fa: {  	[hbm4b:s1+s16] =	stream.strided.scatter [tilespmem:s6], [sflag:$0x1], $0x800, s17, s16, $0x38;
	[tilespmem:$0x18E00] =	vst v63  }
0x1fb: {  	s10 =	simm.s32 $0x16580;
	s0 =	sadd.s32 s9, s0;
	s11 =	rddreg [dreg:$0xd]  }
0x1fc: {  	[hbm4b:s0+s16] =	stream.strided.scatter [tilespmem:s10], [sflag:$0x1], $0x800, s17, s16, $0x38;
	[tilespmem:$0x18E00] =	vst v63  }
0x1fd: {  	s0 =	sadd.s32 s11, s30  }
0x1fe: {  	p0 =	seq.s32 s0, $0x1  }
0x1ff: {  	s0 =	simm.s32 @!p0 $0x2  }
0x200: {  	_ =	swait.ge @!p0 [sflag:s0], $0x800  }
0x201: {  	[sflag:s0] =	ssyncset.done @!p0 $0x0  }
0x202: {  	[sflag:s0] =	ssyncadd.s32 @!p0 $0xFFFFF800  }
0x203: {  	_ =	swait.ge @!p0 [sflag:s0], $0x800  }
0x204: {  	[sflag:s0] =	ssyncset.done @!p0 $0x0  }
0x205: {  	[sflag:s0] =	ssyncadd.s32 @!p0 $0xFFFFF800  }
0x206: {  	_ =	swait.ge @!p0 [sflag:s0], $0x800  }
0x207: {  	[sflag:s0] =	ssyncset.done @!p0 $0x0  }
0x208: {  	[sflag:s0] =	ssyncadd.s32 @!p0 $0xFFFFF800  }
0x209: {  	s31 =	sshll.u32 s30, $0x4;
	_ =	swait.ge @!p0 [sflag:s0], $0x800  }
0x20a: {  	s12 =	sand.u32 $0x180, s31;
	s14 =	rddreg [dreg:$0xe]  }
0x20b: {  	s13 =	sand.u32 $0x70, s31;
	[sflag:s0] =	ssyncset.done @!p0 $0x0;
	s1 =	sadd.s32 s12, s14  }
0x20c: {  	[sflag:s0] =	ssyncadd.s32 @!p0 $0xFFFFF800;
	s15 =	sadd.s32 s13, s1  }
0x20d: {  	v0 =	vld [tilespmem:s15+$0x0];
	_ =	sdelay $0x4  }
0x20e: {  	v0 =	vmul.f32 $2.550000000e+02, v0;
	_ =	sdelay $0x1  }
0x20f: {  	v0 =	vmax.f32 v0, $0.0e+00  }
0x210: {  	v0 =	vmin.f32 v0, $2.550000000e+02  }
0x211: {  	v0 =	vtrunc.f32 v0  }
0x212: {  	s19 =	rddreg [dreg:$0xf];
	v0 =	vcvt.f32.s32 v0  }
0x213: {  	s0 =	sadd.s32 s19, s31  }
0x214: {  	s0 =	sand.u32 $0xF80, s0;
	v0 =	vshll.u32 v0, $0x7  }
0x215: {  	s0 =	sor.u32 s13, s0;
	[tilespmem:$0x18D80] =	vst v0  }
0x216: {  	v0 =	vld [tilespmem:s0+$0x14080];
	_ =	sdelay $0x4  }
0x217: {  	v0 =	vmul.f32 $2.550000000e+02, v0;
	_ =	sdelay $0x1  }
0x218: {  	v0 =	vmax.f32 v0, $0.0e+00  }
0x219: {  	v0 =	vmin.f32 v0, $2.550000000e+02  }
0x21a: {  	v0 =	vtrunc.f32 v0  }
0x21b: {  	s20 =	rddreg [dreg:$0x10];
	v0 =	vcvt.f32.s32 v0  }
0x21c: {  	s0 =	sadd.s32 s20, s31  }
0x21d: {  	s0 =	sand.u32 $0x1F80, s0;
	v0 =	vshll.u32 v0, $0x7  }
0x21e: {  	s0 =	sor.u32 s13, s0;
	[tilespmem:$0x18D90] =	vst v0  }
0x21f: {  	v0 =	vld [tilespmem:s0+$0x14080];
	_ =	sdelay $0x4  }
0x220: {  	v0 =	vmul.f32 $2.550000000e+02, v0;
	_ =	sdelay $0x1  }
0x221: {  	v0 =	vmax.f32 v0, $0.0e+00  }
0x222: {  	v0 =	vmin.f32 v0, $2.550000000e+02  }
0x223: {  	v0 =	vtrunc.f32 v0  }
0x224: {  	s1 =	rddreg [dreg:$0x11];
	v0 =	vcvt.f32.s32 v0  }
0x225: {  	s0 =	sadd.s32 s1, s31  }
0x226: {  	s0 =	sand.u32 $0x1F80, s0;
	v0 =	vshll.u32 v0, $0x7  }
0x227: {  	s0 =	sor.u32 s13, s0;
	[tilespmem:$0x18DA0] =	vst v0  }
0x228: {  	v0 =	vld [tilespmem:s0+$0x14080];
	_ =	sdelay $0x4  }
0x229: {  	v0 =	vmul.f32 $2.550000000e+02, v0;
	_ =	sdelay $0x1  }
0x22a: {  	v0 =	vmax.f32 v0, $0.0e+00  }
0x22b: {  	s3 =	simm.s32 $0x1;
	v0 =	vmin.f32 v0, $2.550000000e+02  }
0x22c: {  	v1 =	vmov s3;
	v0 =	vtrunc.f32 v0  }
0x22d: {  	v0 =	vcvt.f32.s32 v0  }
0x22e: {  	s0 =	sand.u32 $0xF, s3  }
0x22f: {  	s0 =	sor.u32 s31, s0;
	v0 =	vshll.u32 v0, $0x7  }
0x230: {  	s0 =	sshll.u32 s0, $0x7;
	[tilespmem:$0x18DB0] =	vst v0  }
0x231: {  	s0 =	sand.u32 $0x3FFFFF80, s0;
	v0 =	vld.idx.msk [tilespmem:v1+s21+$0x0], $0xffff  }
0x232: {  	v2 =	vld [tilespmem:s0+$0x8060]  }
0x233: {  	v3 =	vld [tilespmem:s0+$0x8040]  }
0x234: {  	s4 =	simm.s32 $0x0;
	v4 =	vld [tilespmem:s0+$0x8000]  }
0x235: {  	v1 =	vmov s4;
	v5 =	vld [tilespmem:s0+$0x8020]  }
0x236: {  	v6 =	vld [tilespmem:s0+$0x8010];
	v1 =	vand.u32 $0xFFFFFFFE, v1  }
0x237: {  	s1 =	sand.u32 $0xE, s4;
	v7 =	vld [tilespmem:s0+$0x8050];
	v1 =	vbroadcast v1, $0x0  }
0x238: {  	s6 =	sor.u32 s31, s1;
	v8 =	vld [tilespmem:s0+$0x8070]  }
0x239: {  	v16 =	vld [tilespmem:s0+$0x8030];
	s0 =	sshll.u32 s6, $0x7;
	v0 =	vadd.s32 v27, v0  }
0x23a: {  	s10 =	sand.u32 $0x3FFFFF80, s0  }
0x23b: {  	v20 =	vld [tilespmem:s10+$0x8010]  }
0x23c: {  	v49 =	vld [tilespmem:s10+$0x8000]  }
0x23d: {  	v1 =	vld.idx.msk [tilespmem:v1+s21+$0x0], $0xffff  }
0x23e: {  	v9 =	vld.idx.msk [tilespmem:v0+s28+$0x0], $0xffff  }
0x23f: {  	v10 =	vld.idx.msk [tilespmem:v0+s29+$0x0], $0xffff  }
0x240: {  	v11 =	vld.idx.msk [tilespmem:v0+s26+$0x0], $0xffff  }
0x241: {  	v13 =	vld.idx.msk [tilespmem:v0+s23+$0x0], $0xffff  }
0x242: {  	v12 =	vld.idx.msk [tilespmem:v0+s22+$0x0], $0xffff;
	v1 =	vadd.s32 v27, v1  }
0x243: {  	v14 =	vld.idx.msk [tilespmem:v0+s5+$0x0], $0xffff  }
0x244: {  	v15 =	vld.idx.msk [tilespmem:v0+s24+$0x0], $0xffff  }
0x245: {  	v0 =	vld.idx.msk [tilespmem:v0+s25+$0x0], $0xffff  }
0x246: {  	v5 =	vadd.f32 v5, v13;
	v13 =	vld [tilespmem:s10+$0x8020]  }
0x247: {  	v17 =	vld.idx.msk [tilespmem:v1+s29+$0x0], $0xffff  }
0x248: {  	v18 =	vld.idx.msk [tilespmem:v1+s28+$0x0], $0xffff  }
0x249: {  	v19 =	vld.idx.msk [tilespmem:v1+s26+$0x0], $0xffff  }
0x24a: {  	v24 =	vld.idx.msk [tilespmem:v1+s22+$0x0], $0xffff  }
0x24b: {  	v25 =	vadd.f32 v5, v29;
	v50 =	vld.idx.msk [tilespmem:v1+s23+$0x0], $0xffff  }
0x24c: {  	v51 =	vld.idx.msk [tilespmem:v1+s5+$0x0], $0xffff  }
0x24d: {  	v6 =	vadd.f32 v6, v12;
	v4 =	vadd.f32 v4, v14;
	v12 =	vld.idx.msk [tilespmem:v1+s25+$0x0], $0xffff;
	[tilespmem:$0x1FCE0] =	vst v25  }
0x24e: {  	v7 =	vadd.f32 v7, v11;
	v5 =	vadd.f32 v16, v15;
	v15 =	vld [tilespmem:s10+$0x8040]  }
0x24f: {  	s11 =	simm.s32 $0x3;
	v8 =	vadd.f32 v8, v10;
	v1 =	vld.idx.msk [tilespmem:v1+s24+$0x0], $0xffff;
	v11 =	vadd.f32 v20, v24  }
0x250: {  	v14 =	vmov s11;
	v3 =	vadd.f32 v3, v0;
	v16 =	vld [tilespmem:s10+$0x8030];
	v0 =	vadd.f32 v13, v50  }
0x251: {  	v10 =	vadd.f32 v49, v51;
	v53 =	vadd.f32 v11, v63  }
0x252: {  	s13 =	simm.s32 $0x2;
	v20 =	vld [tilespmem:s10+$0x8060];
	v55 =	vadd.f32 v0, v29  }
0x253: {  	s12 =	sand.u32 $0xF, s11;
	v2 =	vadd.f32 v2, v9;
	v9 =	vmov s13;
	v13 =	vld [tilespmem:s10+$0x8050];
	v42 =	vadd.f32 v10, v62;
	[tilespmem:$0x1FD50] =	vst v53  }
0x254: {  	s2 =	sor.u32 s31, s12;
	v9 =	vand.u32 $0xFFFFFFFE, v9;
	v12 =	vadd.f32 v15, v12;
	[tilespmem:$0x1FD60] =	vst v55  }
0x255: {  	s2 =	sshll.u32 s2, $0x7;
	v1 =	vadd.f32 v16, v1;
	v11 =	vmul.f32 v42, v42;
	v0 =	vld.idx.msk [tilespmem:v14+s21+$0x0], $0xffff;
	v14 =	vmul.f32 v53, v53  }
0x256: {  	s2 =	sand.u32 $0x3FFFFF80, s2;
	v9 =	vbroadcast v9, $0x0;
	v61 =	vadd.f32 v4, v62;
	v57 =	vadd.f32 v12, v59;
	v10 =	vld [tilespmem:s10+$0x8070]  }
0x257: {  	v12 =	vmul.f32 v55, v55;
	v60 =	vadd.f32 v1, v52;
	v15 =	vld [tilespmem:s2+$0x8060];
	v11 =	vadd.f32 v14, v11  }
0x258: {  	v36 =	vadd.f32 v2, v56;
	v50 =	vadd.f32 v6, v63;
	v14 =	vld [tilespmem:s2+$0x8040];
	[tilespmem:$0x1FD20] =	vst v57  }
0x259: {  	v16 =	vadd.f32 v20, v18;
	v18 =	vld [tilespmem:s2+$0x8000];
	[tilespmem:$0x1FD40] =	vst v60;
	v1 =	vadd.f32 v12, v11  }
0x25a: {  	v20 =	vld [tilespmem:s2+$0x8020];
	[tilespmem:$0x1FD00] =	vst v61;
	v11 =	vmul.f32 v60, v60;
	v12 =	vmul.f32 v50, v50;
	v6 =	vadd.s32 v27, v0  }
0x25b: {  	v0 =	vadd.f32 v13, v19;
	v4 =	vld [tilespmem:s2+$0x8010];
	v10 =	vadd.f32 v10, v17;
	v17 =	vmul.f32 v61, v61  }
0x25c: {  	v35 =	vadd.f32 v16, v56;
	v13 =	vld [tilespmem:s2+$0x8050];
	v19 =	vmul.f32 v57, v57;
	v1 =	vadd.f32 v11, v1  }
0x25d: {  	v9 =	vld.idx.msk [tilespmem:v9+s21+$0x0], $0xffff;
	v34 =	vadd.f32 v0, v33;
	v12 =	vadd.f32 v12, v17  }
0x25e: {  	v0 =	vld [tilespmem:s2+$0x8070];
	[tilespmem:$0x1FD70] =	vst v35;
	v17 =	vadd.f32 v19, v1;
	v19 =	vadd.f32 v10, v44  }
0x25f: {  	v53 =	vadd.f32 v5, v52;
	v11 =	vmul.f32 v25, v25;
	v5 =	vld.idx.msk [tilespmem:v6+s28+$0x0], $0xffff;
	[tilespmem:$0x1FC00] =	vst v34  }
0x260: {  	v60 =	vadd.f32 v3, v59;
	v16 =	vmul.f32 v34, v34;
	v1 =	vld.idx.msk [tilespmem:v6+s29+$0x0], $0xffff;
	[tilespmem:$0x1FD80] =	vst v19  }
0x261: {  	v37 =	vadd.f32 v8, v44;
	v3 =	vadd.f32 v11, v12;
	v11 =	vmul.f32 v53, v53;
	v10 =	vld.idx.msk [tilespmem:v6+s26+$0x0], $0xffff  }
0x262: {  	v61 =	vadd.f32 v7, v33;
	v7 =	vmul.f32 v60, v60;
	v16 =	vadd.f32 v16, v17;
	v17 =	vld.idx.msk [tilespmem:v6+s22+$0x0], $0xffff  }
0x263: {  	s0 =	sand.u32 $0xE, s13;
	v3 =	vadd.f32 v11, v3;
	v11 =	vmul.f32 v19, v19;
	v19 =	vld.idx.msk [tilespmem:v6+s23+$0x0], $0xffff;
	[tilespmem:$0x1FD10] =	vst v36  }
0x264: {  	s0 =	sor.u32 s31, s0;
	v2 =	vld.idx.msk [tilespmem:v6+s5+$0x0], $0xffff  }
0x265: {  	s0 =	sshll.u32 s0, $0x7;
	v12 =	vmul.f32 v35, v35;
	v3 =	vadd.f32 v7, v3;
	v7 =	vld.idx.msk [tilespmem:v6+s24+$0x0], $0xffff;
	[tilespmem:$0x1FD30] =	vst v37  }
0x266: {  	s14 =	sand.u32 $0x3FFFFF80, s0;
	v9 =	vadd.s32 v27, v9;
	v6 =	vld.idx.msk [tilespmem:v6+s25+$0x0], $0xffff  }
0x267: {  	v12 =	vadd.f32 v12, v16;
	v16 =	vmul.f32 v61, v61;
	v39 =	vld [tilespmem:s14+$0x8000]  }
0x268: {  	v27 =	vld [tilespmem:s14+$0x8020]  }
0x269: {  	v8 =	vmul.f32 v36, v36;
	v28 =	vld [tilespmem:s14+$0x8060];
	v11 =	vadd.f32 v11, v12;
	v3 =	vadd.f32 v16, v3  }
0x26a: {  	v12 =	vld [tilespmem:s2+$0x8030]  }
0x26b: {  	v16 =	vld.idx.msk [tilespmem:v9+s29+$0x0], $0xffff;
	(xrf2) =	vadd.scan.msk.f32 $0xffff, v11;
	v11 =	vmul.f32 v37, v37;
	v3 =	vadd.f32 v8, v3  }
0x26c: {  	v38 =	vld.idx.msk [tilespmem:v9+s26+$0x0], $0xffff  }
0x26d: {  	v24 =	vld.idx.msk [tilespmem:v9+s23+$0x0], $0xffff;
	v3 =	vadd.f32 v11, v3  }
0x26e: {  	v25 =	vld.idx.msk [tilespmem:v9+s5+$0x0], $0xffff  }
0x26f: {  	v26 =	vld.idx.msk [tilespmem:v9+s22+$0x0], $0xffff;
	(xrf2) =	vadd.scan.msk.f32 $0xffff, v3  }
0x270: {  	v8 =	vld.idx.msk [tilespmem:v9+s28+$0x0], $0xffff  }
0x271: {  	v4 =	vadd.f32 v4, v17;
	v17 =	vld [tilespmem:s14+$0x8070]  }
0x272: {  	v11 =	vld [tilespmem:s14+$0x8010]  }
0x273: {  	v19 =	vadd.f32 v20, v19;
	v6 =	vadd.f32 v14, v6;
	v14 =	vld [tilespmem:s14+$0x8030]  }
0x274: {  	s15 =	simm.s32 $0x5;
	v10 =	vadd.f32 v13, v10;
	v7 =	vadd.f32 v12, v7;
	v12 =	vld [tilespmem:s14+$0x8040]  }
0x275: {  	v20 =	vmov s15;
	v2 =	vadd.f32 v18, v2;
	v13 =	vadd.f32 v39, v25;
	v25 =	vld [tilespmem:$0x1FF80]  }
0x276: {  	v31 =	vmov v29;
	v29 =	vadd.f32 v19, v29;
	v19 =	vadd.f32 v27, v24;
	v24 =	vld [tilespmem:s14+$0x8050]  }
0x277: {  	s19 =	sand.u32 $0xF, s15;
	v5 =	vadd.f32 v15, v5;
	v0 =	vadd.f32 v0, v1;
	v3 =	vld.idx.msk [tilespmem:v9+s25+$0x0], $0xffff  }
0x278: {  	s2 =	sor.u32 s31, s19;
	v43 =	vadd.f32 v2, v62;
	v9 =	vld.idx.msk [tilespmem:v9+s24+$0x0], $0xffff;
	v27 =	vadd.f32 v13, v62;
	v40, _, _ =	vpop (xrf2)  }
0x279: {  	s20 =	simm.s32 $0x4;
	s2 =	sshll.u32 s2, $0x7;
	v39 =	vld [tilespmem:$0x1FFD0];
	v11 =	vadd.f32 v11, v26;
	(v2sf) =	vpush v40, $0xF;
	v18, _, _ =	vpop (xrf2)  }
0x27a: {  	s2 =	sand.u32 $0x3FFFFF80, s2;
	v41 =	vld.idx.msk [tilespmem:v20+s21+$0x0], $0xffff;
	v8 =	vadd.f32 v28, v8;
	(v2sf) =	vpush v18, $0xF;
	v18 =	vmov s20  }
0x27b: {  	v13 =	vld [tilespmem:s2+$0x8060];
	v20 =	vadd.f32 v19, v31;
	v35 =	vadd.f32 v11, v63;
	v11 =	vand.u32 $0xFFFFFFFE, v18  }
0x27c: {  	v26 =	vld [tilespmem:$0x1FF90];
	[tilespmem:$0x1FC10] =	vst v27;
	v15 =	vmul.f32 v27, v27;
	v27 =	vadd.f32 v4, v63;
	v11 =	vbroadcast v11, $0x0  }
0x27d: {  	v19 =	vld [tilespmem:s2+$0x8040];
	v4 =	vadd.f32 v24, v38;
	v9 =	vadd.f32 v14, v9;
	v18 =	vmul.f32 v35, v35  }
0x27e: {  	v3 =	vadd.f32 v12, v3;
	v12 =	vld [tilespmem:s2+$0x8000];
	v14 =	vadd.f32 v17, v16  }
0x27f: {  	v23 =	vlaneseq.u32;
	v17 =	vld [tilespmem:s2+$0x8020];
	[tilespmem:$0x1FC20] =	vst v20;
	v15 =	vadd.f32 v18, v15;
	v18 =	vadd.f32 v9, v52  }
0x280: {  	v16 =	vadd.s32 v23, v41;
	v2 =	vld [tilespmem:s2+$0x8050];
	v28 =	vadd.f32 v3, v59;
	v3 =	vmul.f32 v20, v20  }
0x281: {  	v24 =	vmul.f32 v43, v43;
	v20 =	vadd.f32 v8, v56;
	v8 =	vmul.f32 v27, v27;
	v9 =	vld [tilespmem:s2+$0x8010];
	[tilespmem:$0x1FC30] =	vst v18  }
0x282: {  	v3 =	vadd.f32 v3, v15;
	v15 =	vmul.f32 v18, v18;
	v11 =	vld.idx.msk [tilespmem:v11+s21+$0x0], $0xffff;
	[tilespmem:$0x1FC40] =	vst v27  }
0x283: {  	v49 =	vmov v33;
	v45 =	vadd.f32 v6, v59;
	v21 =	vadd.f32 v4, v33;
	v18 =	vld [tilespmem:s2+$0x8070];
	[tilespmem:$0x1FC50] =	vst v43  }
0x284: {  	v33 =	vld [tilespmem:$0x1FFB0];
	v4 =	vmul.f32 v28, v28;
	v8 =	vadd.f32 v8, v24;
	v3 =	vadd.f32 v15, v3;
	[tilespmem:$0x1FC60] =	vst v28  }
0x285: {  	v24 =	vmov v20;
	v20 =	vadd.f32 v7, v52;
	v28 =	vmul.f32 v29, v29;
	v15 =	vld.idx.msk [tilespmem:v16+s28+$0x0], $0xffff;
	[tilespmem:$0x1FC70] =	vst v29  }
0x286: {  	v30 =	vmul.f32 v21, v21;
	v3 =	vadd.f32 v4, v3;
	v29 =	vld.idx.msk [tilespmem:v16+s29+$0x0], $0xffff;
	[tilespmem:$0x1FC80] =	vst v21  }
0x287: {  	v7 =	vmul.f32 v24, v24;
	v8 =	vadd.f32 v28, v8;
	v28 =	vmul.f32 v20, v20;
	v4 =	vld.idx.msk [tilespmem:v16+s26+$0x0], $0xffff  }
0x288: {  	s10 =	spop (v2sf);
	v3 =	vadd.f32 v30, v3;
	v6 =	vld.idx.msk [tilespmem:v16+s22+$0x0], $0xffff;
	[tilespmem:$0x1FC90] =	vst v20;
	v20 =	vadd.f32 v14, v44  }
0x289: {  	v46 =	vadd.f32 v10, v49;
	s1 =	smul.f32 $7.812500000e-03, s10;
	v11 =	vadd.s32 v23, v11;
	v14 =	vld.idx.msk [tilespmem:v16+s23+$0x0], $0xffff;
	[tilespmem:$0x1FCA0] =	vst v45  }
0x28a: {  	v3 =	vadd.f32 v7, v3;
	v34 =	vld.idx.msk [tilespmem:v16+s5+$0x0], $0xffff;
	[tilespmem:$0x1FCB0] =	vst v20;
	v1 =	vmul.f32 v20, v20  }
0x28b: {  	v37 =	vadd.f32 v5, v56;
	s1 =	sadd.f32 $9.999999970e-07, s1;
	s11 =	spop (v2sf);
	v7 =	vld.idx.msk [tilespmem:v16+s24+$0x0], $0xffff;
	[tilespmem:$0x1FCC0] =	vst v46  }
0x28c: {  	v10 =	vmul.f32 v45, v45;
	v8 =	vadd.f32 v28, v8;
	s4 =	smul.f32 $7.812500000e-03, s11;
	v5 =	vld.idx.msk [tilespmem:v16+s25+$0x0], $0xffff;
	v1 =	vadd.f32 v1, v3  }
0x28d: {  	s0 =	sand.u32 $0xE, s20;
	v20 =	vadd.f32 v0, v44;
	s12 =	sshrl.u32 s1, $0x1;
	s3 =	smul.f32 $5.000000000e-01, s1;
	v3 =	vld [tilespmem:s2+$0x8030]  }
0x28e: {  	v28 =	vmul.f32 v46, v46;
	v8 =	vadd.f32 v10, v8;
	s13 =	ssub.s32 $0x5F3759DF, s12;
	s14 =	sadd.f32 $9.999999970e-07, s4;
	v10 =	vld.idx.msk [tilespmem:v11+s29+$0x0], $0xffff;
	(xrf2) =	vadd.scan.msk.f32 $0xffff, v1  }
0x28f: {  	s0 =	sor.u32 s31, s0;
	s6 =	smul.f32 s13, s3;
	v16 =	vld.idx.msk [tilespmem:v11+s28+$0x0], $0xffff;
	[tilespmem:$0x1FCD0] =	vst v20  }
0x290: {  	s19 =	sshll.u32 s0, $0x7;
	v0 =	vmul.f32 v37, v37;
	v8 =	vadd.f32 v28, v8;
	v47 =	vld.idx.msk [tilespmem:v11+s26+$0x0], $0xffff;
	s20 =	sshrl.u32 s14, $0x1;
	s0 =	smul.f32 $5.000000000e-01, s14  }
0x291: {  	v57 =	vld.idx.msk [tilespmem:v11+s5+$0x0], $0xffff;
	s15 =	smul.f32 s13, s6;
	s6 =	sand.u32 $0x3FFFFF80, s19;
	s11 =	ssub.s32 $0x5F3759DF, s20  }
0x292: {  	v1 =	vmul.f32 v20, v20;
	v0 =	vadd.f32 v0, v8;
	v8 =	vld [tilespmem:s6+$0x8010];
	s10 =	smul.f32 s11, s0  }
0x293: {  	v28 =	vld [tilespmem:s6+$0x8000];
	s4 =	ssub.f32 $1.500000000e+00, s15  }
0x294: {  	v0 =	vadd.f32 v1, v0;
	v1 =	vld.idx.msk [tilespmem:v11+s23+$0x0], $0xffff;
	s12 =	smul.f32 s11, s10  }
0x295: {  	v6 =	vadd.f32 v9, v6;
	v9 =	vadd.f32 v12, v34;
	v12 =	vld [tilespmem:s6+$0x8020];
	s1 =	smul.f32 s13, s4  }
0x296: {  	v2 =	vadd.f32 v2, v4;
	v4 =	vld [tilespmem:s6+$0x8060];
	s2 =	ssub.f32 $1.500000000e+00, s12  }
0x297: {  	v21 =	vadd.f32 v13, v15;
	s14 =	simm.s32 $0x7;
	(xrf2) =	vadd.scan.msk.f32 $0xffff, v0;
	v0 =	vadd.f32 v17, v14;
	v14 =	vld.idx.msk [tilespmem:v11+s22+$0x0], $0xffff;
	s13 =	smul.f32 s1, s3  }
0x298: {  	v20 =	vadd.f32 v18, v29;
	v3 =	vadd.f32 v3, v7;
	v7 =	vmov s14;
	v15 =	vld [tilespmem:s6+$0x8040];
	s4 =	smul.f32 s11, s2;
	v18, _, _ =	vpop (xrf2)  }
0x299: {  	v17 =	vld.idx.msk [tilespmem:v11+s25+$0x0], $0xffff;
	s10 =	smul.f32 s13, s1;
	(v2sf) =	vpush v18, $0xF  }
0x29a: {  	v11 =	vld.idx.msk [tilespmem:v11+s24+$0x0], $0xffff;
	s19 =	smul.f32 s4, s0  }
0x29b: {  	v45 =	vadd.f32 v6, v63;
	v34 =	vadd.f32 v0, v31;
	v0 =	vld [tilespmem:$0x1FCE0]  }
0x29c: {  	v1 =	vadd.f32 v12, v1;
	v8 =	vadd.f32 v8, v14;
	v14 =	vld [tilespmem:s6+$0x8030];
	s15 =	ssub.f32 $1.500000000e+00, s10;
	s10 =	smul.f32 s19, s4  }
0x29d: {  	v5 =	vadd.f32 v19, v5;
	s20 =	simm.s32 $0x6;
	v19 =	vadd.f32 v28, v57;
	v7 =	vld.idx.msk [tilespmem:v7+s21+$0x0], $0xffff;
	s11 =	sand.u32 $0xF, s14  }
0x29e: {  	v46 =	vadd.f32 v9, v62;
	v12 =	vld [tilespmem:s6+$0x8050];
	v30 =	vadd.f32 v1, v31;
	v1 =	vmov s20;
	s11 =	sor.u32 s31, s11;
	s10 =	ssub.f32 $1.500000000e+00, s10  }
0x29f: {  	v51 =	vadd.f32 v19, v62;
	v1 =	vand.u32 $0xFFFFFFFE, v1;
	v29 =	vadd.f32 v8, v63;
	v8 =	vld [tilespmem:s6+$0x8070];
	s6 =	sshll.u32 s11, $0x7;
	s1 =	smul.f32 s15, s1  }
0x2a0: {  	v48 =	vadd.f32 v5, v59;
	v28 =	vld [tilespmem:$0x1FFA0];
	v4 =	vadd.f32 v4, v16;
	v1 =	vbroadcast v1, $0x0;
	s6 =	sand.u32 $0x3FFFFF80, s6;
	s4 =	smul.f32 s10, s4  }
0x2a1: {  	v18 =	vmul.f32 v51, v51;
	v19 =	vmul.f32 v29, v29;
	v55 =	vld [tilespmem:s6+$0x8060];
	v16, _, _ =	vpop (xrf2);
	v11 =	vadd.f32 v14, v11;
	s3 =	smul.f32 s1, s3  }
0x2a2: {  	v7 =	vadd.s32 v23, v7;
	v57 =	vld [tilespmem:s6+$0x8040];
	v14 =	vadd.f32 v15, v17;
	(v2sf) =	vpush v16, $0xF;
	s0 =	smul.f32 s4, s0  }
0x2a3: {  	v13 =	vld [tilespmem:s6+$0x8000];
	v15 =	vadd.f32 v19, v18;
	v16 =	vmul.f32 v30, v30;
	v40 =	vadd.f32 v11, v52;
	s3 =	smul.f32 s3, s1  }
0x2a4: {  	v12 =	vadd.f32 v12, v47;
	v8 =	vadd.f32 v8, v10;
	v10 =	vld [tilespmem:s6+$0x8050];
	s0 =	smul.f32 s0, s4  }
0x2a5: {  	v43 =	vadd.f32 v14, v59;
	v14 =	vadd.f32 v16, v15;
	v16 =	vld [tilespmem:s6+$0x8010];
	v15 =	vmul.f32 v40, v40;
	s3 =	ssub.f32 $1.500000000e+00, s3  }
0x2a6: {  	v41 =	vadd.f32 v4, v56;
	v4 =	vmul.f32 v45, v45;
	v38 =	vadd.f32 v12, v49;
	v1 =	vld.idx.msk [tilespmem:v1+s21+$0x0], $0xffff;
	s0 =	ssub.f32 $1.500000000e+00, s0  }
0x2a7: {  	v63 =	vld.idx.msk [tilespmem:v7+s28+$0x0], $0xffff;
	v9 =	vmul.f32 v43, v43;
	v12 =	vadd.f32 v15, v14;
	v14 =	vmul.f32 v46, v46;
	s3 =	smul.f32 s3, s1  }
0x2a8: {  	v36 =	vmul.f32 v48, v48;
	v47 =	vadd.f32 v3, v52;
	v11 =	vmul.f32 v34, v34;
	v22 =	vld.idx.msk [tilespmem:v7+s29+$0x0], $0xffff;
	s10 =	smul.f32 s0, s4;
	s12 =	spop (v2sf)  }
0x2a9: {  	v19 =	vld.idx.msk [tilespmem:v7+s26+$0x0], $0xffff;
	v15 =	vmul.f32 v38, v38;
	v9 =	vadd.f32 v9, v12;
	v4 =	vadd.f32 v4, v14;
	s0 =	smul.f32 $7.812500000e-03, s12  }
0x2aa: {  	v18 =	vld.idx.msk [tilespmem:v7+s24+$0x0], $0xffff;
	v12 =	vmul.f32 v41, v41;
	v14 =	vadd.f32 v2, v49;
	v6 =	vmul.f32 s3, v25  }
0x2ab: {  	v2 =	vld [tilespmem:s6+$0x8020];
	v3 =	vadd.f32 v15, v9;
	v4 =	vadd.f32 v11, v4;
	v11 =	vmul.f32 v47, v47;
	s0 =	sadd.f32 $9.999999970e-07, s0  }
0x2ac: {  	v15 =	vld.idx.msk [tilespmem:v7+s23+$0x0], $0xffff;
	v6 =	vmul.f32 v6, v42;
	v9 =	vmul.f32 s10, v28  }
0x2ad: {  	v42 =	vadd.f32 v8, v44;
	v8 =	vld.idx.msk [tilespmem:v7+s22+$0x0], $0xffff;
	v12 =	vadd.f32 v12, v3;
	v17 =	vmul.f32 s10, v33;
	s13 =	sshrl.u32 s0, $0x1;
	s4 =	smul.f32 $5.000000000e-01, s0;
	s0 =	simm.s32 $0x16E00  }
0x2ae: {  	v4 =	vadd.f32 v11, v4;
	v3 =	vld.idx.msk [tilespmem:v7+s25+$0x0], $0xffff;
	v5 =	vmul.f32 v9, v0;
	[tilespmem:s0+$0xFFFFFF80] =	vst v6  }
0x2af: {  	v9 =	vld.idx.msk [tilespmem:v7+s5+$0x0], $0xffff;
	v17 =	vmul.f32 v17, v53;
	[tilespmem:$0x1FCF0] =	vst v14  }
0x2b0: {  	v4 =	vadd.f32 v36, v4;
	v6 =	vmul.f32 v14, v14;
	[tilespmem:s0+$0x20] =	vst v5  }
0x2b1: {  	[tilespmem:s0+$0x30] =	vst v17  }
0x2b2: {  	v6 =	vadd.f32 v6, v4;
	v4 =	vld [tilespmem:$0x1FD00];
	_ =	sdelay $0x2  }
0x2b3: {  	v5 =	vmul.f32 s10, v25;
	_ =	sdelay $0x1  }
0x2b4: {  	v5 =	vmul.f32 v5, v4;
	v4 =	vld [tilespmem:$0x1FD10]  }
0x2b5: {  	v7 =	vmul.f32 s10, v32  }
0x2b6: {  	v62 =	vadd.s32 v23, v1;
	v1 =	vmul.f32 s10, v26  }
0x2b7: {  	v7 =	vmul.f32 v7, v60;
	v60 =	vadd.f32 v16, v8;
	v8 =	vmul.f32 s10, v58  }
0x2b8: {  	v1 =	vmul.f32 v1, v50  }
0x2b9: {  	v50 =	vadd.f32 v21, v56;
	v56 =	vadd.f32 v13, v9;
	v9 =	vmul.f32 v8, v4;
	v8 =	vld [tilespmem:$0x1FD20]  }
0x2ba: {  	v11 =	vmul.f32 v42, v42;
	_ =	sdelay $0x1  }
0x2bb: {  	v12 =	vadd.f32 v11, v12;
	v11 =	vmul.f32 s3, v32;
	_ =	sdelay $0x1  }
0x2bc: {  	[tilespmem:s0+$0x40] =	vst v7;
	v17 =	vmul.f32 v11, v8;
	v8 =	vmul.f32 v50, v50  }
0x2bd: {  	[tilespmem:s0+$0x10] =	vst v1  }
0x2be: {  	v1 =	vadd.f32 v8, v6;
	v8 =	vld [tilespmem:$0x1FD30];
	_ =	sdelay $0x1  }
0x2bf: {  	v52 =	vadd.f32 v20, v44  }
0x2c0: {  	v14 =	vld [tilespmem:s6+$0x8070];
	v7 =	vmul.f32 s10, v54  }
0x2c1: {  	v16 =	vld [tilespmem:s6+$0x8030];
	v6 =	vmul.f32 v52, v52  }
0x2c2: {  	v0 =	vmul.f32 s10, v39;
	v7 =	vmul.f32 v7, v8;
	v8 =	vld [tilespmem:$0x1FD40];
	[tilespmem:s0+$0x0] =	vst v5  }
0x2c3: {  	v20 =	vadd.f32 v6, v1;
	v1 =	vld [tilespmem:$0x1FD50];
	[tilespmem:s0+$0xFFFFFFC0] =	vst v17  }
0x2c4: {  	s2 =	sand.u32 $0xE, s20;
	s1 =	ssub.s32 $0x5F3759DF, s13;
	v0 =	vmul.f32 v0, v61;
	v61 =	vld.idx.msk [tilespmem:v62+s29+$0x0], $0xffff;
	[tilespmem:s0+$0x60] =	vst v9  }
0x2c5: {  	s2 =	sor.u32 s31, s2;
	s14 =	spop (v2sf);
	s15 =	smul.f32 s1, s4;
	v59 =	vld.idx.msk [tilespmem:v62+s26+$0x0], $0xffff;
	[tilespmem:s0+$0x70] =	vst v7  }
0x2c6: {  	s2 =	sshll.u32 s2, $0x7;
	s11 =	smul.f32 $7.812500000e-03, s14;
	v7 =	vld [tilespmem:$0x1FD60];
	[tilespmem:s0+$0x50] =	vst v0  }
0x2c7: {  	v2 =	vadd.f32 v2, v15;
	v15 =	vmul.f32 s3, v33;
	s6 =	sand.u32 $0x3FFFFF80, s2;
	s12 =	smul.f32 s1, s15;
	v0 =	vld [tilespmem:$0x1FD70]  }
0x2c8: {  	s11 =	sadd.f32 $9.999999970e-07, s11;
	v13 =	vld [tilespmem:s6+$0x8010]  }
0x2c9: {  	(xrf2) =	vadd.scan.msk.f32 $0xffff, v12;
	s19 =	ssub.f32 $1.500000000e+00, s12;
	v4 =	vld.idx.msk [tilespmem:v62+s28+$0x0], $0xffff;
	v12 =	vmul.f32 v15, v8  }
0x2ca: {  	v49 =	vadd.f32 v2, v31;
	v2 =	vmul.f32 s3, v58;
	s20 =	sshrl.u32 s11, $0x1;
	s14 =	smul.f32 $5.000000000e-01, s11;
	v11 =	vld [tilespmem:s6+$0x8000];
	v6 =	vmul.f32 s3, v28  }
0x2cb: {  	s12 =	ssub.s32 $0x5F3759DF, s20;
	s10 =	smul.f32 s1, s19;
	v5 =	vld [tilespmem:s6+$0x8050];
	[tilespmem:s0+$0xFFFFFFB0] =	vst v12  }
0x2cc: {  	s13 =	smul.f32 s12, s14;
	v6 =	vmul.f32 v6, v7;
	v7 =	vmul.f32 v2, v0;
	v0 =	vld [tilespmem:$0x1FD80]  }
0x2cd: {  	s2 =	smul.f32 s10, s4;
	v17 =	vld.idx.msk [tilespmem:v62+s5+$0x0], $0xffff  }
0x2ce: {  	v53 =	vmul.f32 s3, v26;
	s1 =	smul.f32 s12, s13;
	v8 =	vld.idx.msk [tilespmem:v62+s25+$0x0], $0xffff  }
0x2cf: {  	v14 =	vadd.f32 v14, v22;
	s15 =	smul.f32 s2, s10;
	v15 =	vadd.f32 v10, v19;
	v10 =	vmul.f32 s3, v54;
	v19 =	vld [tilespmem:s6+$0x8020]  }
0x2d0: {  	s19 =	simm.s32 $0x8;
	s20 =	ssub.f32 $1.500000000e+00, s1;
	v9 =	vmul.f32 s3, v39;
	v1 =	vmul.f32 v53, v1;
	v53 =	vadd.f32 v16, v18;
	v16 =	vld.idx.msk [tilespmem:v62+s23+$0x0], $0xffff  }
0x2d1: {  	s2 =	simm.s32 $0x16F00;
	s11 =	ssub.f32 $1.500000000e+00, s15;
	(xrf2) =	vadd.scan.msk.f32 $0xffff, v20;
	v54 =	vmul.f32 v49, v49;
	s3 =	simm.s32 $0x17000;
	v18 =	vld.idx.msk [tilespmem:v62+s22+$0x0], $0xffff;
	v0 =	vmul.f32 v10, v0  }
.LBB2_9:
0x2d2: {  	v2 =	vld [tilespmem:s6+$0x8060]  }
0x2d3: {  	[tilespmem:s0+$0xFFFFFF90] =	vst v1;
	v1 =	vld [tilespmem:$0x1FC00];
	_ =	sdelay $0x1  }
0x2d4: {  	v23 =	vld [tilespmem:$0x1FF50]  }
0x2d5: {  	v27 =	vld [tilespmem:$0x1FF70]  }
0x2d6: {  	v36 =	vmov v41;
	v41 =	vld [tilespmem:s6+$0x8070]  }
0x2d7: {  	v63 =	vadd.f32 v55, v63;
	v55 =	vmul.f32 v9, v1;
	v9 =	vld [tilespmem:$0x1FC30]  }
0x2d8: {  	[tilespmem:s0+$0xFFFFFFA0] =	vst v6;
	v6 =	vld [tilespmem:$0x1FC50]  }
0x2d9: {  	v22 =	vmov v43;
	v43 =	vld [tilespmem:s6+$0x8040];
	[tilespmem:s0+$0xFFFFFFF0] =	vst v0  }
0x2da: {  	v58 =	vadd.f32 v14, v27;
	v14 =	vld.idx.msk [tilespmem:v62+s24+$0x0], $0xffff  }
0x2db: {  	v20 =	vmov v46;
	v62 =	vld [tilespmem:$0x1FF00]  }
0x2dc: {  	s20 =	smul.f32 s12, s20;
	[tilespmem:$0x1FC50] =	vst v20;
	v20 =	vadd.f32 v11, v17;
	v17 =	vadd.f32 v2, v4;
	v2 =	vld [tilespmem:$0x1FCB0];
	v1 =	vmovc v9;
	v9 =	vmov v40  }
0x2dd: {  	s1 =	sadd.s32 $0x1, s19;
	s15 =	sadd.s32 $0x2, s19;
	p0 =	slt.u32 s19, $0x3E;
	[tilespmem:$0x1FC30] =	vst v9;
	v9 =	vld [tilespmem:$0x1FC80]  }
0x2de: {  	v21 =	vmov v24;
	v24 =	vld [tilespmem:$0x1FF60];
	s12 =	smov.u32 s19;
	s13 =	sand.u32 $0xF, s1;
	v0 =	vmov v38;
	s19 =	smul.f32 s20, s14  }
0x2df: {  	[tilespmem:$0x1FBF0] =	vst v22;
	s11 =	smul.f32 s11, s10;
	v22 =	vld [tilespmem:$0x1FF40];
	s13 =	sor.u32 s31, s13  }
0x2e0: {  	v19 =	vadd.f32 v19, v16;
	[tilespmem:s0+$0xFFFFFFE0] =	vst v7;
	v40 =	vmov s1;
	s1 =	sshll.u32 s13, $0x7;
	s13 =	smul.f32 s19, s20;
	v16 =	vadd.f32 v20, v62;
	v20 =	vld [tilespmem:$0x1FF10]  }
0x2e1: {  	v31 =	vld [tilespmem:$0x1FF20];
	s4 =	smul.f32 s11, s4;
	[tilespmem:$0x1FC80] =	vst v0;
	v0 =	vmov v2;
	v2 =	vmov v42  }
0x2e2: {  	v3 =	vadd.f32 v57, v3;
	v10 =	vmovc v6;
	v8 =	vadd.f32 v43, v8;
	s10 =	sand.u32 $0x3FFFFF80, s1;
	[tilespmem:$0x1FCB0] =	vst v2;
	v2 =	vld [tilespmem:$0x1FCA0];
	s1 =	ssub.f32 $1.500000000e+00, s13;
	v6 =	vmov v9  }
0x2e3: {  	v7 =	vadd.f32 v13, v18;
	s4 =	smul.f32 s4, s11;
	[tilespmem:$0x1FC00] =	vst v6;
	v6 =	vadd.f32 v15, v23;
	v15 =	vld [tilespmem:s6+$0x8030]  }
0x2e4: {  	v46 =	vld [tilespmem:$0x1FC90];
	v11 =	vmov v37;
	v43 =	vadd.f32 v8, v22;
	v42 =	vadd.f32 v41, v61;
	s1 =	smul.f32 s1, s20  }
0x2e5: {  	v37 =	vmov v29;
	v29 =	vld [tilespmem:$0x1FF30];
	s4 =	ssub.f32 $1.500000000e+00, s4;
	v41 =	vadd.f32 v17, v24;
	v7 =	vadd.f32 v7, v20;
	v9, _, _ =	vpop (xrf2)  }
0x2e6: {  	v44 =	vmovc v50;
	v57 =	vmovc v47;
	v61 =	vadd.f32 v5, v59;
	v39 =	vmul.f32 v16, v16;
	s19 =	smul.f32 s1, s14;
	(v2sf) =	vpush v9, $0xF  }
0x2e7: {  	[tilespmem:$0x1FC90] =	vst v57;
	s11 =	smul.f32 s4, s11;
	v57 =	vld [tilespmem:s10+$0x8040];
	v4 =	vmov v2;
	v2 =	vadd.f32 v19, v31;
	v18, _, _ =	vpop (xrf2);
	v50 =	vmul.f32 v7, v7  }
0x2e8: {  	v13 =	vmovc v48;
	v48 =	vmov s12;
	v19 =	vld.idx.msk [tilespmem:v40+s21+$0x0], $0xffff;
	(v2sf) =	vpush v18, $0xF;
	s4 =	smul.f32 s19, s1;
	v14 =	vadd.f32 v15, v14  }
0x2e9: {  	v40 =	vand.u32 $0xFFFFFFFE, v48;
	v18 =	vmovc v46;
	v46 =	vadd.f32 v56, v62;
	v62 =	vld [tilespmem:$0x1FC10];
	v47 =	vadd.f32 v50, v39  }
0x2ea: {  	v17 =	vld [tilespmem:s10+$0x8000];
	v8 =	vmul.f32 v2, v2;
	s4 =	ssub.f32 $1.500000000e+00, s4;
	v15 =	vbroadcast v40, $0x0;
	v40 =	vadd.f32 v14, v29  }
0x2eb: {  	[tilespmem:$0x1FBD0] =	vst v30;
	v12 =	vmovc v45;
	v30 =	vlaneseq.u32;
	v32 =	vmul.f32 s11, v25;
	v5 =	vmul.f32 s11, v26;
	v59 =	vld [tilespmem:s10+$0x8010]  }
0x2ec: {  	[tilespmem:$0x1FBE0] =	vst v21;
	v21 =	vld [tilespmem:s10+$0x8050];
	v38 =	vadd.f32 v61, v23;
	v8 =	vadd.f32 v8, v47;
	s6 =	smul.f32 s4, s1;
	v23 =	vmul.f32 v40, v40  }
0x2ed: {  	v45 =	vadd.f32 v60, v20;
	v20 =	vld [tilespmem:s10+$0x8020];
	v39 =	vmovc v16;
	v16 =	vmul.f32 v43, v43;
	v19 =	vadd.s32 v30, v19  }
0x2ee: {  	[tilespmem:s0+$0xFFFFFFD0] =	vst v55;
	v55 =	vld [tilespmem:s10+$0x8060];
	v32 =	vmul.f32 v32, v62;
	v61 =	vmul.f32 s6, v26;
	v8 =	vadd.f32 v23, v8  }
0x2ef: {  	s0 =	smov.u32 s2;
	v48 =	vadd.f32 v3, v22;
	v26 =	vmul.f32 s6, v28;
	v28 =	vmul.f32 s6, v33;
	v33 =	vld [tilespmem:$0x1FFB0]  }
0x2f0: {  	v15 =	vld.idx.msk [tilespmem:v15+s21+$0x0], $0xffff;
	[tilespmem:s0+$0xFFFFFF80] =	vst v32;
	v32 =	vmul.f32 v38, v38;
	v3 =	vadd.f32 v16, v8  }
0x2f1: {  	v14 =	vmov v51;
	v18 =	vmul.f32 v28, v18;
	v28 =	vld [tilespmem:$0x1FC40]  }
0x2f2: {  	v60 =	vmul.f32 v41, v41;
	[tilespmem:$0x1FC10] =	vst v14;
	v14 =	vld [tilespmem:s10+$0x8070];
	v3 =	vadd.f32 v32, v3  }
0x2f3: {  	v50 =	vadd.f32 v63, v24;
	v63 =	vld.idx.msk [tilespmem:v19+s28+$0x0], $0xffff  }
0x2f4: {  	v60 =	vadd.f32 v60, v3;
	v3 =	vld [tilespmem:$0x1FC70]  }
0x2f5: {  	v24 =	vld.idx.msk [tilespmem:v19+s26+$0x0], $0xffff  }
0x2f6: {  	v42 =	vadd.f32 v42, v27;
	v56 =	vmul.f32 v45, v45;
	v47 =	vmul.f32 v46, v46;
	v27 =	vld.idx.msk [tilespmem:v19+s5+$0x0], $0xffff  }
0x2f7: {  	v23 =	vld.idx.msk [tilespmem:v19+s29+$0x0], $0xffff  }
0x2f8: {  	v8 =	vmul.f32 v42, v42;
	v16 =	vadd.f32 v56, v47;
	v56 =	vmul.f32 s6, v25;
	v25 =	vld.idx.msk [tilespmem:v19+s22+$0x0], $0xffff  }
0x2f9: {  	v62 =	vadd.s32 v30, v15;
	v15 =	vld.idx.msk [tilespmem:v19+s23+$0x0], $0xffff;
	v26 =	vmul.f32 v26, v3;
	v3 =	vmov v34  }
0x2fa: {  	[tilespmem:$0x1FC70] =	vst v3;
	v3 =	vld [tilespmem:$0x1FFC0]  }
0x2fb: {  	v47 =	vadd.f32 v53, v29;
	v29 =	vld.idx.msk [tilespmem:v19+s24+$0x0], $0xffff;
	v8 =	vadd.f32 v8, v60  }
0x2fc: {  	v32 =	vld [tilespmem:$0x1FFD0];
	v10 =	vmul.f32 v56, v10;
	v56 =	vadd.f32 v17, v27;
	v17 =	vmul.f32 s11, v33  }
0x2fd: {  	(xrf2) =	vadd.scan.msk.f32 $0xffff, v8;
	v8 =	vld [tilespmem:$0x1FCD0]  }
0x2fe: {  	v28 =	vmul.f32 v61, v28;
	v15 =	vadd.f32 v20, v15;
	v20 =	vmul.f32 v17, v1;
	v1 =	vld [tilespmem:$0x1FC60]  }
0x2ff: {  	v16 =	vadd.f32 v54, v16;
	v54 =	vmul.f32 s11, v3;
	v30 =	vmul.f32 s6, v3;
	v3 =	vld.idx.msk [tilespmem:v19+s25+$0x0], $0xffff;
	[tilespmem:s0+$0x20] =	vst v26  }
0x300: {  	[tilespmem:$0x1FCA0] =	vst v13;
	v26 =	vld [tilespmem:s10+$0x8030]  }
0x301: {  	s20 =	spop (v2sf);
	[tilespmem:s0+$0x10] =	vst v28;
	v28 =	vld [tilespmem:$0x1FFA0];
	v30 =	vmul.f32 v30, v4;
	v4 =	vmov v12  }
0x302: {  	s14 =	smul.f32 $7.812500000e-03, s20;
	[tilespmem:$0x1FC40] =	vst v4;
	v4 =	vld [tilespmem:$0x1FCC0]  }
0x303: {  	v13 =	vmul.f32 v6, v6;
	v17 =	vmul.f32 v54, v1;
	v1 =	vmovc v6;
	v6 =	vmov v52;
	[tilespmem:s0+$0x40] =	vst v30;
	v30 =	vld [tilespmem:$0x1FFF0]  }
0x304: {  	s1 =	sadd.f32 $9.999999970e-07, s14;
	[tilespmem:$0x1FCD0] =	vst v6;
	v6 =	vld [tilespmem:$0x1FC20]  }
0x305: {  	v60 =	vadd.f32 v59, v25;
	v25 =	vld [tilespmem:$0x1FFE0]  }
0x306: {  	v51 =	vmul.f32 v47, v47;
	s19 =	spop (v2sf);
	s20 =	sshrl.u32 s1, $0x1;
	s4 =	smul.f32 $5.000000000e-01, s1;
	v61 =	vld.idx.msk [tilespmem:v62+s29+$0x0], $0xffff;
	v19 =	vmul.f32 s6, v32  }
0x307: {  	v53 =	vmul.f32 v48, v48;
	s13 =	smul.f32 $7.812500000e-03, s19;
	s1 =	ssub.s32 $0x5F3759DF, s20;
	v59 =	vld.idx.msk [tilespmem:v62+s26+$0x0], $0xffff;
	[tilespmem:s0+$0x0] =	vst v10;
	v10 =	vmul.f32 s11, v28  }
0x308: {  	s12 =	sand.u32 $0xE, s12;
	v16 =	vadd.f32 v51, v16;
	s14 =	smul.f32 s1, s4;
	v34 =	vld [tilespmem:$0x1FF80];
	v12 =	vmul.f32 v19, v4;
	v19 =	vmul.f32 s6, v30  }
0x309: {  	s12 =	sor.u32 s31, s12;
	v6 =	vmul.f32 v10, v6;
	v10 =	vld [tilespmem:$0x1FBD0]  }
0x30a: {  	s12 =	sshll.u32 s12, $0x7;
	v16 =	vadd.f32 v53, v16;
	s13 =	sadd.f32 $9.999999970e-07, s13;
	s19 =	smul.f32 s1, s14;
	v19 =	vmul.f32 v19, v8;
	v8 =	vld [tilespmem:$0x1FCF0]  }
0x30b: {  	[tilespmem:s0+$0x30] =	vst v18;
	v18 =	vmul.f32 s6, v25;
	v4 =	vld.idx.msk [tilespmem:v62+s28+$0x0], $0xffff;
	s6 =	sand.u32 $0x3FFFFF80, s12  }
0x30c: {  	v16 =	vadd.f32 v13, v16;
	s20 =	sshrl.u32 s13, $0x1;
	s14 =	smul.f32 $5.000000000e-01, s13;
	s13 =	ssub.f32 $1.500000000e+00, s19;
	v13 =	vld [tilespmem:s6+$0x8010]  }
0x30d: {  	v22 =	vmul.f32 v50, v50;
	v18 =	vmul.f32 v18, v11;
	v11 =	vld [tilespmem:s6+$0x8000]  }
0x30e: {  	s10 =	smul.f32 s1, s13;
	v53 =	vadd.f32 v26, v29;
	v29 =	vmovc v7;
	[tilespmem:$0x1FCF0] =	vst v1;
	v1 =	vmul.f32 v5, v35;
	v5 =	vld [tilespmem:s6+$0x8050];
	v7 =	vmov v10  }
0x30f: {  	v10 =	vld [tilespmem:$0x1FBF0];
	[tilespmem:$0x1FC20] =	vst v7;
	v8 =	vmov v8  }
0x310: {  	v9 =	vmul.f32 v58, v58;
	v16 =	vadd.f32 v22, v16;
	s12 =	ssub.s32 $0x5F3759DF, s20;
	s20 =	smul.f32 s10, s4;
	v7 =	vld [tilespmem:$0x1FBE0];
	[tilespmem:$0x1FCC0] =	vst v8  }
0x311: {  	v14 =	vadd.f32 v14, v23;
	s19 =	smul.f32 s12, s14;
	v8 =	vld.idx.msk [tilespmem:v62+s25+$0x0], $0xffff;
	[tilespmem:s0+$0xFFFFFFC0] =	vst v17  }
.Ltmp2:
0x312: {  	v51 =	vmov v49;
	v49 =	vadd.f32 v15, v31;
	v22 =	vadd.f32 v9, v16;
	[tilespmem:s0+$0x60] =	vst v18;
	v16 =	vld.idx.msk [tilespmem:v62+s23+$0x0], $0xffff;
	(pc) =	sbr.rel @p0 .LBB2_9-.Ltmp2, $4  }
0x313: {  	v15 =	vadd.f32 v21, v24;
	v24 =	vmovc v36;
	v21 =	vmul.f32 s11, v25;
	v9 =	vmul.f32 s11, v32;
	[tilespmem:s0+$0x50] =	vst v12;
	s13 =	smul.f32 s20, s10;
	v17 =	vld.idx.msk [tilespmem:v62+s5+$0x0], $0xffff  }
0x314: {  	(xrf2) =	vadd.scan.msk.f32 $0xffff, v22;
	v25 =	vmovc v34;
	v34 =	vmov v51;
	v22 =	vmul.f32 s11, v30;
	s1 =	smul.f32 s12, s19;
	[tilespmem:s0+$0x70] =	vst v19;
	v18 =	vld.idx.msk [tilespmem:v62+s22+$0x0], $0xffff  }
0x315: {  	s2 =	smov.u32 s3;
	v51 =	vmovc v39;
	v54 =	vmul.f32 v49, v49;
	v52 =	vmovc v58;
	v30 =	vmov v2;
	s11 =	ssub.f32 $1.500000000e+00, s13;
	v19 =	vld [tilespmem:s6+$0x8020];
	[tilespmem:s0+$0xFFFFFFB0] =	vst v20;
	v2 =	vmov v10  }
0x316: {  	s3 =	sadd.s32 $0x100, s3;
	v27 =	vlaneseq.u32;
	v26 =	vld [tilespmem:$0x1FF90];
	v35 =	vmovc v37;
	v37 =	vmovc v44;
	v0 =	vmul.f32 v22, v0;
	s19 =	smov.u32 s15;
	s20 =	ssub.f32 $1.500000000e+00, s1;
	v7 =	vmul.f32 v21, v7;
	[tilespmem:$0x1FC60] =	vst v2  }
0x317: {  	_ =	sdelay $0x2  }
0x318: {  	v2 =	vld [tilespmem:s6+$0x8060]  }
0x319: {  	v12 =	vld.idx.msk [tilespmem:v62+s24+$0x0], $0xffff  }
0x31a: {  	v22 =	vld [tilespmem:s6+$0x8030]  }
0x31b: {  	v20 =	vadd.f32 v55, v63;
	v55 =	vld [tilespmem:$0x1FF00]  }
0x31c: {  	v44 =	vld [tilespmem:s6+$0x8040]  }
0x31d: {  	v62 =	vld [tilespmem:$0x1FF10]  }
0x31e: {  	v3 =	vadd.f32 v57, v3;
	v21, _, _ =	vpop (xrf2);
	v11 =	vadd.f32 v11, v17  }
0x31f: {  	v32 =	vld [tilespmem:$0x1FF20];
	(v2sf) =	vpush v21, $0xF;
	v13 =	vadd.f32 v13, v18  }
0x320: {  	v10 =	vld [tilespmem:s6+$0x8070];
	v16 =	vadd.f32 v19, v16;
	v58 =	vadd.f32 v11, v55  }
0x321: {  	v2 =	vadd.f32 v2, v4;
	v8 =	vadd.f32 v44, v8;
	v44 =	vld [tilespmem:$0x1FF30]  }
0x322: {  	v21 =	vadd.f32 v13, v62;
	v23 =	vadd.f32 v22, v12  }
0x323: {  	v57 =	vadd.f32 v60, v62;
	v56 =	vadd.f32 v56, v55;
	v60 =	vld [tilespmem:$0x1FF40]  }
0x324: {  	v18 =	vadd.f32 v16, v32;
	v4, _, _ =	vpop (xrf2);
	v63 =	vmul.f32 v58, v58;
	v31 =	vmul.f32 v21, v21  }
0x325: {  	v19 =	vld [tilespmem:$0x1FF50];
	(v2sf) =	vpush v4, $0xF;
	v4 =	vadd.f32 v10, v61  }
0x326: {  	v16 =	vmul.f32 v18, v18;
	v10 =	vadd.f32 v31, v63;
	v62 =	vadd.f32 v23, v44  }
0x327: {  	v5 =	vadd.f32 v5, v59;
	v36 =	vmul.f32 v57, v57;
	v39 =	vmul.f32 v56, v56;
	v23 =	vld [tilespmem:$0x1FF60]  }
0x328: {  	v59 =	vadd.f32 v8, v60;
	v8 =	vadd.f32 v16, v10;
	v61 =	vmul.f32 v62, v62  }
0x329: {  	v32 =	vld [tilespmem:$0x1FF70];
	v55 =	vadd.f32 v36, v39;
	v63 =	vadd.f32 v53, v44  }
0x32a: {  	v53 =	vadd.f32 v5, v19;
	v5 =	vadd.f32 v61, v8;
	v8 =	vmul.f32 v59, v59  }
0x32b: {  	v16 =	vadd.f32 v54, v55  }
0x32c: {  	v55 =	vadd.f32 v2, v23;
	v31 =	vadd.f32 v8, v5;
	v5 =	vmul.f32 v53, v53;
	_ =	sdelay $0x1  }
0x32d: {  	v61 =	vadd.f32 v4, v32;
	v2 =	vadd.f32 v5, v31;
	v5 =	vmul.f32 v55, v55;
	_ =	sdelay $0x1  }
0x32e: {  	v2 =	vadd.f32 v5, v2;
	v5 =	vmul.f32 v61, v61;
	_ =	sdelay $0x1  }
0x32f: {  	v2 =	vadd.f32 v5, v2  }
0x330: {  	s1 =	smul.f32 s12, s20  }
0x331: {  	(xrf2) =	vadd.scan.msk.f32 $0xffff, v2  }
0x332: {  	s15 =	smul.f32 s1, s14;
	_ =	sdelay $0x1  }
0x333: {  	s6 =	smul.f32 s15, s1  }
0x334: {  	s10 =	smul.f32 s11, s10;
	[tilespmem:s0+$0xFFFFFF90] =	vst v1  }
0x335: {  	s6 =	ssub.f32 $1.500000000e+00, s6;
	[tilespmem:s0+$0xFFFFFFA0] =	vst v6  }
0x336: {  	s4 =	smul.f32 s10, s4;
	v13 =	vadd.f32 v3, v60;
	v44 =	vld [tilespmem:$0x1FC00];
	v17 =	vmul.f32 v63, v63  }
0x337: {  	s1 =	smul.f32 s6, s1  }
0x338: {  	s4 =	smul.f32 s4, s10;
	v22 =	vmul.f32 v13, v13;
	v3 =	vadd.f32 v17, v16  }
0x339: {  	v60 =	vadd.f32 v15, v19;
	s31 =	smul.f32 s1, s14;
	[tilespmem:s0+$0xFFFFFFF0] =	vst v0  }
0x33a: {  	s4 =	ssub.f32 $1.500000000e+00, s4;
	[tilespmem:s0+$0xFFFFFFE0] =	vst v7;
	v54 =	vadd.f32 v20, v23;
	v3 =	vadd.f32 v22, v3;
	v2, _, _ =	vpop (xrf2)  }
0x33b: {  	v11 =	vld [tilespmem:$0x1FC10];
	s12 =	smul.f32 s31, s1;
	v8 =	vmul.f32 v60, v60;
	s19 =	spop (v2sf);
	(v2sf) =	vpush v2, $0xF;
	v2 =	vmul.f32 v9, v44  }
0x33c: {  	s4 =	smul.f32 s4, s10  }
0x33d: {  	v10 =	vadd.f32 v14, v32;
	s12 =	ssub.f32 $1.500000000e+00, s12;
	v4 =	vmul.f32 v54, v54;
	v3 =	vadd.f32 v8, v3;
	[tilespmem:s0+$0xFFFFFFD0] =	vst v2  }
0x33e: {  	v39 =	vmul.f32 s4, v25;
	v2 =	vld [tilespmem:$0x1FC70]  }
0x33f: {  	s1 =	smul.f32 s12, s1;
	v3 =	vadd.f32 v4, v3;
	v4 =	vmul.f32 v10, v10  }
0x340: {  	v1 =	vmul.f32 v39, v11  }
0x341: {  	v3 =	vadd.f32 v4, v3;
	v9 =	vmul.f32 s1, v28  }
0x342: {  	v4 =	vld [tilespmem:$0x1FFC0];
	[tilespmem:s2+$0xFFFFFF80] =	vst v1  }
0x343: {  	(xrf2) =	vadd.scan.msk.f32 $0xffff, v3;
	v1 =	vld [tilespmem:$0x1FC90];
	v0 =	vmul.f32 v9, v2;
	_ =	sdelay $0x1  }
0x344: {  	s6 =	smul.f32 $7.812500000e-03, s19;
	s20 =	spop (v2sf);
	[tilespmem:s2+$0x20] =	vst v0  }
0x345: {  	v12 =	vmul.f32 s1, v33;
	s11 =	smul.f32 $7.812500000e-03, s20;
	v5 =	vld [tilespmem:$0x1FC40]  }
0x346: {  	s6 =	sadd.f32 $9.999999970e-07, s6;
	v0 =	vld [tilespmem:$0x1FCA0]  }
0x347: {  	s11 =	sadd.f32 $9.999999970e-07, s11;
	v1 =	vmul.f32 v12, v1  }
0x348: {  	v15 =	vmul.f32 s1, v26;
	s13 =	sshrl.u32 s6, $0x1;
	s6 =	smul.f32 $5.000000000e-01, s6  }
0x349: {  	s13 =	ssub.s32 $0x5F3759DF, s13;
	s19 =	sshrl.u32 s11, $0x1;
	s15 =	smul.f32 $5.000000000e-01, s11;
	v14 =	vmul.f32 s1, v4;
	[tilespmem:s2+$0x30] =	vst v1  }
0x34a: {  	s20 =	smul.f32 s13, s6;
	s14 =	ssub.s32 $0x5F3759DF, s19;
	v3 =	vmul.f32 v15, v5;
	v5 =	vld [tilespmem:$0x1FC50]  }
0x34b: {  	s19 =	smul.f32 s14, s15;
	v0 =	vmul.f32 v14, v0  }
0x34c: {  	s11 =	smul.f32 s13, s20;
	v36, _, _ =	vpop (xrf2)  }
0x34d: {  	v16 =	vmul.f32 s1, v25;
	s19 =	smul.f32 s14, s19;
	(v2sf) =	vpush v36, $0xF;
	[tilespmem:s2+$0x40] =	vst v0  }
0x34e: {  	s11 =	ssub.f32 $1.500000000e+00, s11;
	v6 =	vld [tilespmem:$0x1FFE0];
	[tilespmem:s2+$0x10] =	vst v3  }
0x34f: {  	s19 =	ssub.f32 $1.500000000e+00, s19;
	v3 =	vld [tilespmem:$0x1FC60];
	v2 =	vmul.f32 v16, v5  }
0x350: {  	s11 =	smul.f32 s13, s11;
	v7 =	vld [tilespmem:$0x1FFF0]  }
0x351: {  	s13 =	smul.f32 s14, s19;
	[tilespmem:s2+$0x0] =	vst v2  }
0x352: {  	s31 =	smul.f32 s11, s6;
	v17 =	vmul.f32 s4, v4;
	v8 =	vld [tilespmem:$0x1FCD0]  }
0x353: {  	s19 =	smul.f32 s13, s15  }
0x354: {  	s14 =	smul.f32 s31, s11;
	v1 =	vmul.f32 v17, v3  }
0x355: {  	s19 =	smul.f32 s19, s13;
	v5 =	vld [tilespmem:$0x1FFD0];
	v20 =	vmul.f32 s1, v7  }
0x356: {  	s20 =	ssub.f32 $1.500000000e+00, s14;
	[tilespmem:s2+$0xFFFFFFC0] =	vst v1  }
0x357: {  	s31 =	ssub.f32 $1.500000000e+00, s19;
	v19 =	vmul.f32 s1, v6;
	v3 =	vmul.f32 v20, v8;
	v8 =	vld [tilespmem:$0x1FCC0]  }
0x358: {  	s14 =	smul.f32 s20, s11  }
0x359: {  	s11 =	smul.f32 s31, s13;
	v0 =	vmul.f32 v19, v37  }
0x35a: {  	s6 =	smul.f32 s14, s6;
	v22 =	vmul.f32 s1, v5  }
0x35b: {  	s10 =	smul.f32 s11, s15;
	s19 =	spop (v2sf);
	[tilespmem:s2+$0x60] =	vst v0  }
0x35c: {  	s12 =	smul.f32 $7.812500000e-03, s19;
	s20 =	spop (v2sf);
	v2 =	vmul.f32 v22, v8;
	v8 =	vld [tilespmem:$0x1FC30]  }
0x35d: {  	s31 =	smul.f32 $7.812500000e-03, s20  }
0x35e: {  	s13 =	smul.f32 s6, s14;
	s15 =	sadd.f32 $9.999999970e-07, s12  }
0x35f: {  	v23 =	vmul.f32 s4, v33;
	s12 =	smul.f32 s10, s11;
	s0 =	sadd.f32 $9.999999970e-07, s31;
	[tilespmem:s2+$0x70] =	vst v3  }
0x360: {  	s13 =	ssub.f32 $1.500000000e+00, s13;
	s6 =	smul.f32 $5.000000000e-01, s15;
	[tilespmem:s2+$0x50] =	vst v2  }
0x361: {  	s19 =	sshrl.u32 s15, $0x1;
	s10 =	smul.f32 $5.000000000e-01, s0;
	v1 =	vmul.f32 v23, v8;
	v8 =	vld [tilespmem:$0x1FC20]  }
0x362: {  	s15 =	ssub.s32 $0x5F3759DF, s19;
	s20 =	sshrl.u32 s0, $0x1;
	s0 =	smul.f32 s13, s14  }
0x363: {  	s31 =	smul.f32 s15, s6;
	s19 =	ssub.s32 $0x5F3759DF, s20  }
0x364: {  	v32 =	vmul.f32 s4, v28;
	s12 =	ssub.f32 $1.500000000e+00, s12;
	s20 =	smul.f32 s19, s10  }
0x365: {  	v31 =	vmul.f32 s4, v26;
	s31 =	smul.f32 s15, s31;
	[tilespmem:s2+$0xFFFFFFB0] =	vst v1  }
0x366: {  	s11 =	smul.f32 s12, s11;
	v3 =	vmul.f32 v32, v8;
	v8 =	vld [tilespmem:$0x1FCB0]  }
0x367: {  	s1 =	smul.f32 s19, s20;
	s20 =	ssub.f32 $1.500000000e+00, s31;
	v0 =	vmul.f32 v31, v35  }
0x368: {  	v39 =	vmul.f32 s0, v25;
	v36 =	vmul.f32 s4, v6  }
0x369: {  	v44 =	vmul.f32 s11, v28;
	v35 =	vmul.f32 s4, v7;
	s31 =	smul.f32 s15, s20;
	[tilespmem:s2+$0xFFFFFF90] =	vst v0  }
0x36a: {  	v11 =	vmul.f32 s11, v33;
	s1 =	ssub.f32 $1.500000000e+00, s1;
	v1 =	vmul.f32 v36, v24;
	[tilespmem:s2+$0xFFFFFFA0] =	vst v3  }
0x36b: {  	v9 =	vmul.f32 v39, v51;
	s14 =	smul.f32 s31, s6;
	v2 =	vmul.f32 v35, v8;
	v8 =	vld [tilespmem:$0x1FC80]  }
0x36c: {  	v14 =	vmul.f32 s11, v4;
	v12 =	vmul.f32 v44, v34;
	s1 =	smul.f32 s19, s1;
	[tilespmem:s2+$0xFFFFFFE0] =	vst v1  }
0x36d: {  	v15 =	vmul.f32 v11, v47;
	v37 =	vmul.f32 s4, v5;
	s4 =	smul.f32 s14, s31;
	[tilespmem:s3+$0xFFFFFF80] =	vst v9  }
0x36e: {  	v17 =	vmul.f32 v14, v48;
	s15 =	smul.f32 s1, s10;
	[tilespmem:s3+$0x20] =	vst v12  }
0x36f: {  	v16 =	vmul.f32 s11, v26;
	s4 =	ssub.f32 $1.500000000e+00, s4;
	[tilespmem:s3+$0x30] =	vst v15  }
0x370: {  	v20 =	vmul.f32 s0, v4;
	s19 =	smul.f32 s15, s1;
	[tilespmem:s3+$0x40] =	vst v17;
	v0 =	vmul.f32 v37, v8  }
0x371: {  	v19 =	vmul.f32 s11, v25;
	s4 =	smul.f32 s4, s31;
	v3 =	vmul.f32 v16, v45;
	[tilespmem:s2+$0xFFFFFFF0] =	vst v2  }
0x372: {  	v1 =	vmul.f32 v20, v43;
	[tilespmem:s2+$0xFFFFFFD0] =	vst v0;
	s2 =	ssub.f32 $1.500000000e+00, s19  }
0x373: {  	v23 =	vmul.f32 s11, v7;
	s20 =	smul.f32 s4, s6;
	[tilespmem:s3+$0x10] =	vst v3;
	v2 =	vmul.f32 v19, v46  }
0x374: {  	v32 =	vmul.f32 s0, v33;
	[tilespmem:s3+$0xFFFFFFC0] =	vst v1;
	s1 =	smul.f32 s2, s1  }
0x375: {  	v22 =	vmul.f32 s11, v6;
	v3 =	vmul.f32 v23, v52;
	[tilespmem:s3+$0x0] =	vst v2;
	s2 =	smul.f32 s20, s4  }
0x376: {  	v35 =	vmul.f32 s0, v28;
	v1 =	vmul.f32 v32, v40;
	v8 =	vld [tilespmem:$0x1FCF0];
	s31 =	smul.f32 s1, s10  }
0x377: {  	v37 =	vmul.f32 s0, v6;
	v0 =	vmul.f32 v22, v50;
	[tilespmem:s3+$0x70] =	vst v3  }
0x378: {  	v34 =	vmul.f32 s0, v26;
	v3 =	vmul.f32 v35, v30;
	[tilespmem:s3+$0xFFFFFFB0] =	vst v1;
	s2 =	ssub.f32 $1.500000000e+00, s2;
	s6 =	smul.f32 s31, s1  }
0x379: {  	v31 =	vmul.f32 s11, v5;
	v1 =	vmul.f32 v37, v41;
	[tilespmem:s3+$0x60] =	vst v0  }
0x37a: {  	v39 =	vmul.f32 s0, v5;
	v0 =	vmul.f32 v34, v29;
	[tilespmem:s3+$0xFFFFFFA0] =	vst v3;
	s2 =	smul.f32 s2, s4;
	s6 =	ssub.f32 $1.500000000e+00, s6  }
0x37b: {  	v36 =	vmul.f32 s0, v7;
	[tilespmem:s3+$0xFFFFFFE0] =	vst v1;
	v2 =	vmul.f32 v31, v8  }
0x37c: {  	[tilespmem:s3+$0xFFFFFF90] =	vst v0;
	v0 =	vmul.f32 v39, v38;
	v40 =	vmul.f32 s2, v25;
	s6 =	smul.f32 s6, s1  }
0x37d: {  	[tilespmem:s3+$0x50] =	vst v2;
	v2 =	vmul.f32 v36, v42;
	v50 =	vmul.f32 s2, v4  }
0x37e: {  	[tilespmem:s3+$0xFFFFFFD0] =	vst v0;
	v42 =	vmul.f32 v40, v58;
	v41 =	vmul.f32 s6, v28  }
0x37f: {  	s10 =	sadd.s32 $0x100, s3;
	[tilespmem:s3+$0xFFFFFFF0] =	vst v2;
	v1 =	vmul.f32 v50, v59;
	v43 =	vmul.f32 s6, v33  }
0x380: {  	v45 =	vmul.f32 s6, v4;
	[tilespmem:s10+$0xFFFFFF80] =	vst v42;
	v44 =	vmul.f32 v41, v49  }
0x381: {  	v47 =	vmul.f32 s6, v26;
	[tilespmem:s10+$0xFFFFFFC0] =	vst v1;
	v46 =	vmul.f32 v43, v63  }
0x382: {  	v51 =	vmul.f32 s6, v6;
	v48 =	vmul.f32 v45, v13;
	[tilespmem:s10+$0x20] =	vst v44  }
0x383: {  	v49 =	vmul.f32 s6, v25;
	v3 =	vmul.f32 v47, v57;
	[tilespmem:s10+$0x30] =	vst v46  }
0x384: {  	v52 =	vmul.f32 s6, v7;
	v0 =	vmul.f32 v51, v54;
	[tilespmem:s10+$0x40] =	vst v48  }
0x385: {  	v57 =	vmul.f32 s2, v33;
	v2 =	vmul.f32 v49, v56;
	[tilespmem:s10+$0x10] =	vst v3  }
0x386: {  	v58 =	vmul.f32 s2, v26;
	v3 =	vmul.f32 v52, v10;
	[tilespmem:s10+$0x60] =	vst v0  }
0x387: {  	v56 =	vmul.f32 s6, v5;
	v1 =	vmul.f32 v57, v62;
	[tilespmem:s10+$0x0] =	vst v2  }
0x388: {  	v59 =	vmul.f32 s2, v28;
	v0 =	vmul.f32 v58, v21;
	[tilespmem:s10+$0x70] =	vst v3  }
0x389: {  	v62 =	vmul.f32 s2, v6;
	v2 =	vmul.f32 v56, v60;
	[tilespmem:s10+$0xFFFFFFB0] =	vst v1  }
0x38a: {  	v63 =	vmul.f32 s2, v5;
	v3 =	vmul.f32 v59, v18;
	[tilespmem:s10+$0xFFFFFF90] =	vst v0  }
0x38b: {  	v60 =	vmul.f32 s2, v7;
	v1 =	vmul.f32 v62, v55;
	[tilespmem:s10+$0x50] =	vst v2  }
0x38c: {  	s11 =	sshll.u32 s30, $0xE;
	v0 =	vmul.f32 v63, v53;
	[tilespmem:s10+$0xFFFFFFA0] =	vst v3  }
0x38d: {  	s12 =	sadd.s32 s18, s11;
	v2 =	vmul.f32 v60, v61;
	[tilespmem:s10+$0xFFFFFFE0] =	vst v1  }
0x38e: {  	s2 =	sshrl.u32 s12, $0x3;
	[tilespmem:s10+$0xFFFFFFD0] =	vst v0  }
0x38f: {  	s14 =	simm.s32 $0x16D80;
	s13 =	sadd.s32 s9, s2;
	[tilespmem:s10+$0xFFFFFFF0] =	vst v2  }
0x390: {  	[hbm4b:s13+s16] =	stream.strided.scatter [tilespmem:s14], [sflag:$0x2], $0x800, s17, s16, $0x38;
	[tilespmem:$0x18E00] =	vst v63  }
0x391: {  	s15 =	rddreg [dreg:$0x12]  }
0x392: {  	s1 =	sadd.s32 s15, s11  }
0x393: {  	s7 =	sadd.s32 $0x1, s7;
	s1 =	sshrl.u32 s1, $0x3  }
0x394: {  	s19 =	simm.s32 $0x17580;
	s20 =	rddreg [dreg:$0x13];
	s1 =	sadd.s32 s9, s1  }
0x395: {  	[hbm4b:s1+s16] =	stream.strided.scatter [tilespmem:s19], [sflag:$0x2], $0x800, s17, s16, $0x38;
	[tilespmem:$0x18E00] =	vst v63  }
0x396: {  	p0 =	seq.s32 s7, $0xC;
	s1 =	sadd.s32 s20, s11  }
.Ltmp3:
0x397: {  	s0 =	sadd.s32 s8, s11;
	s1 =	sshrl.u32 s1, $0x3;
	(pc) =	sbr.rel @!p0 .LBB2_6-.Ltmp3, $4  }
0x398: {  	s30 =	simm.s32 $0x17D80;
	s0 =	sshrl.u32 s0, $0x3;
	s1 =	sadd.s32 s9, s1  }
0x399: {  	[hbm4b:s1+s16] =	stream.strided.scatter [tilespmem:s30], [sflag:$0x2], $0x800, s17, s16, $0x38;
	[tilespmem:$0x18E00] =	vst v63  }
0x39a: {  	s0 =	sadd.s32 s9, s0;
	s31 =	simm.s32 $0x18580  }
0x39b: {  	v51 =	vmov v4;
	[hbm4b:s0+s16] =	stream.strided.scatter [tilespmem:s31], [sflag:$0x2], $0x800, s17, s16, $0x38;
	[tilespmem:$0x18E00] =	vst v63  }
0x39c: {  	s0 =	rddreg [dreg:$0xc]  }
0x39d: {  	p0 =	sgt.u32 s0, $0xB  }
.Ltmp4:
0x39e: {  	_ = 	snop;
	(pc) =	sbr.rel @!p0 .LBB2_3-.Ltmp4, $1  }
0x39f: {  	_ =	sdelay $0x3  }
0x3a0: {  	s0 =	simm.s32 $0x1  }
0x3a1: {  	_ =	swait.ge [sflag:s0], $0x800  }
0x3a2: {  	[sflag:s0] =	ssyncset.done $0x0  }
0x3a3: {  	s1 =	simm.s32 $0x2;
	[sflag:s0] =	ssyncadd.s32 $0xFFFFF800  }
0x3a4: {  	_ =	swait.ge [sflag:s1], $0x800  }
0x3a5: {  	[sflag:s1] =	ssyncset.done $0x0  }
0x3a6: {  	[sflag:s1] =	ssyncadd.s32 $0xFFFFF800  }
0x3a7: {  	_ =	swait.ge [sflag:s0], $0x800  }
0x3a8: {  	[sflag:s0] =	ssyncset.done $0x0  }
0x3a9: {  	[sflag:s0] =	ssyncadd.s32 $0xFFFFF800  }
0x3aa: {  	_ =	swait.ge [sflag:s1], $0x800  }
0x3ab: {  	[sflag:s1] =	ssyncset.done $0x0  }
0x3ac: {  	[sflag:s1] =	ssyncadd.s32 $0xFFFFF800  }
0x3ad: {  	_ =	swait.ge [sflag:s0], $0x800  }
0x3ae: {  	[sflag:s0] =	ssyncset.done $0x0  }
0x3af: {  	[sflag:s0] =	ssyncadd.s32 $0xFFFFF800  }
0x3b0: {  	_ =	swait.ge [sflag:s1], $0x800  }
0x3b1: {  	[sflag:s1] =	ssyncset.done $0x0  }
0x3b2: {  	[sflag:s1] =	ssyncadd.s32 $0xFFFFF800  }
0x3b3: {  	_ =	swait.ge [sflag:s0], $0x800  }
0x3b4: {  	[sflag:s0] =	ssyncset.done $0x0  }
0x3b5: {  	[sflag:s0] =	ssyncadd.s32 $0xFFFFF800  }
0x3b6: {  	_ =	swait.ge [sflag:s1], $0x800  }
0x3b7: {  	s2 =	rddreg [dreg:$0xb]  }
0x3b8: {  	s31 =	rddreg [dreg:$0xa];
	s2 =	sadd.s32 $0x1, s2  }
0x3b9: {  	p0 =	sne.s32 s2, s31  }
.Ltmp5:
0x3ba: {  	_ = 	snop;
	(pc) =	sbr.rel @p0 .LBB2_1-.Ltmp5, $3  }
0x3bb: {  	_ =	sdelay $0x1  }
0x3bc: {  	[sflag:s1] =	ssyncset.done $0x0  }
0x3bd: {  	[sflag:s1] =	ssyncadd.s32 $0xFFFFF800  }
0x3be: {  	_ =	sfence.sel $0x180000  }
0x3bf: {  	[bflag:$0x0] =	sbarrier.arrive $0xFFFF  }
0x3c0: {  	_ =	strace $0x90000047  }
0x3c1: {  	s0 =	stileid.u32;
	[bflag:$0x2] =	sbarrier.arrive $0xFFFF  }
0x3c2: {  	p0 =	sne.s32 s0, $0x0;
	s0 =	rddreg [dreg:$0x4]  }
0x3c3: {  	s0 =	sadd.s32 @!p0 $0x100000, s0  }
0x3c4: {  	[sflag:s0] =	ssyncadd.tile.s32 @!p0 $0x1;
	_ =	shalt  }
.Lfunc_end2:
_tile_overlayer_lowered:
.L_overlay_start_2:
0x3c5: {  	(tag) =	ssettag $0x2  }
0x3c6: {  	s0 =	rddreg [dreg:$0x0];
	s2 =	stileid.u32  }
0x3c7: {  	s1 =	rddreg [dreg:$0x1];
	p0 =	sne.s32 s2, $0x0  }
0x3c8: {  	s3 =	rddreg [dreg:$0x2];
	[bflag:$0x3] =	sbarrier.arrive $0xFFFF;
	s2 =	simm.s32 @!p0 $0x1C04  }
0x3c9: {  	[timem:s3], [sflag:s2] =	dma.local @!p0 [hbm:s0], s1  }
0x3ca: {  	s0 =	simm.s32 @!p0 $0x4  }
0x3cb: {  	_ =	swait.ge @!p0 [sflag:s0], s1  }
0x3cc: {  	s1 =	ssub.s32 @!p0 $0x0, s1;
	[sflag:s0] =	ssyncset.done @!p0 $0x0  }
0x3cd: {  	[sflag:s0] =	ssyncadd.s32 @!p0 s1  }
0x3ce: {  	[bflag:$0x3] =	sbarrier.arrive $0xFFFF  }
0x3cf: {  	_ =	shalt  }

</sc_bundles>
